<compile_context>
chip_gen: v7x
topology: tpu7x:2x2x1
jax: 0.10.2.dev20260603
libtpu: 0.0.44.dev20260713+nightly
codegen_flags: <defaults>
</compile_context>

<pallas_src>
import jax
import jax.numpy as jnp
from jax import lax
from jax.experimental import pallas as pl
from jax.experimental.pallas import tpu as pltpu
from jax.experimental.pallas import tpu_sc as plsc

NC = 2
NS = 16
NW = NC * NS
L = 16

N = 100000
K = 16
IN_DIM = 28
EMB_DIM = 128
W = K + 1

C = 112
NCH = 28
B_PER_W = C * NCH
LAST_BASE = N - C
R = 4


def _body(x_hbm, table_hbm, out_hbm, table_s, t_in, t_out,
          x_v0, x_v1, x_v2, x_v3, idx_v0, idx_v1, idx_v2, idx_v3,
          out_v0, out_v1, out_v2, out_v3,
          sx0, sx1, sx2, sx3, sg0, sg1, sg2, sg3, sw0, sw1, sw2, sw3):
    s = lax.axis_index("s")
    c = lax.axis_index("c")
    base = (s * NC + c) * B_PER_W
    lane = lax.iota(jnp.int32, L)
    xv = [x_v0, x_v1, x_v2, x_v3]
    iv = [idx_v0, idx_v1, idx_v2, idx_v3]
    ov = [out_v0, out_v1, out_v2, out_v3]
    sx = [sx0, sx1, sx2, sx3]
    sg = [sg0, sg1, sg2, sg3]
    sw = [sw0, sw1, sw2, sw3]

    def row0(i):
        return jnp.minimum(base + i * C, LAST_BASE)

    def x_copy(i, b):
        return pltpu.make_async_copy(x_hbm.at[pl.ds(row0(i), C)], xv[b], sx[b])

    def g_copy(b):
        return pltpu.make_async_copy(table_s.at[iv[b]], ov[b], sg[b])

    def w_copy(i, b):
        return pltpu.make_async_copy(ov[b], out_hbm.at[pl.ds(row0(i), C)], sw[b])

    def extract(b):
        def idx_grp(g, _):
            rows = lane + g * L
            vals = plsc.load_gather(xv[b], [rows, jnp.full((L,), K, jnp.int32)])
            iv[b][pl.ds(g * L, L)] = vals.astype(jnp.int32)
            return 0

        lax.fori_loop(0, C // L, idx_grp, 0, unroll=True)

    def struct(b):
        def struct_row(r, _):
            ov[b][r, pl.ds(0, K)] = xv[b][r, pl.ds(0, K)]
            return 0

        lax.fori_loop(0, C, struct_row, 0, unroll=8)

    for i in range(R):
        x_copy(i, i).start()

    @pl.when(s == 0)
    def _():
        pltpu.sync_copy(table_hbm, t_in)
        zeros = jnp.zeros((L,), jnp.float32)

        def pad_row(r, _):
            t_out[r, pl.ds(0, K)] = zeros
            for cc in range(0, EMB_DIM - K, L):
                t_out[r, pl.ds(K + cc, L)] = t_in[r, pl.ds(cc, L)]
            return 0

        lax.fori_loop(0, IN_DIM, pad_row, 0)
        pltpu.sync_copy(t_out, table_s)

    plsc.subcore_barrier()
    x_copy(0, 0).wait()
    extract(0)
    g_copy(0).start()
    x_copy(1, 1).wait()
    extract(1)
    g_copy(1).start()

    def body(i, j, with_wb_wait):
        b2 = (j + 2) % R
        b = j % R
        x_copy(i + 2, b2).wait()
        extract(b2)
        if with_wb_wait:
            w_copy(i - 2, b2).wait()
        g_copy(b2).start()
        g_copy(b).wait()
        struct(b)
        w_copy(i, b).start()
        x_copy(i + R, b).start()

    for i in range(2):
        body(i, i, with_wb_wait=False)

    def quad(q, _):
        for j in range(R):
            body(q * R + 2 + j, (2 + j) % R, with_wb_wait=True)
        return 0

    lax.fori_loop(0, (NCH - R) // R, quad, 0)

    for i in range(NCH - 2, NCH):
        b = i % R
        g_copy(b).wait()
        struct(b)
        w_copy(i, b).start()
    for i in range(NCH - R, NCH):
        w_copy(i, i % R).wait()
    for i in range(NCH, NCH + 2):
        x_copy(i, i % R).wait()


@jax.jit
def _run(x, table):
    mesh = plsc.VectorSubcoreMesh(
        core_axis_name="c", subcore_axis_name="s", num_cores=NC, num_subcores=NS
    )
    return pl.kernel(
        _body,
        out_type=jax.ShapeDtypeStruct((N, EMB_DIM), jnp.float32),
        mesh=mesh,
        compiler_params=pltpu.CompilerParams(needs_layout_passes=False),
        scratch_types=[
            pltpu.VMEM_SHARED((IN_DIM, EMB_DIM), jnp.float32),
            pltpu.VMEM((IN_DIM, EMB_DIM - K), jnp.float32),
            pltpu.VMEM((IN_DIM, EMB_DIM), jnp.float32),
        ]
        + [pltpu.VMEM((C, W), jnp.float32)] * 4
        + [pltpu.VMEM((C,), jnp.int32)] * 4
        + [pltpu.VMEM((C, EMB_DIM), jnp.float32)] * 4
        + [pltpu.SemaphoreType.DMA] * 12,
    )(x, table)


def kernel(x, table):
    return _run(x, table)

# --- scband reference (transcript-rebuilt; emitter-appended) ---
"""Pipeline reference for scband-zinc-atom-encoder-36283883716959 (READ-ONLY COPY).

The authoritative reference and input builder live on the scoring server;
editing this copy changes nothing except your own understanding.
"""

import jax, jax.numpy as jnp
import numpy as np

N = 100000
IN_DIM = 28
EMB_DIM = 128
K = 16

def setup_inputs(seed: int = 0) -> dict:
    key = jax.random.key(seed)
    k1, k2 = jax.random.split(key)
    # x: first K columns are float structural encodings (integer-valued here is fine),
    # last column is the atom-type index in [0, IN_DIM).
    x = jax.random.randint(k1, (N, K + 1), 0, IN_DIM).astype(jnp.float32)
    # Embedding table: nn.Embedding(in_dim, emb_dim - k) -> [28, 112]
    table = jax.random.normal(k2, (IN_DIM, EMB_DIM - K), dtype=jnp.float32)
    return {"x": x, "table": table}

def reference(x, table):
    # torch: torch.hstack((x[:, :k], enc(x[:, k:].long().squeeze())))
    idx = x[:, K:].astype(jnp.int32).squeeze()
    emb = jnp.take(table, idx, axis=0)
    return jnp.hstack((x[:, :K], emb))

if __name__ == "__main__":
    import jax
    _d = setup_inputs()
    print(jax.jit(kernel)(*tuple(_d.values())))

</pallas_src>

<mosaic_0001>
#map = affine_map<(d0, d1) -> (0, 0)>
module attributes {stable_mosaic.version = 14 : i64} {
  func.func @_body(%arg0: i32, %arg1: i32, %arg2: memref<100000x17xf32, #tpu.memory_space<hbm>>, %arg3: memref<28x112xf32, #tpu.memory_space<hbm>>, %arg4: memref<100000x128xf32, #tpu.memory_space<hbm>>, %arg5: memref<28x128xf32, #tpu.memory_space<vmem_shared>>, %arg6: memref<28x112xf32, #tpu.memory_space<vmem>>, %arg7: memref<28x128xf32, #tpu.memory_space<vmem>>, %arg8: memref<112x17xf32, #tpu.memory_space<vmem>>, %arg9: memref<112x17xf32, #tpu.memory_space<vmem>>, %arg10: memref<112x17xf32, #tpu.memory_space<vmem>>, %arg11: memref<112x17xf32, #tpu.memory_space<vmem>>, %arg12: memref<112xi32, #tpu.memory_space<vmem>>, %arg13: memref<112xi32, #tpu.memory_space<vmem>>, %arg14: memref<112xi32, #tpu.memory_space<vmem>>, %arg15: memref<112xi32, #tpu.memory_space<vmem>>, %arg16: memref<112x128xf32, #tpu.memory_space<vmem>>, %arg17: memref<112x128xf32, #tpu.memory_space<vmem>>, %arg18: memref<112x128xf32, #tpu.memory_space<vmem>>, %arg19: memref<112x128xf32, #tpu.memory_space<vmem>>, %arg20: memref<!tpu.dma_semaphore, #tpu.memory_space<semaphore_mem>>, %arg21: memref<!tpu.dma_semaphore, #tpu.memory_space<semaphore_mem>>, %arg22: memref<!tpu.dma_semaphore, #tpu.memory_space<semaphore_mem>>, %arg23: memref<!tpu.dma_semaphore, #tpu.memory_space<semaphore_mem>>, %arg24: memref<!tpu.dma_semaphore, #tpu.memory_space<semaphore_mem>>, %arg25: memref<!tpu.dma_semaphore, #tpu.memory_space<semaphore_mem>>, %arg26: memref<!tpu.dma_semaphore, #tpu.memory_space<semaphore_mem>>, %arg27: memref<!tpu.dma_semaphore, #tpu.memory_space<semaphore_mem>>, %arg28: memref<!tpu.dma_semaphore, #tpu.memory_space<semaphore_mem>>, %arg29: memref<!tpu.dma_semaphore, #tpu.memory_space<semaphore_mem>>, %arg30: memref<!tpu.dma_semaphore, #tpu.memory_space<semaphore_mem>>, %arg31: memref<!tpu.dma_semaphore, #tpu.memory_space<semaphore_mem>>) attributes {dimension_semantics = [#tpu.dimension_semantics<core_parallel>, #tpu.dimension_semantics<subcore_parallel>], iteration_bounds = array<i64: 2, 16>, scalar_prefetch = 0 : i64, scratch_operands = 27 : i64, tpu.core_type = #tpu.core_type<sc_vector_subcore>, window_params = [{transform_indices = #map}, {transform_indices = #map}, {transform_indices = #map}]} {
    %mul3A = arith.constant 2 : i32
    %mul3A_0 = arith.muli %arg1, %mul3A : i32
    %add3A = arith.addi %mul3A_0, %arg0 : i32
    %mul3A_1 = arith.constant 3136 : i32
    %mul3A_2 = arith.muli %add3A, %mul3A_1 : i32
    %iota3A = tpu.iota {dimensions = array<i32: 0>} : vector<16xi32>
    %add3A_3 = arith.constant 0 : i32
    %add3A_4 = arith.addi %mul3A_2, %add3A_3 : i32
    %min3A = arith.constant 99888 : i32
    %min3A_5 = arith.minsi %add3A_4, %min3A : i32
    %dma_start3A = arith.constant 0 : i32
    %dma_start3A_6 = tpu.memref_slice %arg2[%min3A_5, %dma_start3A] : memref<100000x17xf32, #tpu.memory_space<hbm>> -> memref<112x17xf32, #tpu.memory_space<hbm>>
    %dma_start3A_7 = arith.constant 0 : i32
    %dma_start3A_8 = tpu.memref_slice %arg2[%min3A_5, %dma_start3A_7] : memref<100000x17xf32, #tpu.memory_space<hbm>> -> memref<112x17xf32, #tpu.memory_space<hbm>>
    tpu.enqueue_dma source(%dma_start3A_8 : memref<112x17xf32, #tpu.memory_space<hbm>>) target(%arg8 : memref<112x17xf32, #tpu.memory_space<vmem>>) target_semaphore(%arg20 : memref<!tpu.dma_semaphore, #tpu.memory_space<semaphore_mem>>)
    %add3A_9 = arith.constant 112 : i32
    %add3A_10 = arith.addi %mul3A_2, %add3A_9 : i32
    %min3A_11 = arith.constant 99888 : i32
    %min3A_12 = arith.minsi %add3A_10, %min3A_11 : i32
    %dma_start3A_13 = arith.constant 0 : i32
    %dma_start3A_14 = tpu.memref_slice %arg2[%min3A_12, %dma_start3A_13] : memref<100000x17xf32, #tpu.memory_space<hbm>> -> memref<112x17xf32, #tpu.memory_space<hbm>>
    %dma_start3A_15 = arith.constant 0 : i32
    %dma_start3A_16 = tpu.memref_slice %arg2[%min3A_12, %dma_start3A_15] : memref<100000x17xf32, #tpu.memory_space<hbm>> -> memref<112x17xf32, #tpu.memory_space<hbm>>
    tpu.enqueue_dma source(%dma_start3A_16 : memref<112x17xf32, #tpu.memory_space<hbm>>) target(%arg9 : memref<112x17xf32, #tpu.memory_space<vmem>>) target_semaphore(%arg21 : memref<!tpu.dma_semaphore, #tpu.memory_space<semaphore_mem>>)
    %add3A_17 = arith.constant 224 : i32
    %add3A_18 = arith.addi %mul3A_2, %add3A_17 : i32
    %min3A_19 = arith.constant 99888 : i32
    %min3A_20 = arith.minsi %add3A_18, %min3A_19 : i32
    %dma_start3A_21 = arith.constant 0 : i32
    %dma_start3A_22 = tpu.memref_slice %arg2[%min3A_20, %dma_start3A_21] : memref<100000x17xf32, #tpu.memory_space<hbm>> -> memref<112x17xf32, #tpu.memory_space<hbm>>
    %dma_start3A_23 = arith.constant 0 : i32
    %dma_start3A_24 = tpu.memref_slice %arg2[%min3A_20, %dma_start3A_23] : memref<100000x17xf32, #tpu.memory_space<hbm>> -> memref<112x17xf32, #tpu.memory_space<hbm>>
    tpu.enqueue_dma source(%dma_start3A_24 : memref<112x17xf32, #tpu.memory_space<hbm>>) target(%arg10 : memref<112x17xf32, #tpu.memory_space<vmem>>) target_semaphore(%arg22 : memref<!tpu.dma_semaphore, #tpu.memory_space<semaphore_mem>>)
    %add3A_25 = arith.constant 336 : i32
    %add3A_26 = arith.addi %mul3A_2, %add3A_25 : i32
    %min3A_27 = arith.constant 99888 : i32
    %min3A_28 = arith.minsi %add3A_26, %min3A_27 : i32
    %dma_start3A_29 = arith.constant 0 : i32
    %dma_start3A_30 = tpu.memref_slice %arg2[%min3A_28, %dma_start3A_29] : memref<100000x17xf32, #tpu.memory_space<hbm>> -> memref<112x17xf32, #tpu.memory_space<hbm>>
    %dma_start3A_31 = arith.constant 0 : i32
    %dma_start3A_32 = tpu.memref_slice %arg2[%min3A_28, %dma_start3A_31] : memref<100000x17xf32, #tpu.memory_space<hbm>> -> memref<112x17xf32, #tpu.memory_space<hbm>>
    tpu.enqueue_dma source(%dma_start3A_32 : memref<112x17xf32, #tpu.memory_space<hbm>>) target(%arg11 : memref<112x17xf32, #tpu.memory_space<vmem>>) target_semaphore(%arg23 : memref<!tpu.dma_semaphore, #tpu.memory_space<semaphore_mem>>)
    %eq3A = arith.constant 0 : i32
    %eq3A_33 = arith.cmpi eq, %arg1, %eq3A : i32
    %convert_element_type3A = arith.extui %eq3A_33 : i1 to i32
    %cond3A = arith.constant 0 : i32
    %cond3A_34 = arith.cmpi ne, %convert_element_type3A, %cond3A : i32
    scf.if %cond3A_34 {
      "tpu.region"() ({
        %run_scoped3A = tpu.sem_alloc : memref<!tpu.dma_semaphore, #tpu.memory_space<semaphore_mem>>
        tpu.enqueue_dma source(%arg3 : memref<28x112xf32, #tpu.memory_space<hbm>>) target(%arg6 : memref<28x112xf32, #tpu.memory_space<vmem>>) target_semaphore(%run_scoped3A : memref<!tpu.dma_semaphore, #tpu.memory_space<semaphore_mem>>)
        tpu.wait_dma2 semaphore(%run_scoped3A : memref<!tpu.dma_semaphore, #tpu.memory_space<semaphore_mem>>) src(%arg3 : memref<28x112xf32, #tpu.memory_space<hbm>>) dst(%arg6 : memref<28x112xf32, #tpu.memory_space<vmem>>)
        tpu.yield
      }) : () -> ()
      %broadcast_in_dim3A_617 = arith.constant 0.000000e+00 : f32
      %broadcast_in_dim3A_618 = vector.broadcast %broadcast_in_dim3A_617 : f32 to vector<16xf32>
      %scan3A_619 = arith.constant 0 : i32
      %scan3A_620 = arith.constant 0 : i32
      %scan3A_621 = arith.constant 28 : i32
      %scan3A_622 = arith.addi %scan3A_620, %scan3A_621 : i32
      %scan3A_623 = arith.constant 1 : i32
      %scan3A_624 = scf.for %scan3A_626 = %scan3A_620 to %scan3A_622 step %scan3A_623 iter_args(%scan3A_627 = %scan3A_619) -> (i32)  : i32 {
        %swap3A_628 = arith.index_cast %scan3A_626 : i32 to index
        %swap3A_629 = arith.constant 0 : index
        %swap3A_630 = tpu.vector_load %arg7[%swap3A_628, %swap3A_629] {strides = array<i32>} : memref<28x128xf32, #tpu.memory_space<vmem>>, vector<16xf32>,
        tpu.vector_store %arg7[%swap3A_628, %swap3A_629], %broadcast_in_dim3A_618 {strides = array<i32>} : memref<28x128xf32, #tpu.memory_space<vmem>>, vector<16xf32>,
        %get3A = arith.index_cast %scan3A_626 : i32 to index
        %get3A_631 = arith.constant 0 : index
        %get3A_632 = tpu.vector_load %arg6[%get3A, %get3A_631] {strides = array<i32>} : memref<28x112xf32, #tpu.memory_space<vmem>>, vector<16xf32>,
        %swap3A_633 = arith.index_cast %scan3A_626 : i32 to index
        %swap3A_634 = arith.constant 16 : index
        %swap3A_635 = tpu.vector_load %arg7[%swap3A_633, %swap3A_634] {strides = array<i32>} : memref<28x128xf32, #tpu.memory_space<vmem>>, vector<16xf32>,
        tpu.vector_store %arg7[%swap3A_633, %swap3A_634], %get3A_632 {strides = array<i32>} : memref<28x128xf32, #tpu.memory_space<vmem>>, vector<16xf32>,
        %get3A_636 = arith.index_cast %scan3A_626 : i32 to index
        %get3A_637 = arith.constant 16 : index
        %get3A_638 = tpu.vector_load %arg6[%get3A_636, %get3A_637] {strides = array<i32>} : memref<28x112xf32, #tpu.memory_space<vmem>>, vector<16xf32>,
        %swap3A_639 = arith.index_cast %scan3A_626 : i32 to index
        %swap3A_640 = arith.constant 32 : index
        %swap3A_641 = tpu.vector_load %arg7[%swap3A_639, %swap3A_640] {strides = array<i32>} : memref<28x128xf32, #tpu.memory_space<vmem>>, vector<16xf32>,
        tpu.vector_store %arg7[%swap3A_639, %swap3A_640], %get3A_638 {strides = array<i32>} : memref<28x128xf32, #tpu.memory_space<vmem>>, vector<16xf32>,
        %get3A_642 = arith.index_cast %scan3A_626 : i32 to index
        %get3A_643 = arith.constant 32 : index
        %get3A_644 = tpu.vector_load %arg6[%get3A_642, %get3A_643] {strides = array<i32>} : memref<28x112xf32, #tpu.memory_space<vmem>>, vector<16xf32>,
        %swap3A_645 = arith.index_cast %scan3A_626 : i32 to index
        %swap3A_646 = arith.constant 48 : index
        %swap3A_647 = tpu.vector_load %arg7[%swap3A_645, %swap3A_646] {strides = array<i32>} : memref<28x128xf32, #tpu.memory_space<vmem>>, vector<16xf32>,
        tpu.vector_store %arg7[%swap3A_645, %swap3A_646], %get3A_644 {strides = array<i32>} : memref<28x128xf32, #tpu.memory_space<vmem>>, vector<16xf32>,
        %get3A_648 = arith.index_cast %scan3A_626 : i32 to index
        %get3A_649 = arith.constant 48 : index
        %get3A_650 = tpu.vector_load %arg6[%get3A_648, %get3A_649] {strides = array<i32>} : memref<28x112xf32, #tpu.memory_space<vmem>>, vector<16xf32>,
        %swap3A_651 = arith.index_cast %scan3A_626 : i32 to index
        %swap3A_652 = arith.constant 64 : index
        %swap3A_653 = tpu.vector_load %arg7[%swap3A_651, %swap3A_652] {strides = array<i32>} : memref<28x128xf32, #tpu.memory_space<vmem>>, vector<16xf32>,
        tpu.vector_store %arg7[%swap3A_651, %swap3A_652], %get3A_650 {strides = array<i32>} : memref<28x128xf32, #tpu.memory_space<vmem>>, vector<16xf32>,
        %get3A_654 = arith.index_cast %scan3A_626 : i32 to index
        %get3A_655 = arith.constant 64 : index
        %get3A_656 = tpu.vector_load %arg6[%get3A_654, %get3A_655] {strides = array<i32>} : memref<28x112xf32, #tpu.memory_space<vmem>>, vector<16xf32>,
        %swap3A_657 = arith.index_cast %scan3A_626 : i32 to index
        %swap3A_658 = arith.constant 80 : index
        %swap3A_659 = tpu.vector_load %arg7[%swap3A_657, %swap3A_658] {strides = array<i32>} : memref<28x128xf32, #tpu.memory_space<vmem>>, vector<16xf32>,
        tpu.vector_store %arg7[%swap3A_657, %swap3A_658], %get3A_656 {strides = array<i32>} : memref<28x128xf32, #tpu.memory_space<vmem>>, vector<16xf32>,
        %get3A_660 = arith.index_cast %scan3A_626 : i32 to index
        %get3A_661 = arith.constant 80 : index
        %get3A_662 = tpu.vector_load %arg6[%get3A_660, %get3A_661] {strides = array<i32>} : memref<28x112xf32, #tpu.memory_space<vmem>>, vector<16xf32>,
        %swap3A_663 = arith.index_cast %scan3A_626 : i32 to index
        %swap3A_664 = arith.constant 96 : index
        %swap3A_665 = tpu.vector_load %arg7[%swap3A_663, %swap3A_664] {strides = array<i32>} : memref<28x128xf32, #tpu.memory_space<vmem>>, vector<16xf32>,
        tpu.vector_store %arg7[%swap3A_663, %swap3A_664], %get3A_662 {strides = array<i32>} : memref<28x128xf32, #tpu.memory_space<vmem>>, vector<16xf32>,
        %get3A_666 = arith.index_cast %scan3A_626 : i32 to index
        %get3A_667 = arith.constant 96 : index
        %get3A_668 = tpu.vector_load %arg6[%get3A_666, %get3A_667] {strides = array<i32>} : memref<28x112xf32, #tpu.memory_space<vmem>>, vector<16xf32>,
        %swap3A_669 = arith.index_cast %scan3A_626 : i32 to index
        %swap3A_670 = arith.constant 112 : index
        %swap3A_671 = tpu.vector_load %arg7[%swap3A_669, %swap3A_670] {strides = array<i32>} : memref<28x128xf32, #tpu.memory_space<vmem>>, vector<16xf32>,
        tpu.vector_store %arg7[%swap3A_669, %swap3A_670], %get3A_668 {strides = array<i32>} : memref<28x128xf32, #tpu.memory_space<vmem>>, vector<16xf32>,
        %scan3A_672 = arith.constant 0 : i32
        scf.yield %scan3A_672 : i32
      }
      %scan3A_625 = arith.constant 28 : i32
      "tpu.region"() ({
        %run_scoped3A = tpu.sem_alloc : memref<!tpu.dma_semaphore, #tpu.memory_space<semaphore_mem>>
        tpu.enqueue_dma source(%arg7 : memref<28x128xf32, #tpu.memory_space<vmem>>) target(%arg5 : memref<28x128xf32, #tpu.memory_space<vmem_shared>>) target_semaphore(%run_scoped3A : memref<!tpu.dma_semaphore, #tpu.memory_space<semaphore_mem>>)
        tpu.wait_dma2 semaphore(%run_scoped3A : memref<!tpu.dma_semaphore, #tpu.memory_space<semaphore_mem>>) src(%arg7 : memref<28x128xf32, #tpu.memory_space<vmem>>) dst(%arg5 : memref<28x128xf32, #tpu.memory_space<vmem_shared>>)
        tpu.yield
      }) : () -> ()
    } else {
    }
    %barrier3A = arith.constant 0 : index
    tpu.barrier barrier_id(%barrier3A)
    %add3A_35 = arith.constant 0 : i32
    %add3A_36 = arith.addi %mul3A_2, %add3A_35 : i32
    %min3A_37 = arith.constant 99888 : i32
    %min3A_38 = arith.minsi %add3A_36, %min3A_37 : i32
    %dma_wait3A = arith.constant 0 : i32
    %dma_wait3A_39 = tpu.memref_slice %arg2[%min3A_38, %dma_wait3A] : memref<100000x17xf32, #tpu.memory_space<hbm>> -> memref<112x17xf32, #tpu.memory_space<hbm>>
    %dma_wait3A_40 = arith.constant 0 : i32
    %dma_wait3A_41 = tpu.memref_slice %arg2[%min3A_38, %dma_wait3A_40] : memref<100000x17xf32, #tpu.memory_space<hbm>> -> memref<112x17xf32, #tpu.memory_space<hbm>>
    tpu.wait_dma2 semaphore(%arg20 : memref<!tpu.dma_semaphore, #tpu.memory_space<semaphore_mem>>) src(%dma_wait3A_41 : memref<112x17xf32, #tpu.memory_space<hbm>>) dst(%arg8 : memref<112x17xf32, #tpu.memory_space<vmem>>)
    %scan3A = arith.constant 0 : i32
    %scan3A_42 = arith.constant 0 : i32
    %mul3A_43 = arith.constant 16 : i32
    %mul3A_44 = arith.muli %scan3A_42, %mul3A_43 : i32
    %add3A_45 = vector.broadcast %mul3A_44 : i32 to vector<16xi32>
    %add3A_46 = arith.addi %iota3A, %add3A_45 : vector<16xi32>
    %broadcast_in_dim3A = arith.constant 16 : i32
    %broadcast_in_dim3A_47 = vector.broadcast %broadcast_in_dim3A : i32 to vector<16xi32>
    %gather3A = tpu.vector_load_idx %arg8[%add3A_46, %broadcast_in_dim3A_47] : memref<112x17xf32, #tpu.memory_space<vmem>>[vector<16xi32>, vector<16xi32>], vector<16xf32>,
    %convert_element_type3A_48 = arith.fptosi %gather3A : vector<16xf32> to vector<16xi32>
    %mul3A_49 = arith.constant 16 : i32
    %mul3A_50 = arith.muli %scan3A_42, %mul3A_49 : i32
    %swap3A = arith.index_cast %mul3A_50 : i32 to index
    %swap3A_51 = tpu.vector_load %arg12[%swap3A] {strides = array<i32>} : memref<112xi32, #tpu.memory_space<vmem>>, vector<16xi32>,
    tpu.vector_store %arg12[%swap3A], %convert_element_type3A_48 {strides = array<i32>} : memref<112xi32, #tpu.memory_space<vmem>>, vector<16xi32>,
    %scan3A_52 = arith.constant 0 : i32
    %scan3A_53 = arith.constant 1 : i32
    %mul3A_54 = arith.constant 16 : i32
    %mul3A_55 = arith.muli %scan3A_53, %mul3A_54 : i32
    %add3A_56 = vector.broadcast %mul3A_55 : i32 to vector<16xi32>
    %add3A_57 = arith.addi %iota3A, %add3A_56 : vector<16xi32>
    %broadcast_in_dim3A_58 = arith.constant 16 : i32
    %broadcast_in_dim3A_59 = vector.broadcast %broadcast_in_dim3A_58 : i32 to vector<16xi32>
    %gather3A_60 = tpu.vector_load_idx %arg8[%add3A_57, %broadcast_in_dim3A_59] : memref<112x17xf32, #tpu.memory_space<vmem>>[vector<16xi32>, vector<16xi32>], vector<16xf32>,
    %convert_element_type3A_61 = arith.fptosi %gather3A_60 : vector<16xf32> to vector<16xi32>
    %mul3A_62 = arith.constant 16 : i32
    %mul3A_63 = arith.muli %scan3A_53, %mul3A_62 : i32
    %swap3A_64 = arith.index_cast %mul3A_63 : i32 to index
    %swap3A_65 = tpu.vector_load %arg12[%swap3A_64] {strides = array<i32>} : memref<112xi32, #tpu.memory_space<vmem>>, vector<16xi32>,
    tpu.vector_store %arg12[%swap3A_64], %convert_element_type3A_61 {strides = array<i32>} : memref<112xi32, #tpu.memory_space<vmem>>, vector<16xi32>,
    %scan3A_66 = arith.constant 0 : i32
    %scan3A_67 = arith.constant 2 : i32
    %mul3A_68 = arith.constant 16 : i32
    %mul3A_69 = arith.muli %scan3A_67, %mul3A_68 : i32
    %add3A_70 = vector.broadcast %mul3A_69 : i32 to vector<16xi32>
    %add3A_71 = arith.addi %iota3A, %add3A_70 : vector<16xi32>
    %broadcast_in_dim3A_72 = arith.constant 16 : i32
    %broadcast_in_dim3A_73 = vector.broadcast %broadcast_in_dim3A_72 : i32 to vector<16xi32>
    %gather3A_74 = tpu.vector_load_idx %arg8[%add3A_71, %broadcast_in_dim3A_73] : memref<112x17xf32, #tpu.memory_space<vmem>>[vector<16xi32>, vector<16xi32>], vector<16xf32>,
    %convert_element_type3A_75 = arith.fptosi %gather3A_74 : vector<16xf32> to vector<16xi32>
    %mul3A_76 = arith.constant 16 : i32
    %mul3A_77 = arith.muli %scan3A_67, %mul3A_76 : i32
    %swap3A_78 = arith.index_cast %mul3A_77 : i32 to index
    %swap3A_79 = tpu.vector_load %arg12[%swap3A_78] {strides = array<i32>} : memref<112xi32, #tpu.memory_space<vmem>>, vector<16xi32>,
    tpu.vector_store %arg12[%swap3A_78], %convert_element_type3A_75 {strides = array<i32>} : memref<112xi32, #tpu.memory_space<vmem>>, vector<16xi32>,
    %scan3A_80 = arith.constant 0 : i32
    %scan3A_81 = arith.constant 3 : i32
    %mul3A_82 = arith.constant 16 : i32
    %mul3A_83 = arith.muli %scan3A_81, %mul3A_82 : i32
    %add3A_84 = vector.broadcast %mul3A_83 : i32 to vector<16xi32>
    %add3A_85 = arith.addi %iota3A, %add3A_84 : vector<16xi32>
    %broadcast_in_dim3A_86 = arith.constant 16 : i32
    %broadcast_in_dim3A_87 = vector.broadcast %broadcast_in_dim3A_86 : i32 to vector<16xi32>
    %gather3A_88 = tpu.vector_load_idx %arg8[%add3A_85, %broadcast_in_dim3A_87] : memref<112x17xf32, #tpu.memory_space<vmem>>[vector<16xi32>, vector<16xi32>], vector<16xf32>,
    %convert_element_type3A_89 = arith.fptosi %gather3A_88 : vector<16xf32> to vector<16xi32>
    %mul3A_90 = arith.constant 16 : i32
    %mul3A_91 = arith.muli %scan3A_81, %mul3A_90 : i32
    %swap3A_92 = arith.index_cast %mul3A_91 : i32 to index
    %swap3A_93 = tpu.vector_load %arg12[%swap3A_92] {strides = array<i32>} : memref<112xi32, #tpu.memory_space<vmem>>, vector<16xi32>,
    tpu.vector_store %arg12[%swap3A_92], %convert_element_type3A_89 {strides = array<i32>} : memref<112xi32, #tpu.memory_space<vmem>>, vector<16xi32>,
    %scan3A_94 = arith.constant 0 : i32
    %scan3A_95 = arith.constant 4 : i32
    %mul3A_96 = arith.constant 16 : i32
    %mul3A_97 = arith.muli %scan3A_95, %mul3A_96 : i32
    %add3A_98 = vector.broadcast %mul3A_97 : i32 to vector<16xi32>
    %add3A_99 = arith.addi %iota3A, %add3A_98 : vector<16xi32>
    %broadcast_in_dim3A_100 = arith.constant 16 : i32
    %broadcast_in_dim3A_101 = vector.broadcast %broadcast_in_dim3A_100 : i32 to vector<16xi32>
    %gather3A_102 = tpu.vector_load_idx %arg8[%add3A_99, %broadcast_in_dim3A_101] : memref<112x17xf32, #tpu.memory_space<vmem>>[vector<16xi32>, vector<16xi32>], vector<16xf32>,
    %convert_element_type3A_103 = arith.fptosi %gather3A_102 : vector<16xf32> to vector<16xi32>
    %mul3A_104 = arith.constant 16 : i32
    %mul3A_105 = arith.muli %scan3A_95, %mul3A_104 : i32
    %swap3A_106 = arith.index_cast %mul3A_105 : i32 to index
    %swap3A_107 = tpu.vector_load %arg12[%swap3A_106] {strides = array<i32>} : memref<112xi32, #tpu.memory_space<vmem>>, vector<16xi32>,
    tpu.vector_store %arg12[%swap3A_106], %convert_element_type3A_103 {strides = array<i32>} : memref<112xi32, #tpu.memory_space<vmem>>, vector<16xi32>,
    %scan3A_108 = arith.constant 0 : i32
    %scan3A_109 = arith.constant 5 : i32
    %mul3A_110 = arith.constant 16 : i32
    %mul3A_111 = arith.muli %scan3A_109, %mul3A_110 : i32
    %add3A_112 = vector.broadcast %mul3A_111 : i32 to vector<16xi32>
    %add3A_113 = arith.addi %iota3A, %add3A_112 : vector<16xi32>
    %broadcast_in_dim3A_114 = arith.constant 16 : i32
    %broadcast_in_dim3A_115 = vector.broadcast %broadcast_in_dim3A_114 : i32 to vector<16xi32>
    %gather3A_116 = tpu.vector_load_idx %arg8[%add3A_113, %broadcast_in_dim3A_115] : memref<112x17xf32, #tpu.memory_space<vmem>>[vector<16xi32>, vector<16xi32>], vector<16xf32>,
    %convert_element_type3A_117 = arith.fptosi %gather3A_116 : vector<16xf32> to vector<16xi32>
    %mul3A_118 = arith.constant 16 : i32
    %mul3A_119 = arith.muli %scan3A_109, %mul3A_118 : i32
    %swap3A_120 = arith.index_cast %mul3A_119 : i32 to index
    %swap3A_121 = tpu.vector_load %arg12[%swap3A_120] {strides = array<i32>} : memref<112xi32, #tpu.memory_space<vmem>>, vector<16xi32>,
    tpu.vector_store %arg12[%swap3A_120], %convert_element_type3A_117 {strides = array<i32>} : memref<112xi32, #tpu.memory_space<vmem>>, vector<16xi32>,
    %scan3A_122 = arith.constant 0 : i32
    %scan3A_123 = arith.constant 6 : i32
    %mul3A_124 = arith.constant 16 : i32
    %mul3A_125 = arith.muli %scan3A_123, %mul3A_124 : i32
    %add3A_126 = vector.broadcast %mul3A_125 : i32 to vector<16xi32>
    %add3A_127 = arith.addi %iota3A, %add3A_126 : vector<16xi32>
    %broadcast_in_dim3A_128 = arith.constant 16 : i32
    %broadcast_in_dim3A_129 = vector.broadcast %broadcast_in_dim3A_128 : i32 to vector<16xi32>
    %gather3A_130 = tpu.vector_load_idx %arg8[%add3A_127, %broadcast_in_dim3A_129] : memref<112x17xf32, #tpu.memory_space<vmem>>[vector<16xi32>, vector<16xi32>], vector<16xf32>,
    %convert_element_type3A_131 = arith.fptosi %gather3A_130 : vector<16xf32> to vector<16xi32>
    %mul3A_132 = arith.constant 16 : i32
    %mul3A_133 = arith.muli %scan3A_123, %mul3A_132 : i32
    %swap3A_134 = arith.index_cast %mul3A_133 : i32 to index
    %swap3A_135 = tpu.vector_load %arg12[%swap3A_134] {strides = array<i32>} : memref<112xi32, #tpu.memory_space<vmem>>, vector<16xi32>,
    tpu.vector_store %arg12[%swap3A_134], %convert_element_type3A_131 {strides = array<i32>} : memref<112xi32, #tpu.memory_space<vmem>>, vector<16xi32>,
    %scan3A_136 = arith.constant 0 : i32
    %scan3A_137 = arith.constant 7 : i32
    %dma_start3A_138 = arith.constant 0 : i32
    %dma_start3A_139 = arith.constant 0 : i32
    %dma_start3A_140 = tpu.memref_slice %arg5[%dma_start3A_138, %dma_start3A_139] : memref<28x128xf32, #tpu.memory_space<vmem_shared>> -> memref<28x128xf32, #tpu.memory_space<vmem_shared>>
    tpu.enqueue_indirect_dma source(%dma_start3A_140 : memref<28x128xf32, #tpu.memory_space<vmem_shared>>) target(%arg16 : memref<112x128xf32, #tpu.memory_space<vmem>>) offsets(%arg12 : memref<112xi32, #tpu.memory_space<vmem>>) semaphore(%arg24 : memref<!tpu.dma_semaphore, #tpu.memory_space<semaphore_mem>>)
    %add3A_141 = arith.constant 112 : i32
    %add3A_142 = arith.addi %mul3A_2, %add3A_141 : i32
    %min3A_143 = arith.constant 99888 : i32
    %min3A_144 = arith.minsi %add3A_142, %min3A_143 : i32
    %dma_wait3A_145 = arith.constant 0 : i32
    %dma_wait3A_146 = tpu.memref_slice %arg2[%min3A_144, %dma_wait3A_145] : memref<100000x17xf32, #tpu.memory_space<hbm>> -> memref<112x17xf32, #tpu.memory_space<hbm>>
    %dma_wait3A_147 = arith.constant 0 : i32
    %dma_wait3A_148 = tpu.memref_slice %arg2[%min3A_144, %dma_wait3A_147] : memref<100000x17xf32, #tpu.memory_space<hbm>> -> memref<112x17xf32, #tpu.memory_space<hbm>>
    tpu.wait_dma2 semaphore(%arg21 : memref<!tpu.dma_semaphore, #tpu.memory_space<semaphore_mem>>) src(%dma_wait3A_148 : memref<112x17xf32, #tpu.memory_space<hbm>>) dst(%arg9 : memref<112x17xf32, #tpu.memory_space<vmem>>)
    %scan3A_149 = arith.constant 0 : i32
    %scan3A_150 = arith.constant 0 : i32
    %mul3A_151 = arith.constant 16 : i32
    %mul3A_152 = arith.muli %scan3A_150, %mul3A_151 : i32
    %add3A_153 = vector.broadcast %mul3A_152 : i32 to vector<16xi32>
    %add3A_154 = arith.addi %iota3A, %add3A_153 : vector<16xi32>
    %broadcast_in_dim3A_155 = arith.constant 16 : i32
    %broadcast_in_dim3A_156 = vector.broadcast %broadcast_in_dim3A_155 : i32 to vector<16xi32>
    %gather3A_157 = tpu.vector_load_idx %arg9[%add3A_154, %broadcast_in_dim3A_156] : memref<112x17xf32, #tpu.memory_space<vmem>>[vector<16xi32>, vector<16xi32>], vector<16xf32>,
    %convert_element_type3A_158 = arith.fptosi %gather3A_157 : vector<16xf32> to vector<16xi32>
    %mul3A_159 = arith.constant 16 : i32
    %mul3A_160 = arith.muli %scan3A_150, %mul3A_159 : i32
    %swap3A_161 = arith.index_cast %mul3A_160 : i32 to index
    %swap3A_162 = tpu.vector_load %arg13[%swap3A_161] {strides = array<i32>} : memref<112xi32, #tpu.memory_space<vmem>>, vector<16xi32>,
    tpu.vector_store %arg13[%swap3A_161], %convert_element_type3A_158 {strides = array<i32>} : memref<112xi32, #tpu.memory_space<vmem>>, vector<16xi32>,
    %scan3A_163 = arith.constant 0 : i32
    %scan3A_164 = arith.constant 1 : i32
    %mul3A_165 = arith.constant 16 : i32
    %mul3A_166 = arith.muli %scan3A_164, %mul3A_165 : i32
    %add3A_167 = vector.broadcast %mul3A_166 : i32 to vector<16xi32>
    %add3A_168 = arith.addi %iota3A, %add3A_167 : vector<16xi32>
    %broadcast_in_dim3A_169 = arith.constant 16 : i32
    %broadcast_in_dim3A_170 = vector.broadcast %broadcast_in_dim3A_169 : i32 to vector<16xi32>
    %gather3A_171 = tpu.vector_load_idx %arg9[%add3A_168, %broadcast_in_dim3A_170] : memref<112x17xf32, #tpu.memory_space<vmem>>[vector<16xi32>, vector<16xi32>], vector<16xf32>,
    %convert_element_type3A_172 = arith.fptosi %gather3A_171 : vector<16xf32> to vector<16xi32>
    %mul3A_173 = arith.constant 16 : i32
    %mul3A_174 = arith.muli %scan3A_164, %mul3A_173 : i32
    %swap3A_175 = arith.index_cast %mul3A_174 : i32 to index
    %swap3A_176 = tpu.vector_load %arg13[%swap3A_175] {strides = array<i32>} : memref<112xi32, #tpu.memory_space<vmem>>, vector<16xi32>,
    tpu.vector_store %arg13[%swap3A_175], %convert_element_type3A_172 {strides = array<i32>} : memref<112xi32, #tpu.memory_space<vmem>>, vector<16xi32>,
    %scan3A_177 = arith.constant 0 : i32
    %scan3A_178 = arith.constant 2 : i32
    %mul3A_179 = arith.constant 16 : i32
    %mul3A_180 = arith.muli %scan3A_178, %mul3A_179 : i32
    %add3A_181 = vector.broadcast %mul3A_180 : i32 to vector<16xi32>
    %add3A_182 = arith.addi %iota3A, %add3A_181 : vector<16xi32>
    %broadcast_in_dim3A_183 = arith.constant 16 : i32
    %broadcast_in_dim3A_184 = vector.broadcast %broadcast_in_dim3A_183 : i32 to vector<16xi32>
    %gather3A_185 = tpu.vector_load_idx %arg9[%add3A_182, %broadcast_in_dim3A_184] : memref<112x17xf32, #tpu.memory_space<vmem>>[vector<16xi32>, vector<16xi32>], vector<16xf32>,
    %convert_element_type3A_186 = arith.fptosi %gather3A_185 : vector<16xf32> to vector<16xi32>
    %mul3A_187 = arith.constant 16 : i32
    %mul3A_188 = arith.muli %scan3A_178, %mul3A_187 : i32
    %swap3A_189 = arith.index_cast %mul3A_188 : i32 to index
    %swap3A_190 = tpu.vector_load %arg13[%swap3A_189] {strides = array<i32>} : memref<112xi32, #tpu.memory_space<vmem>>, vector<16xi32>,
    tpu.vector_store %arg13[%swap3A_189], %convert_element_type3A_186 {strides = array<i32>} : memref<112xi32, #tpu.memory_space<vmem>>, vector<16xi32>,
    %scan3A_191 = arith.constant 0 : i32
    %scan3A_192 = arith.constant 3 : i32
    %mul3A_193 = arith.constant 16 : i32
    %mul3A_194 = arith.muli %scan3A_192, %mul3A_193 : i32
    %add3A_195 = vector.broadcast %mul3A_194 : i32 to vector<16xi32>
    %add3A_196 = arith.addi %iota3A, %add3A_195 : vector<16xi32>
    %broadcast_in_dim3A_197 = arith.constant 16 : i32
    %broadcast_in_dim3A_198 = vector.broadcast %broadcast_in_dim3A_197 : i32 to vector<16xi32>
    %gather3A_199 = tpu.vector_load_idx %arg9[%add3A_196, %broadcast_in_dim3A_198] : memref<112x17xf32, #tpu.memory_space<vmem>>[vector<16xi32>, vector<16xi32>], vector<16xf32>,
    %convert_element_type3A_200 = arith.fptosi %gather3A_199 : vector<16xf32> to vector<16xi32>
    %mul3A_201 = arith.constant 16 : i32
    %mul3A_202 = arith.muli %scan3A_192, %mul3A_201 : i32
    %swap3A_203 = arith.index_cast %mul3A_202 : i32 to index
    %swap3A_204 = tpu.vector_load %arg13[%swap3A_203] {strides = array<i32>} : memref<112xi32, #tpu.memory_space<vmem>>, vector<16xi32>,
    tpu.vector_store %arg13[%swap3A_203], %convert_element_type3A_200 {strides = array<i32>} : memref<112xi32, #tpu.memory_space<vmem>>, vector<16xi32>,
    %scan3A_205 = arith.constant 0 : i32
    %scan3A_206 = arith.constant 4 : i32
    %mul3A_207 = arith.constant 16 : i32
    %mul3A_208 = arith.muli %scan3A_206, %mul3A_207 : i32
    %add3A_209 = vector.broadcast %mul3A_208 : i32 to vector<16xi32>
    %add3A_210 = arith.addi %iota3A, %add3A_209 : vector<16xi32>
    %broadcast_in_dim3A_211 = arith.constant 16 : i32
    %broadcast_in_dim3A_212 = vector.broadcast %broadcast_in_dim3A_211 : i32 to vector<16xi32>
    %gather3A_213 = tpu.vector_load_idx %arg9[%add3A_210, %broadcast_in_dim3A_212] : memref<112x17xf32, #tpu.memory_space<vmem>>[vector<16xi32>, vector<16xi32>], vector<16xf32>,
    %convert_element_type3A_214 = arith.fptosi %gather3A_213 : vector<16xf32> to vector<16xi32>
    %mul3A_215 = arith.constant 16 : i32
    %mul3A_216 = arith.muli %scan3A_206, %mul3A_215 : i32
    %swap3A_217 = arith.index_cast %mul3A_216 : i32 to index
    %swap3A_218 = tpu.vector_load %arg13[%swap3A_217] {strides = array<i32>} : memref<112xi32, #tpu.memory_space<vmem>>, vector<16xi32>,
    tpu.vector_store %arg13[%swap3A_217], %convert_element_type3A_214 {strides = array<i32>} : memref<112xi32, #tpu.memory_space<vmem>>, vector<16xi32>,
    %scan3A_219 = arith.constant 0 : i32
    %scan3A_220 = arith.constant 5 : i32
    %mul3A_221 = arith.constant 16 : i32
    %mul3A_222 = arith.muli %scan3A_220, %mul3A_221 : i32
    %add3A_223 = vector.broadcast %mul3A_222 : i32 to vector<16xi32>
    %add3A_224 = arith.addi %iota3A, %add3A_223 : vector<16xi32>
    %broadcast_in_dim3A_225 = arith.constant 16 : i32
    %broadcast_in_dim3A_226 = vector.broadcast %broadcast_in_dim3A_225 : i32 to vector<16xi32>
    %gather3A_227 = tpu.vector_load_idx %arg9[%add3A_224, %broadcast_in_dim3A_226] : memref<112x17xf32, #tpu.memory_space<vmem>>[vector<16xi32>, vector<16xi32>], vector<16xf32>,
    %convert_element_type3A_228 = arith.fptosi %gather3A_227 : vector<16xf32> to vector<16xi32>
    %mul3A_229 = arith.constant 16 : i32
    %mul3A_230 = arith.muli %scan3A_220, %mul3A_229 : i32
    %swap3A_231 = arith.index_cast %mul3A_230 : i32 to index
    %swap3A_232 = tpu.vector_load %arg13[%swap3A_231] {strides = array<i32>} : memref<112xi32, #tpu.memory_space<vmem>>, vector<16xi32>,
    tpu.vector_store %arg13[%swap3A_231], %convert_element_type3A_228 {strides = array<i32>} : memref<112xi32, #tpu.memory_space<vmem>>, vector<16xi32>,
    %scan3A_233 = arith.constant 0 : i32
    %scan3A_234 = arith.constant 6 : i32
    %mul3A_235 = arith.constant 16 : i32
    %mul3A_236 = arith.muli %scan3A_234, %mul3A_235 : i32
    %add3A_237 = vector.broadcast %mul3A_236 : i32 to vector<16xi32>
    %add3A_238 = arith.addi %iota3A, %add3A_237 : vector<16xi32>
    %broadcast_in_dim3A_239 = arith.constant 16 : i32
    %broadcast_in_dim3A_240 = vector.broadcast %broadcast_in_dim3A_239 : i32 to vector<16xi32>
    %gather3A_241 = tpu.vector_load_idx %arg9[%add3A_238, %broadcast_in_dim3A_240] : memref<112x17xf32, #tpu.memory_space<vmem>>[vector<16xi32>, vector<16xi32>], vector<16xf32>,
    %convert_element_type3A_242 = arith.fptosi %gather3A_241 : vector<16xf32> to vector<16xi32>
    %mul3A_243 = arith.constant 16 : i32
    %mul3A_244 = arith.muli %scan3A_234, %mul3A_243 : i32
    %swap3A_245 = arith.index_cast %mul3A_244 : i32 to index
    %swap3A_246 = tpu.vector_load %arg13[%swap3A_245] {strides = array<i32>} : memref<112xi32, #tpu.memory_space<vmem>>, vector<16xi32>,
    tpu.vector_store %arg13[%swap3A_245], %convert_element_type3A_242 {strides = array<i32>} : memref<112xi32, #tpu.memory_space<vmem>>, vector<16xi32>,
    %scan3A_247 = arith.constant 0 : i32
    %scan3A_248 = arith.constant 7 : i32
    %dma_start3A_249 = arith.constant 0 : i32
    %dma_start3A_250 = arith.constant 0 : i32
    %dma_start3A_251 = tpu.memref_slice %arg5[%dma_start3A_249, %dma_start3A_250] : memref<28x128xf32, #tpu.memory_space<vmem_shared>> -> memref<28x128xf32, #tpu.memory_space<vmem_shared>>
    tpu.enqueue_indirect_dma source(%dma_start3A_251 : memref<28x128xf32, #tpu.memory_space<vmem_shared>>) target(%arg17 : memref<112x128xf32, #tpu.memory_space<vmem>>) offsets(%arg13 : memref<112xi32, #tpu.memory_space<vmem>>) semaphore(%arg25 : memref<!tpu.dma_semaphore, #tpu.memory_space<semaphore_mem>>)
    %add3A_252 = arith.constant 224 : i32
    %add3A_253 = arith.addi %mul3A_2, %add3A_252 : i32
    %min3A_254 = arith.constant 99888 : i32
    %min3A_255 = arith.minsi %add3A_253, %min3A_254 : i32
    %dma_wait3A_256 = arith.constant 0 : i32
    %dma_wait3A_257 = tpu.memref_slice %arg2[%min3A_255, %dma_wait3A_256] : memref<100000x17xf32, #tpu.memory_space<hbm>> -> memref<112x17xf32, #tpu.memory_space<hbm>>
    %dma_wait3A_258 = arith.constant 0 : i32
    %dma_wait3A_259 = tpu.memref_slice %arg2[%min3A_255, %dma_wait3A_258] : memref<100000x17xf32, #tpu.memory_space<hbm>> -> memref<112x17xf32, #tpu.memory_space<hbm>>
    tpu.wait_dma2 semaphore(%arg22 : memref<!tpu.dma_semaphore, #tpu.memory_space<semaphore_mem>>) src(%dma_wait3A_259 : memref<112x17xf32, #tpu.memory_space<hbm>>) dst(%arg10 : memref<112x17xf32, #tpu.memory_space<vmem>>)
    %scan3A_260 = arith.constant 0 : i32
    %scan3A_261 = arith.constant 0 : i32
    %mul3A_262 = arith.constant 16 : i32
    %mul3A_263 = arith.muli %scan3A_261, %mul3A_262 : i32
    %add3A_264 = vector.broadcast %mul3A_263 : i32 to vector<16xi32>
    %add3A_265 = arith.addi %iota3A, %add3A_264 : vector<16xi32>
    %broadcast_in_dim3A_266 = arith.constant 16 : i32
    %broadcast_in_dim3A_267 = vector.broadcast %broadcast_in_dim3A_266 : i32 to vector<16xi32>
    %gather3A_268 = tpu.vector_load_idx %arg10[%add3A_265, %broadcast_in_dim3A_267] : memref<112x17xf32, #tpu.memory_space<vmem>>[vector<16xi32>, vector<16xi32>], vector<16xf32>,
    %convert_element_type3A_269 = arith.fptosi %gather3A_268 : vector<16xf32> to vector<16xi32>
    %mul3A_270 = arith.constant 16 : i32
    %mul3A_271 = arith.muli %scan3A_261, %mul3A_270 : i32
    %swap3A_272 = arith.index_cast %mul3A_271 : i32 to index
    %swap3A_273 = tpu.vector_load %arg14[%swap3A_272] {strides = array<i32>} : memref<112xi32, #tpu.memory_space<vmem>>, vector<16xi32>,
    tpu.vector_store %arg14[%swap3A_272], %convert_element_type3A_269 {strides = array<i32>} : memref<112xi32, #tpu.memory_space<vmem>>, vector<16xi32>,
    %scan3A_274 = arith.constant 0 : i32
    %scan3A_275 = arith.constant 1 : i32
    %mul3A_276 = arith.constant 16 : i32
    %mul3A_277 = arith.muli %scan3A_275, %mul3A_276 : i32
    %add3A_278 = vector.broadcast %mul3A_277 : i32 to vector<16xi32>
    %add3A_279 = arith.addi %iota3A, %add3A_278 : vector<16xi32>
    %broadcast_in_dim3A_280 = arith.constant 16 : i32
    %broadcast_in_dim3A_281 = vector.broadcast %broadcast_in_dim3A_280 : i32 to vector<16xi32>
    %gather3A_282 = tpu.vector_load_idx %arg10[%add3A_279, %broadcast_in_dim3A_281] : memref<112x17xf32, #tpu.memory_space<vmem>>[vector<16xi32>, vector<16xi32>], vector<16xf32>,
    %convert_element_type3A_283 = arith.fptosi %gather3A_282 : vector<16xf32> to vector<16xi32>
    %mul3A_284 = arith.constant 16 : i32
    %mul3A_285 = arith.muli %scan3A_275, %mul3A_284 : i32
    %swap3A_286 = arith.index_cast %mul3A_285 : i32 to index
    %swap3A_287 = tpu.vector_load %arg14[%swap3A_286] {strides = array<i32>} : memref<112xi32, #tpu.memory_space<vmem>>, vector<16xi32>,
    tpu.vector_store %arg14[%swap3A_286], %convert_element_type3A_283 {strides = array<i32>} : memref<112xi32, #tpu.memory_space<vmem>>, vector<16xi32>,
    %scan3A_288 = arith.constant 0 : i32
    %scan3A_289 = arith.constant 2 : i32
    %mul3A_290 = arith.constant 16 : i32
    %mul3A_291 = arith.muli %scan3A_289, %mul3A_290 : i32
    %add3A_292 = vector.broadcast %mul3A_291 : i32 to vector<16xi32>
    %add3A_293 = arith.addi %iota3A, %add3A_292 : vector<16xi32>
    %broadcast_in_dim3A_294 = arith.constant 16 : i32
    %broadcast_in_dim3A_295 = vector.broadcast %broadcast_in_dim3A_294 : i32 to vector<16xi32>
    %gather3A_296 = tpu.vector_load_idx %arg10[%add3A_293, %broadcast_in_dim3A_295] : memref<112x17xf32, #tpu.memory_space<vmem>>[vector<16xi32>, vector<16xi32>], vector<16xf32>,
    %convert_element_type3A_297 = arith.fptosi %gather3A_296 : vector<16xf32> to vector<16xi32>
    %mul3A_298 = arith.constant 16 : i32
    %mul3A_299 = arith.muli %scan3A_289, %mul3A_298 : i32
    %swap3A_300 = arith.index_cast %mul3A_299 : i32 to index
    %swap3A_301 = tpu.vector_load %arg14[%swap3A_300] {strides = array<i32>} : memref<112xi32, #tpu.memory_space<vmem>>, vector<16xi32>,
    tpu.vector_store %arg14[%swap3A_300], %convert_element_type3A_297 {strides = array<i32>} : memref<112xi32, #tpu.memory_space<vmem>>, vector<16xi32>,
    %scan3A_302 = arith.constant 0 : i32
    %scan3A_303 = arith.constant 3 : i32
    %mul3A_304 = arith.constant 16 : i32
    %mul3A_305 = arith.muli %scan3A_303, %mul3A_304 : i32
    %add3A_306 = vector.broadcast %mul3A_305 : i32 to vector<16xi32>
    %add3A_307 = arith.addi %iota3A, %add3A_306 : vector<16xi32>
    %broadcast_in_dim3A_308 = arith.constant 16 : i32
    %broadcast_in_dim3A_309 = vector.broadcast %broadcast_in_dim3A_308 : i32 to vector<16xi32>
    %gather3A_310 = tpu.vector_load_idx %arg10[%add3A_307, %broadcast_in_dim3A_309] : memref<112x17xf32, #tpu.memory_space<vmem>>[vector<16xi32>, vector<16xi32>], vector<16xf32>,
    %convert_element_type3A_311 = arith.fptosi %gather3A_310 : vector<16xf32> to vector<16xi32>
    %mul3A_312 = arith.constant 16 : i32
    %mul3A_313 = arith.muli %scan3A_303, %mul3A_312 : i32
    %swap3A_314 = arith.index_cast %mul3A_313 : i32 to index
    %swap3A_315 = tpu.vector_load %arg14[%swap3A_314] {strides = array<i32>} : memref<112xi32, #tpu.memory_space<vmem>>, vector<16xi32>,
    tpu.vector_store %arg14[%swap3A_314], %convert_element_type3A_311 {strides = array<i32>} : memref<112xi32, #tpu.memory_space<vmem>>, vector<16xi32>,
    %scan3A_316 = arith.constant 0 : i32
    %scan3A_317 = arith.constant 4 : i32
    %mul3A_318 = arith.constant 16 : i32
    %mul3A_319 = arith.muli %scan3A_317, %mul3A_318 : i32
    %add3A_320 = vector.broadcast %mul3A_319 : i32 to vector<16xi32>
    %add3A_321 = arith.addi %iota3A, %add3A_320 : vector<16xi32>
    %broadcast_in_dim3A_322 = arith.constant 16 : i32
    %broadcast_in_dim3A_323 = vector.broadcast %broadcast_in_dim3A_322 : i32 to vector<16xi32>
    %gather3A_324 = tpu.vector_load_idx %arg10[%add3A_321, %broadcast_in_dim3A_323] : memref<112x17xf32, #tpu.memory_space<vmem>>[vector<16xi32>, vector<16xi32>], vector<16xf32>,
    %convert_element_type3A_325 = arith.fptosi %gather3A_324 : vector<16xf32> to vector<16xi32>
    %mul3A_326 = arith.constant 16 : i32
    %mul3A_327 = arith.muli %scan3A_317, %mul3A_326 : i32
    %swap3A_328 = arith.index_cast %mul3A_327 : i32 to index
    %swap3A_329 = tpu.vector_load %arg14[%swap3A_328] {strides = array<i32>} : memref<112xi32, #tpu.memory_space<vmem>>, vector<16xi32>,
    tpu.vector_store %arg14[%swap3A_328], %convert_element_type3A_325 {strides = array<i32>} : memref<112xi32, #tpu.memory_space<vmem>>, vector<16xi32>,
    %scan3A_330 = arith.constant 0 : i32
    %scan3A_331 = arith.constant 5 : i32
    %mul3A_332 = arith.constant 16 : i32
    %mul3A_333 = arith.muli %scan3A_331, %mul3A_332 : i32
    %add3A_334 = vector.broadcast %mul3A_333 : i32 to vector<16xi32>
    %add3A_335 = arith.addi %iota3A, %add3A_334 : vector<16xi32>
    %broadcast_in_dim3A_336 = arith.constant 16 : i32
    %broadcast_in_dim3A_337 = vector.broadcast %broadcast_in_dim3A_336 : i32 to vector<16xi32>
    %gather3A_338 = tpu.vector_load_idx %arg10[%add3A_335, %broadcast_in_dim3A_337] : memref<112x17xf32, #tpu.memory_space<vmem>>[vector<16xi32>, vector<16xi32>], vector<16xf32>,
    %convert_element_type3A_339 = arith.fptosi %gather3A_338 : vector<16xf32> to vector<16xi32>
    %mul3A_340 = arith.constant 16 : i32
    %mul3A_341 = arith.muli %scan3A_331, %mul3A_340 : i32
    %swap3A_342 = arith.index_cast %mul3A_341 : i32 to index
    %swap3A_343 = tpu.vector_load %arg14[%swap3A_342] {strides = array<i32>} : memref<112xi32, #tpu.memory_space<vmem>>, vector<16xi32>,
    tpu.vector_store %arg14[%swap3A_342], %convert_element_type3A_339 {strides = array<i32>} : memref<112xi32, #tpu.memory_space<vmem>>, vector<16xi32>,
    %scan3A_344 = arith.constant 0 : i32
    %scan3A_345 = arith.constant 6 : i32
    %mul3A_346 = arith.constant 16 : i32
    %mul3A_347 = arith.muli %scan3A_345, %mul3A_346 : i32
    %add3A_348 = vector.broadcast %mul3A_347 : i32 to vector<16xi32>
    %add3A_349 = arith.addi %iota3A, %add3A_348 : vector<16xi32>
    %broadcast_in_dim3A_350 = arith.constant 16 : i32
    %broadcast_in_dim3A_351 = vector.broadcast %broadcast_in_dim3A_350 : i32 to vector<16xi32>
    %gather3A_352 = tpu.vector_load_idx %arg10[%add3A_349, %broadcast_in_dim3A_351] : memref<112x17xf32, #tpu.memory_space<vmem>>[vector<16xi32>, vector<16xi32>], vector<16xf32>,
    %convert_element_type3A_353 = arith.fptosi %gather3A_352 : vector<16xf32> to vector<16xi32>
    %mul3A_354 = arith.constant 16 : i32
    %mul3A_355 = arith.muli %scan3A_345, %mul3A_354 : i32
    %swap3A_356 = arith.index_cast %mul3A_355 : i32 to index
    %swap3A_357 = tpu.vector_load %arg14[%swap3A_356] {strides = array<i32>} : memref<112xi32, #tpu.memory_space<vmem>>, vector<16xi32>,
    tpu.vector_store %arg14[%swap3A_356], %convert_element_type3A_353 {strides = array<i32>} : memref<112xi32, #tpu.memory_space<vmem>>, vector<16xi32>,
    %scan3A_358 = arith.constant 0 : i32
    %scan3A_359 = arith.constant 7 : i32
    %dma_start3A_360 = arith.constant 0 : i32
    %dma_start3A_361 = arith.constant 0 : i32
    %dma_start3A_362 = tpu.memref_slice %arg5[%dma_start3A_360, %dma_start3A_361] : memref<28x128xf32, #tpu.memory_space<vmem_shared>> -> memref<28x128xf32, #tpu.memory_space<vmem_shared>>
    tpu.enqueue_indirect_dma source(%dma_start3A_362 : memref<28x128xf32, #tpu.memory_space<vmem_shared>>) target(%arg18 : memref<112x128xf32, #tpu.memory_space<vmem>>) offsets(%arg14 : memref<112xi32, #tpu.memory_space<vmem>>) semaphore(%arg26 : memref<!tpu.dma_semaphore, #tpu.memory_space<semaphore_mem>>)
    %dma_wait3A_363 = arith.constant 0 : i32
    %dma_wait3A_364 = arith.constant 0 : i32
    %dma_wait3A_365 = tpu.memref_slice %arg5[%dma_wait3A_363, %dma_wait3A_364] : memref<28x128xf32, #tpu.memory_space<vmem_shared>> -> memref<28x128xf32, #tpu.memory_space<vmem_shared>>
    tpu.wait_indirect_dma semaphore(%arg24 : memref<!tpu.dma_semaphore, #tpu.memory_space<semaphore_mem>>) src(%dma_wait3A_365 : memref<28x128xf32, #tpu.memory_space<vmem_shared>>) dst(%arg16 : memref<112x128xf32, #tpu.memory_space<vmem>>)
    %scan3A_366 = arith.constant 0 : i32
    %scan3A_367 = arith.constant 0 : i32
    %scan3A_368 = arith.constant 112 : i32
    %scan3A_369 = arith.addi %scan3A_367, %scan3A_368 : i32
    %scan3A_370 = arith.constant 8 : i32
    %scan3A_371 = scf.for %scan3A_617 = %scan3A_367 to %scan3A_369 step %scan3A_370 iter_args(%scan3A_618 = %scan3A_366) -> (i32)  : i32 {
      %get3A = arith.index_cast %scan3A_617 : i32 to index
      %get3A_619 = arith.constant 0 : index
      %get3A_620 = tpu.vector_load %arg8[%get3A, %get3A_619] {strides = array<i32>} : memref<112x17xf32, #tpu.memory_space<vmem>>, vector<16xf32>,
      %swap3A_621 = arith.index_cast %scan3A_617 : i32 to index
      %swap3A_622 = arith.constant 0 : index
      %swap3A_623 = tpu.vector_load %arg16[%swap3A_621, %swap3A_622] {strides = array<i32>} : memref<112x128xf32, #tpu.memory_space<vmem>>, vector<16xf32>,
      tpu.vector_store %arg16[%swap3A_621, %swap3A_622], %get3A_620 {strides = array<i32>} : memref<112x128xf32, #tpu.memory_space<vmem>>, vector<16xf32>,
      %scan3A_624 = arith.constant 0 : i32
      %scan3A_625 = arith.constant 1 : i32
      %scan3A_626 = arith.addi %scan3A_617, %scan3A_625 : i32
      %get3A_627 = arith.index_cast %scan3A_626 : i32 to index
      %get3A_628 = arith.constant 0 : index
      %get3A_629 = tpu.vector_load %arg8[%get3A_627, %get3A_628] {strides = array<i32>} : memref<112x17xf32, #tpu.memory_space<vmem>>, vector<16xf32>,
      %swap3A_630 = arith.index_cast %scan3A_626 : i32 to index
      %swap3A_631 = arith.constant 0 : index
      %swap3A_632 = tpu.vector_load %arg16[%swap3A_630, %swap3A_631] {strides = array<i32>} : memref<112x128xf32, #tpu.memory_space<vmem>>, vector<16xf32>,
      tpu.vector_store %arg16[%swap3A_630, %swap3A_631], %get3A_629 {strides = array<i32>} : memref<112x128xf32, #tpu.memory_space<vmem>>, vector<16xf32>,
      %scan3A_633 = arith.constant 0 : i32
      %scan3A_634 = arith.constant 2 : i32
      %scan3A_635 = arith.addi %scan3A_617, %scan3A_634 : i32
      %get3A_636 = arith.index_cast %scan3A_635 : i32 to index
      %get3A_637 = arith.constant 0 : index
      %get3A_638 = tpu.vector_load %arg8[%get3A_636, %get3A_637] {strides = array<i32>} : memref<112x17xf32, #tpu.memory_space<vmem>>, vector<16xf32>,
      %swap3A_639 = arith.index_cast %scan3A_635 : i32 to index
      %swap3A_640 = arith.constant 0 : index
      %swap3A_641 = tpu.vector_load %arg16[%swap3A_639, %swap3A_640] {strides = array<i32>} : memref<112x128xf32, #tpu.memory_space<vmem>>, vector<16xf32>,
      tpu.vector_store %arg16[%swap3A_639, %swap3A_640], %get3A_638 {strides = array<i32>} : memref<112x128xf32, #tpu.memory_space<vmem>>, vector<16xf32>,
      %scan3A_642 = arith.constant 0 : i32
      %scan3A_643 = arith.constant 3 : i32
      %scan3A_644 = arith.addi %scan3A_617, %scan3A_643 : i32
      %get3A_645 = arith.index_cast %scan3A_644 : i32 to index
      %get3A_646 = arith.constant 0 : index
      %get3A_647 = tpu.vector_load %arg8[%get3A_645, %get3A_646] {strides = array<i32>} : memref<112x17xf32, #tpu.memory_space<vmem>>, vector<16xf32>,
      %swap3A_648 = arith.index_cast %scan3A_644 : i32 to index
      %swap3A_649 = arith.constant 0 : index
      %swap3A_650 = tpu.vector_load %arg16[%swap3A_648, %swap3A_649] {strides = array<i32>} : memref<112x128xf32, #tpu.memory_space<vmem>>, vector<16xf32>,
      tpu.vector_store %arg16[%swap3A_648, %swap3A_649], %get3A_647 {strides = array<i32>} : memref<112x128xf32, #tpu.memory_space<vmem>>, vector<16xf32>,
      %scan3A_651 = arith.constant 0 : i32
      %scan3A_652 = arith.constant 4 : i32
      %scan3A_653 = arith.addi %scan3A_617, %scan3A_652 : i32
      %get3A_654 = arith.index_cast %scan3A_653 : i32 to index
      %get3A_655 = arith.constant 0 : index
      %get3A_656 = tpu.vector_load %arg8[%get3A_654, %get3A_655] {strides = array<i32>} : memref<112x17xf32, #tpu.memory_space<vmem>>, vector<16xf32>,
      %swap3A_657 = arith.index_cast %scan3A_653 : i32 to index
      %swap3A_658 = arith.constant 0 : index
      %swap3A_659 = tpu.vector_load %arg16[%swap3A_657, %swap3A_658] {strides = array<i32>} : memref<112x128xf32, #tpu.memory_space<vmem>>, vector<16xf32>,
      tpu.vector_store %arg16[%swap3A_657, %swap3A_658], %get3A_656 {strides = array<i32>} : memref<112x128xf32, #tpu.memory_space<vmem>>, vector<16xf32>,
      %scan3A_660 = arith.constant 0 : i32
      %scan3A_661 = arith.constant 5 : i32
      %scan3A_662 = arith.addi %scan3A_617, %scan3A_661 : i32
      %get3A_663 = arith.index_cast %scan3A_662 : i32 to index
      %get3A_664 = arith.constant 0 : index
      %get3A_665 = tpu.vector_load %arg8[%get3A_663, %get3A_664] {strides = array<i32>} : memref<112x17xf32, #tpu.memory_space<vmem>>, vector<16xf32>,
      %swap3A_666 = arith.index_cast %scan3A_662 : i32 to index
      %swap3A_667 = arith.constant 0 : index
      %swap3A_668 = tpu.vector_load %arg16[%swap3A_666, %swap3A_667] {strides = array<i32>} : memref<112x128xf32, #tpu.memory_space<vmem>>, vector<16xf32>,
      tpu.vector_store %arg16[%swap3A_666, %swap3A_667], %get3A_665 {strides = array<i32>} : memref<112x128xf32, #tpu.memory_space<vmem>>, vector<16xf32>,
      %scan3A_669 = arith.constant 0 : i32
      %scan3A_670 = arith.constant 6 : i32
      %scan3A_671 = arith.addi %scan3A_617, %scan3A_670 : i32
      %get3A_672 = arith.index_cast %scan3A_671 : i32 to index
      %get3A_673 = arith.constant 0 : index
      %get3A_674 = tpu.vector_load %arg8[%get3A_672, %get3A_673] {strides = array<i32>} : memref<112x17xf32, #tpu.memory_space<vmem>>, vector<16xf32>,
      %swap3A_675 = arith.index_cast %scan3A_671 : i32 to index
      %swap3A_676 = arith.constant 0 : index
      %swap3A_677 = tpu.vector_load %arg16[%swap3A_675, %swap3A_676] {strides = array<i32>} : memref<112x128xf32, #tpu.memory_space<vmem>>, vector<16xf32>,
      tpu.vector_store %arg16[%swap3A_675, %swap3A_676], %get3A_674 {strides = array<i32>} : memref<112x128xf32, #tpu.memory_space<vmem>>, vector<16xf32>,
      %scan3A_678 = arith.constant 0 : i32
      %scan3A_679 = arith.constant 7 : i32
      %scan3A_680 = arith.addi %scan3A_617, %scan3A_679 : i32
      %get3A_681 = arith.index_cast %scan3A_680 : i32 to index
      %get3A_682 = arith.constant 0 : index
      %get3A_683 = tpu.vector_load %arg8[%get3A_681, %get3A_682] {strides = array<i32>} : memref<112x17xf32, #tpu.memory_space<vmem>>, vector<16xf32>,
      %swap3A_684 = arith.index_cast %scan3A_680 : i32 to index
      %swap3A_685 = arith.constant 0 : index
      %swap3A_686 = tpu.vector_load %arg16[%swap3A_684, %swap3A_685] {strides = array<i32>} : memref<112x128xf32, #tpu.memory_space<vmem>>, vector<16xf32>,
      tpu.vector_store %arg16[%swap3A_684, %swap3A_685], %get3A_683 {strides = array<i32>} : memref<112x128xf32, #tpu.memory_space<vmem>>, vector<16xf32>,
      %scan3A_687 = arith.constant 0 : i32
      scf.yield %scan3A_687 : i32
    }
    %scan3A_372 = arith.constant 112 : i32
    %add3A_373 = arith.constant 0 : i32
    %add3A_374 = arith.addi %mul3A_2, %add3A_373 : i32
    %min3A_375 = arith.constant 99888 : i32
    %min3A_376 = arith.minsi %add3A_374, %min3A_375 : i32
    %dma_start3A_377 = arith.constant 0 : i32
    %dma_start3A_378 = tpu.memref_slice %arg4[%min3A_376, %dma_start3A_377] : memref<100000x128xf32, #tpu.memory_space<hbm>> -> memref<112x128xf32, #tpu.memory_space<hbm>>
    %dma_start3A_379 = arith.constant 0 : i32
    %dma_start3A_380 = tpu.memref_slice %arg4[%min3A_376, %dma_start3A_379] : memref<100000x128xf32, #tpu.memory_space<hbm>> -> memref<112x128xf32, #tpu.memory_space<hbm>>
    tpu.enqueue_dma source(%arg16 : memref<112x128xf32, #tpu.memory_space<vmem>>) target(%dma_start3A_380 : memref<112x128xf32, #tpu.memory_space<hbm>>) target_semaphore(%arg28 : memref<!tpu.dma_semaphore, #tpu.memory_space<semaphore_mem>>)
    %add3A_381 = arith.constant 448 : i32
    %add3A_382 = arith.addi %mul3A_2, %add3A_381 : i32
    %min3A_383 = arith.constant 99888 : i32
    %min3A_384 = arith.minsi %add3A_382, %min3A_383 : i32
    %dma_start3A_385 = arith.constant 0 : i32
    %dma_start3A_386 = tpu.memref_slice %arg2[%min3A_384, %dma_start3A_385] : memref<100000x17xf32, #tpu.memory_space<hbm>> -> memref<112x17xf32, #tpu.memory_space<hbm>>
    %dma_start3A_387 = arith.constant 0 : i32
    %dma_start3A_388 = tpu.memref_slice %arg2[%min3A_384, %dma_start3A_387] : memref<100000x17xf32, #tpu.memory_space<hbm>> -> memref<112x17xf32, #tpu.memory_space<hbm>>
    tpu.enqueue_dma source(%dma_start3A_388 : memref<112x17xf32, #tpu.memory_space<hbm>>) target(%arg8 : memref<112x17xf32, #tpu.memory_space<vmem>>) target_semaphore(%arg20 : memref<!tpu.dma_semaphore, #tpu.memory_space<semaphore_mem>>)
    %add3A_389 = arith.constant 336 : i32
    %add3A_390 = arith.addi %mul3A_2, %add3A_389 : i32
    %min3A_391 = arith.constant 99888 : i32
    %min3A_392 = arith.minsi %add3A_390, %min3A_391 : i32
    %dma_wait3A_393 = arith.constant 0 : i32
    %dma_wait3A_394 = tpu.memref_slice %arg2[%min3A_392, %dma_wait3A_393] : memref<100000x17xf32, #tpu.memory_space<hbm>> -> memref<112x17xf32, #tpu.memory_space<hbm>>
    %dma_wait3A_395 = arith.constant 0 : i32
    %dma_wait3A_396 = tpu.memref_slice %arg2[%min3A_392, %dma_wait3A_395] : memref<100000x17xf32, #tpu.memory_space<hbm>> -> memref<112x17xf32, #tpu.memory_space<hbm>>
    tpu.wait_dma2 semaphore(%arg23 : memref<!tpu.dma_semaphore, #tpu.memory_space<semaphore_mem>>) src(%dma_wait3A_396 : memref<112x17xf32, #tpu.memory_space<hbm>>) dst(%arg11 : memref<112x17xf32, #tpu.memory_space<vmem>>)
    %scan3A_397 = arith.constant 0 : i32
    %scan3A_398 = arith.constant 0 : i32
    %mul3A_399 = arith.constant 16 : i32
    %mul3A_400 = arith.muli %scan3A_398, %mul3A_399 : i32
    %add3A_401 = vector.broadcast %mul3A_400 : i32 to vector<16xi32>
    %add3A_402 = arith.addi %iota3A, %add3A_401 : vector<16xi32>
    %broadcast_in_dim3A_403 = arith.constant 16 : i32
    %broadcast_in_dim3A_404 = vector.broadcast %broadcast_in_dim3A_403 : i32 to vector<16xi32>
    %gather3A_405 = tpu.vector_load_idx %arg11[%add3A_402, %broadcast_in_dim3A_404] : memref<112x17xf32, #tpu.memory_space<vmem>>[vector<16xi32>, vector<16xi32>], vector<16xf32>,
    %convert_element_type3A_406 = arith.fptosi %gather3A_405 : vector<16xf32> to vector<16xi32>
    %mul3A_407 = arith.constant 16 : i32
    %mul3A_408 = arith.muli %scan3A_398, %mul3A_407 : i32
    %swap3A_409 = arith.index_cast %mul3A_408 : i32 to index
    %swap3A_410 = tpu.vector_load %arg15[%swap3A_409] {strides = array<i32>} : memref<112xi32, #tpu.memory_space<vmem>>, vector<16xi32>,
    tpu.vector_store %arg15[%swap3A_409], %convert_element_type3A_406 {strides = array<i32>} : memref<112xi32, #tpu.memory_space<vmem>>, vector<16xi32>,
    %scan3A_411 = arith.constant 0 : i32
    %scan3A_412 = arith.constant 1 : i32
    %mul3A_413 = arith.constant 16 : i32
    %mul3A_414 = arith.muli %scan3A_412, %mul3A_413 : i32
    %add3A_415 = vector.broadcast %mul3A_414 : i32 to vector<16xi32>
    %add3A_416 = arith.addi %iota3A, %add3A_415 : vector<16xi32>
    %broadcast_in_dim3A_417 = arith.constant 16 : i32
    %broadcast_in_dim3A_418 = vector.broadcast %broadcast_in_dim3A_417 : i32 to vector<16xi32>
    %gather3A_419 = tpu.vector_load_idx %arg11[%add3A_416, %broadcast_in_dim3A_418] : memref<112x17xf32, #tpu.memory_space<vmem>>[vector<16xi32>, vector<16xi32>], vector<16xf32>,
    %convert_element_type3A_420 = arith.fptosi %gather3A_419 : vector<16xf32> to vector<16xi32>
    %mul3A_421 = arith.constant 16 : i32
    %mul3A_422 = arith.muli %scan3A_412, %mul3A_421 : i32
    %swap3A_423 = arith.index_cast %mul3A_422 : i32 to index
    %swap3A_424 = tpu.vector_load %arg15[%swap3A_423] {strides = array<i32>} : memref<112xi32, #tpu.memory_space<vmem>>, vector<16xi32>,
    tpu.vector_store %arg15[%swap3A_423], %convert_element_type3A_420 {strides = array<i32>} : memref<112xi32, #tpu.memory_space<vmem>>, vector<16xi32>,
    %scan3A_425 = arith.constant 0 : i32
    %scan3A_426 = arith.constant 2 : i32
    %mul3A_427 = arith.constant 16 : i32
    %mul3A_428 = arith.muli %scan3A_426, %mul3A_427 : i32
    %add3A_429 = vector.broadcast %mul3A_428 : i32 to vector<16xi32>
    %add3A_430 = arith.addi %iota3A, %add3A_429 : vector<16xi32>
    %broadcast_in_dim3A_431 = arith.constant 16 : i32
    %broadcast_in_dim3A_432 = vector.broadcast %broadcast_in_dim3A_431 : i32 to vector<16xi32>
    %gather3A_433 = tpu.vector_load_idx %arg11[%add3A_430, %broadcast_in_dim3A_432] : memref<112x17xf32, #tpu.memory_space<vmem>>[vector<16xi32>, vector<16xi32>], vector<16xf32>,
    %convert_element_type3A_434 = arith.fptosi %gather3A_433 : vector<16xf32> to vector<16xi32>
    %mul3A_435 = arith.constant 16 : i32
    %mul3A_436 = arith.muli %scan3A_426, %mul3A_435 : i32
    %swap3A_437 = arith.index_cast %mul3A_436 : i32 to index
    %swap3A_438 = tpu.vector_load %arg15[%swap3A_437] {strides = array<i32>} : memref<112xi32, #tpu.memory_space<vmem>>, vector<16xi32>,
    tpu.vector_store %arg15[%swap3A_437], %convert_element_type3A_434 {strides = array<i32>} : memref<112xi32, #tpu.memory_space<vmem>>, vector<16xi32>,
    %scan3A_439 = arith.constant 0 : i32
    %scan3A_440 = arith.constant 3 : i32
    %mul3A_441 = arith.constant 16 : i32
    %mul3A_442 = arith.muli %scan3A_440, %mul3A_441 : i32
    %add3A_443 = vector.broadcast %mul3A_442 : i32 to vector<16xi32>
    %add3A_444 = arith.addi %iota3A, %add3A_443 : vector<16xi32>
    %broadcast_in_dim3A_445 = arith.constant 16 : i32
    %broadcast_in_dim3A_446 = vector.broadcast %broadcast_in_dim3A_445 : i32 to vector<16xi32>
    %gather3A_447 = tpu.vector_load_idx %arg11[%add3A_444, %broadcast_in_dim3A_446] : memref<112x17xf32, #tpu.memory_space<vmem>>[vector<16xi32>, vector<16xi32>], vector<16xf32>,
    %convert_element_type3A_448 = arith.fptosi %gather3A_447 : vector<16xf32> to vector<16xi32>
    %mul3A_449 = arith.constant 16 : i32
    %mul3A_450 = arith.muli %scan3A_440, %mul3A_449 : i32
    %swap3A_451 = arith.index_cast %mul3A_450 : i32 to index
    %swap3A_452 = tpu.vector_load %arg15[%swap3A_451] {strides = array<i32>} : memref<112xi32, #tpu.memory_space<vmem>>, vector<16xi32>,
    tpu.vector_store %arg15[%swap3A_451], %convert_element_type3A_448 {strides = array<i32>} : memref<112xi32, #tpu.memory_space<vmem>>, vector<16xi32>,
    %scan3A_453 = arith.constant 0 : i32
    %scan3A_454 = arith.constant 4 : i32
    %mul3A_455 = arith.constant 16 : i32
    %mul3A_456 = arith.muli %scan3A_454, %mul3A_455 : i32
    %add3A_457 = vector.broadcast %mul3A_456 : i32 to vector<16xi32>
    %add3A_458 = arith.addi %iota3A, %add3A_457 : vector<16xi32>
    %broadcast_in_dim3A_459 = arith.constant 16 : i32
    %broadcast_in_dim3A_460 = vector.broadcast %broadcast_in_dim3A_459 : i32 to vector<16xi32>
    %gather3A_461 = tpu.vector_load_idx %arg11[%add3A_458, %broadcast_in_dim3A_460] : memref<112x17xf32, #tpu.memory_space<vmem>>[vector<16xi32>, vector<16xi32>], vector<16xf32>,
    %convert_element_type3A_462 = arith.fptosi %gather3A_461 : vector<16xf32> to vector<16xi32>
    %mul3A_463 = arith.constant 16 : i32
    %mul3A_464 = arith.muli %scan3A_454, %mul3A_463 : i32
    %swap3A_465 = arith.index_cast %mul3A_464 : i32 to index
    %swap3A_466 = tpu.vector_load %arg15[%swap3A_465] {strides = array<i32>} : memref<112xi32, #tpu.memory_space<vmem>>, vector<16xi32>,
    tpu.vector_store %arg15[%swap3A_465], %convert_element_type3A_462 {strides = array<i32>} : memref<112xi32, #tpu.memory_space<vmem>>, vector<16xi32>,
    %scan3A_467 = arith.constant 0 : i32
    %scan3A_468 = arith.constant 5 : i32
    %mul3A_469 = arith.constant 16 : i32
    %mul3A_470 = arith.muli %scan3A_468, %mul3A_469 : i32
    %add3A_471 = vector.broadcast %mul3A_470 : i32 to vector<16xi32>
    %add3A_472 = arith.addi %iota3A, %add3A_471 : vector<16xi32>
    %broadcast_in_dim3A_473 = arith.constant 16 : i32
    %broadcast_in_dim3A_474 = vector.broadcast %broadcast_in_dim3A_473 : i32 to vector<16xi32>
    %gather3A_475 = tpu.vector_load_idx %arg11[%add3A_472, %broadcast_in_dim3A_474] : memref<112x17xf32, #tpu.memory_space<vmem>>[vector<16xi32>, vector<16xi32>], vector<16xf32>,
    %convert_element_type3A_476 = arith.fptosi %gather3A_475 : vector<16xf32> to vector<16xi32>
    %mul3A_477 = arith.constant 16 : i32
    %mul3A_478 = arith.muli %scan3A_468, %mul3A_477 : i32
    %swap3A_479 = arith.index_cast %mul3A_478 : i32 to index
    %swap3A_480 = tpu.vector_load %arg15[%swap3A_479] {strides = array<i32>} : memref<112xi32, #tpu.memory_space<vmem>>, vector<16xi32>,
    tpu.vector_store %arg15[%swap3A_479], %convert_element_type3A_476 {strides = array<i32>} : memref<112xi32, #tpu.memory_space<vmem>>, vector<16xi32>,
    %scan3A_481 = arith.constant 0 : i32
    %scan3A_482 = arith.constant 6 : i32
    %mul3A_483 = arith.constant 16 : i32
    %mul3A_484 = arith.muli %scan3A_482, %mul3A_483 : i32
    %add3A_485 = vector.broadcast %mul3A_484 : i32 to vector<16xi32>
    %add3A_486 = arith.addi %iota3A, %add3A_485 : vector<16xi32>
    %broadcast_in_dim3A_487 = arith.constant 16 : i32
    %broadcast_in_dim3A_488 = vector.broadcast %broadcast_in_dim3A_487 : i32 to vector<16xi32>
    %gather3A_489 = tpu.vector_load_idx %arg11[%add3A_486, %broadcast_in_dim3A_488] : memref<112x17xf32, #tpu.memory_space<vmem>>[vector<16xi32>, vector<16xi32>], vector<16xf32>,
    %convert_element_type3A_490 = arith.fptosi %gather3A_489 : vector<16xf32> to vector<16xi32>
    %mul3A_491 = arith.constant 16 : i32
    %mul3A_492 = arith.muli %scan3A_482, %mul3A_491 : i32
    %swap3A_493 = arith.index_cast %mul3A_492 : i32 to index
    %swap3A_494 = tpu.vector_load %arg15[%swap3A_493] {strides = array<i32>} : memref<112xi32, #tpu.memory_space<vmem>>, vector<16xi32>,
    tpu.vector_store %arg15[%swap3A_493], %convert_element_type3A_490 {strides = array<i32>} : memref<112xi32, #tpu.memory_space<vmem>>, vector<16xi32>,
    %scan3A_495 = arith.constant 0 : i32
    %scan3A_496 = arith.constant 7 : i32
    %dma_start3A_497 = arith.constant 0 : i32
    %dma_start3A_498 = arith.constant 0 : i32
    %dma_start3A_499 = tpu.memref_slice %arg5[%dma_start3A_497, %dma_start3A_498] : memref<28x128xf32, #tpu.memory_space<vmem_shared>> -> memref<28x128xf32, #tpu.memory_space<vmem_shared>>
    tpu.enqueue_indirect_dma source(%dma_start3A_499 : memref<28x128xf32, #tpu.memory_space<vmem_shared>>) target(%arg19 : memref<112x128xf32, #tpu.memory_space<vmem>>) offsets(%arg15 : memref<112xi32, #tpu.memory_space<vmem>>) semaphore(%arg27 : memref<!tpu.dma_semaphore, #tpu.memory_space<semaphore_mem>>)
    %dma_wait3A_500 = arith.constant 0 : i32
    %dma_wait3A_501 = arith.constant 0 : i32
    %dma_wait3A_502 = tpu.memref_slice %arg5[%dma_wait3A_500, %dma_wait3A_501] : memref<28x128xf32, #tpu.memory_space<vmem_shared>> -> memref<28x128xf32, #tpu.memory_space<vmem_shared>>
    tpu.wait_indirect_dma semaphore(%arg25 : memref<!tpu.dma_semaphore, #tpu.memory_space<semaphore_mem>>) src(%dma_wait3A_502 : memref<28x128xf32, #tpu.memory_space<vmem_shared>>) dst(%arg17 : memref<112x128xf32, #tpu.memory_space<vmem>>)
    %scan3A_503 = arith.constant 0 : i32
    %scan3A_504 = arith.constant 0 : i32
    %scan3A_505 = arith.constant 112 : i32
    %scan3A_506 = arith.addi %scan3A_504, %scan3A_505 : i32
    %scan3A_507 = arith.constant 8 : i32
    %scan3A_508 = scf.for %scan3A_617 = %scan3A_504 to %scan3A_506 step %scan3A_507 iter_args(%scan3A_618 = %scan3A_503) -> (i32)  : i32 {
      %get3A = arith.index_cast %scan3A_617 : i32 to index
      %get3A_619 = arith.constant 0 : index
      %get3A_620 = tpu.vector_load %arg9[%get3A, %get3A_619] {strides = array<i32>} : memref<112x17xf32, #tpu.memory_space<vmem>>, vector<16xf32>,
      %swap3A_621 = arith.index_cast %scan3A_617 : i32 to index
      %swap3A_622 = arith.constant 0 : index
      %swap3A_623 = tpu.vector_load %arg17[%swap3A_621, %swap3A_622] {strides = array<i32>} : memref<112x128xf32, #tpu.memory_space<vmem>>, vector<16xf32>,
      tpu.vector_store %arg17[%swap3A_621, %swap3A_622], %get3A_620 {strides = array<i32>} : memref<112x128xf32, #tpu.memory_space<vmem>>, vector<16xf32>,
      %scan3A_624 = arith.constant 0 : i32
      %scan3A_625 = arith.constant 1 : i32
      %scan3A_626 = arith.addi %scan3A_617, %scan3A_625 : i32
      %get3A_627 = arith.index_cast %scan3A_626 : i32 to index
      %get3A_628 = arith.constant 0 : index
      %get3A_629 = tpu.vector_load %arg9[%get3A_627, %get3A_628] {strides = array<i32>} : memref<112x17xf32, #tpu.memory_space<vmem>>, vector<16xf32>,
      %swap3A_630 = arith.index_cast %scan3A_626 : i32 to index
      %swap3A_631 = arith.constant 0 : index
      %swap3A_632 = tpu.vector_load %arg17[%swap3A_630, %swap3A_631] {strides = array<i32>} : memref<112x128xf32, #tpu.memory_space<vmem>>, vector<16xf32>,
      tpu.vector_store %arg17[%swap3A_630, %swap3A_631], %get3A_629 {strides = array<i32>} : memref<112x128xf32, #tpu.memory_space<vmem>>, vector<16xf32>,
      %scan3A_633 = arith.constant 0 : i32
      %scan3A_634 = arith.constant 2 : i32
      %scan3A_635 = arith.addi %scan3A_617, %scan3A_634 : i32
      %get3A_636 = arith.index_cast %scan3A_635 : i32 to index
      %get3A_637 = arith.constant 0 : index
      %get3A_638 = tpu.vector_load %arg9[%get3A_636, %get3A_637] {strides = array<i32>} : memref<112x17xf32, #tpu.memory_space<vmem>>, vector<16xf32>,
      %swap3A_639 = arith.index_cast %scan3A_635 : i32 to index
      %swap3A_640 = arith.constant 0 : index
      %swap3A_641 = tpu.vector_load %arg17[%swap3A_639, %swap3A_640] {strides = array<i32>} : memref<112x128xf32, #tpu.memory_space<vmem>>, vector<16xf32>,
      tpu.vector_store %arg17[%swap3A_639, %swap3A_640], %get3A_638 {strides = array<i32>} : memref<112x128xf32, #tpu.memory_space<vmem>>, vector<16xf32>,
      %scan3A_642 = arith.constant 0 : i32
      %scan3A_643 = arith.constant 3 : i32
      %scan3A_644 = arith.addi %scan3A_617, %scan3A_643 : i32
      %get3A_645 = arith.index_cast %scan3A_644 : i32 to index
      %get3A_646 = arith.constant 0 : index
      %get3A_647 = tpu.vector_load %arg9[%get3A_645, %get3A_646] {strides = array<i32>} : memref<112x17xf32, #tpu.memory_space<vmem>>, vector<16xf32>,
      %swap3A_648 = arith.index_cast %scan3A_644 : i32 to index
      %swap3A_649 = arith.constant 0 : index
      %swap3A_650 = tpu.vector_load %arg17[%swap3A_648, %swap3A_649] {strides = array<i32>} : memref<112x128xf32, #tpu.memory_space<vmem>>, vector<16xf32>,
      tpu.vector_store %arg17[%swap3A_648, %swap3A_649], %get3A_647 {strides = array<i32>} : memref<112x128xf32, #tpu.memory_space<vmem>>, vector<16xf32>,
      %scan3A_651 = arith.constant 0 : i32
      %scan3A_652 = arith.constant 4 : i32
      %scan3A_653 = arith.addi %scan3A_617, %scan3A_652 : i32
      %get3A_654 = arith.index_cast %scan3A_653 : i32 to index
      %get3A_655 = arith.constant 0 : index
      %get3A_656 = tpu.vector_load %arg9[%get3A_654, %get3A_655] {strides = array<i32>} : memref<112x17xf32, #tpu.memory_space<vmem>>, vector<16xf32>,
      %swap3A_657 = arith.index_cast %scan3A_653 : i32 to index
      %swap3A_658 = arith.constant 0 : index
      %swap3A_659 = tpu.vector_load %arg17[%swap3A_657, %swap3A_658] {strides = array<i32>} : memref<112x128xf32, #tpu.memory_space<vmem>>, vector<16xf32>,
      tpu.vector_store %arg17[%swap3A_657, %swap3A_658], %get3A_656 {strides = array<i32>} : memref<112x128xf32, #tpu.memory_space<vmem>>, vector<16xf32>,
      %scan3A_660 = arith.constant 0 : i32
      %scan3A_661 = arith.constant 5 : i32
      %scan3A_662 = arith.addi %scan3A_617, %scan3A_661 : i32
      %get3A_663 = arith.index_cast %scan3A_662 : i32 to index
      %get3A_664 = arith.constant 0 : index
      %get3A_665 = tpu.vector_load %arg9[%get3A_663, %get3A_664] {strides = array<i32>} : memref<112x17xf32, #tpu.memory_space<vmem>>, vector<16xf32>,
      %swap3A_666 = arith.index_cast %scan3A_662 : i32 to index
      %swap3A_667 = arith.constant 0 : index
      %swap3A_668 = tpu.vector_load %arg17[%swap3A_666, %swap3A_667] {strides = array<i32>} : memref<112x128xf32, #tpu.memory_space<vmem>>, vector<16xf32>,
      tpu.vector_store %arg17[%swap3A_666, %swap3A_667], %get3A_665 {strides = array<i32>} : memref<112x128xf32, #tpu.memory_space<vmem>>, vector<16xf32>,
      %scan3A_669 = arith.constant 0 : i32
      %scan3A_670 = arith.constant 6 : i32
      %scan3A_671 = arith.addi %scan3A_617, %scan3A_670 : i32
      %get3A_672 = arith.index_cast %scan3A_671 : i32 to index
      %get3A_673 = arith.constant 0 : index
      %get3A_674 = tpu.vector_load %arg9[%get3A_672, %get3A_673] {strides = array<i32>} : memref<112x17xf32, #tpu.memory_space<vmem>>, vector<16xf32>,
      %swap3A_675 = arith.index_cast %scan3A_671 : i32 to index
      %swap3A_676 = arith.constant 0 : index
      %swap3A_677 = tpu.vector_load %arg17[%swap3A_675, %swap3A_676] {strides = array<i32>} : memref<112x128xf32, #tpu.memory_space<vmem>>, vector<16xf32>,
      tpu.vector_store %arg17[%swap3A_675, %swap3A_676], %get3A_674 {strides = array<i32>} : memref<112x128xf32, #tpu.memory_space<vmem>>, vector<16xf32>,
      %scan3A_678 = arith.constant 0 : i32
      %scan3A_679 = arith.constant 7 : i32
      %scan3A_680 = arith.addi %scan3A_617, %scan3A_679 : i32
      %get3A_681 = arith.index_cast %scan3A_680 : i32 to index
      %get3A_682 = arith.constant 0 : index
      %get3A_683 = tpu.vector_load %arg9[%get3A_681, %get3A_682] {strides = array<i32>} : memref<112x17xf32, #tpu.memory_space<vmem>>, vector<16xf32>,
      %swap3A_684 = arith.index_cast %scan3A_680 : i32 to index
      %swap3A_685 = arith.constant 0 : index
      %swap3A_686 = tpu.vector_load %arg17[%swap3A_684, %swap3A_685] {strides = array<i32>} : memref<112x128xf32, #tpu.memory_space<vmem>>, vector<16xf32>,
      tpu.vector_store %arg17[%swap3A_684, %swap3A_685], %get3A_683 {strides = array<i32>} : memref<112x128xf32, #tpu.memory_space<vmem>>, vector<16xf32>,
      %scan3A_687 = arith.constant 0 : i32
      scf.yield %scan3A_687 : i32
    }
    %scan3A_509 = arith.constant 112 : i32
    %add3A_510 = arith.constant 112 : i32
    %add3A_511 = arith.addi %mul3A_2, %add3A_510 : i32
    %min3A_512 = arith.constant 99888 : i32
    %min3A_513 = arith.minsi %add3A_511, %min3A_512 : i32
    %dma_start3A_514 = arith.constant 0 : i32
    %dma_start3A_515 = tpu.memref_slice %arg4[%min3A_513, %dma_start3A_514] : memref<100000x128xf32, #tpu.memory_space<hbm>> -> memref<112x128xf32, #tpu.memory_space<hbm>>
    %dma_start3A_516 = arith.constant 0 : i32
    %dma_start3A_517 = tpu.memref_slice %arg4[%min3A_513, %dma_start3A_516] : memref<100000x128xf32, #tpu.memory_space<hbm>> -> memref<112x128xf32, #tpu.memory_space<hbm>>
    tpu.enqueue_dma source(%arg17 : memref<112x128xf32, #tpu.memory_space<vmem>>) target(%dma_start3A_517 : memref<112x128xf32, #tpu.memory_space<hbm>>) target_semaphore(%arg29 : memref<!tpu.dma_semaphore, #tpu.memory_space<semaphore_mem>>)
    %add3A_518 = arith.constant 560 : i32
    %add3A_519 = arith.addi %mul3A_2, %add3A_518 : i32
    %min3A_520 = arith.constant 99888 : i32
    %min3A_521 = arith.minsi %add3A_519, %min3A_520 : i32
    %dma_start3A_522 = arith.constant 0 : i32
    %dma_start3A_523 = tpu.memref_slice %arg2[%min3A_521, %dma_start3A_522] : memref<100000x17xf32, #tpu.memory_space<hbm>> -> memref<112x17xf32, #tpu.memory_space<hbm>>
    %dma_start3A_524 = arith.constant 0 : i32
    %dma_start3A_525 = tpu.memref_slice %arg2[%min3A_521, %dma_start3A_524] : memref<100000x17xf32, #tpu.memory_space<hbm>> -> memref<112x17xf32, #tpu.memory_space<hbm>>
    tpu.enqueue_dma source(%dma_start3A_525 : memref<112x17xf32, #tpu.memory_space<hbm>>) target(%arg9 : memref<112x17xf32, #tpu.memory_space<vmem>>) target_semaphore(%arg21 : memref<!tpu.dma_semaphore, #tpu.memory_space<semaphore_mem>>)
    %scan3A_526 = arith.constant 0 : i32
    %scan3A_527 = arith.constant 0 : i32
    %scan3A_528 = arith.constant 6 : i32
    %scan3A_529 = arith.addi %scan3A_527, %scan3A_528 : i32
    %scan3A_530 = arith.constant 1 : i32
    %scan3A_531 = scf.for %scan3A_617 = %scan3A_527 to %scan3A_529 step %scan3A_530 iter_args(%scan3A_618 = %scan3A_526) -> (i32)  : i32 {
      %mul3A_619 = arith.constant 4 : i32
      %mul3A_620 = arith.muli %scan3A_617, %mul3A_619 : i32
      %add3A_621 = arith.constant 2 : i32
      %add3A_622 = arith.addi %mul3A_620, %add3A_621 : i32
      %add3A_623 = arith.constant 0 : i32
      %add3A_624 = arith.addi %add3A_622, %add3A_623 : i32
      %add3A_625 = arith.constant 2 : i32
      %add3A_626 = arith.addi %add3A_624, %add3A_625 : i32
      %mul3A_627 = arith.constant 112 : i32
      %mul3A_628 = arith.muli %add3A_626, %mul3A_627 : i32
      %add3A_629 = arith.addi %mul3A_2, %mul3A_628 : i32
      %min3A_630 = arith.constant 99888 : i32
      %min3A_631 = arith.minsi %add3A_629, %min3A_630 : i32
      %dma_wait3A_632 = arith.constant 0 : i32
      %dma_wait3A_633 = tpu.memref_slice %arg2[%min3A_631, %dma_wait3A_632] : memref<100000x17xf32, #tpu.memory_space<hbm>> -> memref<112x17xf32, #tpu.memory_space<hbm>>
      %dma_wait3A_634 = arith.constant 0 : i32
      %dma_wait3A_635 = tpu.memref_slice %arg2[%min3A_631, %dma_wait3A_634] : memref<100000x17xf32, #tpu.memory_space<hbm>> -> memref<112x17xf32, #tpu.memory_space<hbm>>
      tpu.wait_dma2 semaphore(%arg20 : memref<!tpu.dma_semaphore, #tpu.memory_space<semaphore_mem>>) src(%dma_wait3A_635 : memref<112x17xf32, #tpu.memory_space<hbm>>) dst(%arg8 : memref<112x17xf32, #tpu.memory_space<vmem>>)
      %scan3A_636 = arith.constant 0 : i32
      %scan3A_637 = arith.constant 0 : i32
      %mul3A_638 = arith.constant 16 : i32
      %mul3A_639 = arith.muli %scan3A_637, %mul3A_638 : i32
      %add3A_640 = vector.broadcast %mul3A_639 : i32 to vector<16xi32>
      %add3A_641 = arith.addi %iota3A, %add3A_640 : vector<16xi32>
      %broadcast_in_dim3A_642 = arith.constant 16 : i32
      %broadcast_in_dim3A_643 = vector.broadcast %broadcast_in_dim3A_642 : i32 to vector<16xi32>
      %gather3A_644 = tpu.vector_load_idx %arg8[%add3A_641, %broadcast_in_dim3A_643] : memref<112x17xf32, #tpu.memory_space<vmem>>[vector<16xi32>, vector<16xi32>], vector<16xf32>,
      %convert_element_type3A_645 = arith.fptosi %gather3A_644 : vector<16xf32> to vector<16xi32>
      %mul3A_646 = arith.constant 16 : i32
      %mul3A_647 = arith.muli %scan3A_637, %mul3A_646 : i32
      %swap3A_648 = arith.index_cast %mul3A_647 : i32 to index
      %swap3A_649 = tpu.vector_load %arg12[%swap3A_648] {strides = array<i32>} : memref<112xi32, #tpu.memory_space<vmem>>, vector<16xi32>,
      tpu.vector_store %arg12[%swap3A_648], %convert_element_type3A_645 {strides = array<i32>} : memref<112xi32, #tpu.memory_space<vmem>>, vector<16xi32>,
      %scan3A_650 = arith.constant 0 : i32
      %scan3A_651 = arith.constant 1 : i32
      %mul3A_652 = arith.constant 16 : i32
      %mul3A_653 = arith.muli %scan3A_651, %mul3A_652 : i32
      %add3A_654 = vector.broadcast %mul3A_653 : i32 to vector<16xi32>
      %add3A_655 = arith.addi %iota3A, %add3A_654 : vector<16xi32>
      %broadcast_in_dim3A_656 = arith.constant 16 : i32
      %broadcast_in_dim3A_657 = vector.broadcast %broadcast_in_dim3A_656 : i32 to vector<16xi32>
      %gather3A_658 = tpu.vector_load_idx %arg8[%add3A_655, %broadcast_in_dim3A_657] : memref<112x17xf32, #tpu.memory_space<vmem>>[vector<16xi32>, vector<16xi32>], vector<16xf32>,
      %convert_element_type3A_659 = arith.fptosi %gather3A_658 : vector<16xf32> to vector<16xi32>
      %mul3A_660 = arith.constant 16 : i32
      %mul3A_661 = arith.muli %scan3A_651, %mul3A_660 : i32
      %swap3A_662 = arith.index_cast %mul3A_661 : i32 to index
      %swap3A_663 = tpu.vector_load %arg12[%swap3A_662] {strides = array<i32>} : memref<112xi32, #tpu.memory_space<vmem>>, vector<16xi32>,
      tpu.vector_store %arg12[%swap3A_662], %convert_element_type3A_659 {strides = array<i32>} : memref<112xi32, #tpu.memory_space<vmem>>, vector<16xi32>,
      %scan3A_664 = arith.constant 0 : i32
      %scan3A_665 = arith.constant 2 : i32
      %mul3A_666 = arith.constant 16 : i32
      %mul3A_667 = arith.muli %scan3A_665, %mul3A_666 : i32
      %add3A_668 = vector.broadcast %mul3A_667 : i32 to vector<16xi32>
      %add3A_669 = arith.addi %iota3A, %add3A_668 : vector<16xi32>
      %broadcast_in_dim3A_670 = arith.constant 16 : i32
      %broadcast_in_dim3A_671 = vector.broadcast %broadcast_in_dim3A_670 : i32 to vector<16xi32>
      %gather3A_672 = tpu.vector_load_idx %arg8[%add3A_669, %broadcast_in_dim3A_671] : memref<112x17xf32, #tpu.memory_space<vmem>>[vector<16xi32>, vector<16xi32>], vector<16xf32>,
      %convert_element_type3A_673 = arith.fptosi %gather3A_672 : vector<16xf32> to vector<16xi32>
      %mul3A_674 = arith.constant 16 : i32
      %mul3A_675 = arith.muli %scan3A_665, %mul3A_674 : i32
      %swap3A_676 = arith.index_cast %mul3A_675 : i32 to index
      %swap3A_677 = tpu.vector_load %arg12[%swap3A_676] {strides = array<i32>} : memref<112xi32, #tpu.memory_space<vmem>>, vector<16xi32>,
      tpu.vector_store %arg12[%swap3A_676], %convert_element_type3A_673 {strides = array<i32>} : memref<112xi32, #tpu.memory_space<vmem>>, vector<16xi32>,
      %scan3A_678 = arith.constant 0 : i32
      %scan3A_679 = arith.constant 3 : i32
      %mul3A_680 = arith.constant 16 : i32
      %mul3A_681 = arith.muli %scan3A_679, %mul3A_680 : i32
      %add3A_682 = vector.broadcast %mul3A_681 : i32 to vector<16xi32>
      %add3A_683 = arith.addi %iota3A, %add3A_682 : vector<16xi32>
      %broadcast_in_dim3A_684 = arith.constant 16 : i32
      %broadcast_in_dim3A_685 = vector.broadcast %broadcast_in_dim3A_684 : i32 to vector<16xi32>
      %gather3A_686 = tpu.vector_load_idx %arg8[%add3A_683, %broadcast_in_dim3A_685] : memref<112x17xf32, #tpu.memory_space<vmem>>[vector<16xi32>, vector<16xi32>], vector<16xf32>,
      %convert_element_type3A_687 = arith.fptosi %gather3A_686 : vector<16xf32> to vector<16xi32>
      %mul3A_688 = arith.constant 16 : i32
      %mul3A_689 = arith.muli %scan3A_679, %mul3A_688 : i32
      %swap3A_690 = arith.index_cast %mul3A_689 : i32 to index
      %swap3A_691 = tpu.vector_load %arg12[%swap3A_690] {strides = array<i32>} : memref<112xi32, #tpu.memory_space<vmem>>, vector<16xi32>,
      tpu.vector_store %arg12[%swap3A_690], %convert_element_type3A_687 {strides = array<i32>} : memref<112xi32, #tpu.memory_space<vmem>>, vector<16xi32>,
      %scan3A_692 = arith.constant 0 : i32
      %scan3A_693 = arith.constant 4 : i32
      %mul3A_694 = arith.constant 16 : i32
      %mul3A_695 = arith.muli %scan3A_693, %mul3A_694 : i32
      %add3A_696 = vector.broadcast %mul3A_695 : i32 to vector<16xi32>
      %add3A_697 = arith.addi %iota3A, %add3A_696 : vector<16xi32>
      %broadcast_in_dim3A_698 = arith.constant 16 : i32
      %broadcast_in_dim3A_699 = vector.broadcast %broadcast_in_dim3A_698 : i32 to vector<16xi32>
      %gather3A_700 = tpu.vector_load_idx %arg8[%add3A_697, %broadcast_in_dim3A_699] : memref<112x17xf32, #tpu.memory_space<vmem>>[vector<16xi32>, vector<16xi32>], vector<16xf32>,
      %convert_element_type3A_701 = arith.fptosi %gather3A_700 : vector<16xf32> to vector<16xi32>
      %mul3A_702 = arith.constant 16 : i32
      %mul3A_703 = arith.muli %scan3A_693, %mul3A_702 : i32
      %swap3A_704 = arith.index_cast %mul3A_703 : i32 to index
      %swap3A_705 = tpu.vector_load %arg12[%swap3A_704] {strides = array<i32>} : memref<112xi32, #tpu.memory_space<vmem>>, vector<16xi32>,
      tpu.vector_store %arg12[%swap3A_704], %convert_element_type3A_701 {strides = array<i32>} : memref<112xi32, #tpu.memory_space<vmem>>, vector<16xi32>,
      %scan3A_706 = arith.constant 0 : i32
      %scan3A_707 = arith.constant 5 : i32
      %mul3A_708 = arith.constant 16 : i32
      %mul3A_709 = arith.muli %scan3A_707, %mul3A_708 : i32
      %add3A_710 = vector.broadcast %mul3A_709 : i32 to vector<16xi32>
      %add3A_711 = arith.addi %iota3A, %add3A_710 : vector<16xi32>
      %broadcast_in_dim3A_712 = arith.constant 16 : i32
      %broadcast_in_dim3A_713 = vector.broadcast %broadcast_in_dim3A_712 : i32 to vector<16xi32>
      %gather3A_714 = tpu.vector_load_idx %arg8[%add3A_711, %broadcast_in_dim3A_713] : memref<112x17xf32, #tpu.memory_space<vmem>>[vector<16xi32>, vector<16xi32>], vector<16xf32>,
      %convert_element_type3A_715 = arith.fptosi %gather3A_714 : vector<16xf32> to vector<16xi32>
      %mul3A_716 = arith.constant 16 : i32
      %mul3A_717 = arith.muli %scan3A_707, %mul3A_716 : i32
      %swap3A_718 = arith.index_cast %mul3A_717 : i32 to index
      %swap3A_719 = tpu.vector_load %arg12[%swap3A_718] {strides = array<i32>} : memref<112xi32, #tpu.memory_space<vmem>>, vector<16xi32>,
      tpu.vector_store %arg12[%swap3A_718], %convert_element_type3A_715 {strides = array<i32>} : memref<112xi32, #tpu.memory_space<vmem>>, vector<16xi32>,
      %scan3A_720 = arith.constant 0 : i32
      %scan3A_721 = arith.constant 6 : i32
      %mul3A_722 = arith.constant 16 : i32
      %mul3A_723 = arith.muli %scan3A_721, %mul3A_722 : i32
      %add3A_724 = vector.broadcast %mul3A_723 : i32 to vector<16xi32>
      %add3A_725 = arith.addi %iota3A, %add3A_724 : vector<16xi32>
      %broadcast_in_dim3A_726 = arith.constant 16 : i32
      %broadcast_in_dim3A_727 = vector.broadcast %broadcast_in_dim3A_726 : i32 to vector<16xi32>
      %gather3A_728 = tpu.vector_load_idx %arg8[%add3A_725, %broadcast_in_dim3A_727] : memref<112x17xf32, #tpu.memory_space<vmem>>[vector<16xi32>, vector<16xi32>], vector<16xf32>,
      %convert_element_type3A_729 = arith.fptosi %gather3A_728 : vector<16xf32> to vector<16xi32>
      %mul3A_730 = arith.constant 16 : i32
      %mul3A_731 = arith.muli %scan3A_721, %mul3A_730 : i32
      %swap3A_732 = arith.index_cast %mul3A_731 : i32 to index
      %swap3A_733 = tpu.vector_load %arg12[%swap3A_732] {strides = array<i32>} : memref<112xi32, #tpu.memory_space<vmem>>, vector<16xi32>,
      tpu.vector_store %arg12[%swap3A_732], %convert_element_type3A_729 {strides = array<i32>} : memref<112xi32, #tpu.memory_space<vmem>>, vector<16xi32>,
      %scan3A_734 = arith.constant 0 : i32
      %scan3A_735 = arith.constant 7 : i32
      %sub3A = arith.constant 2 : i32
      %sub3A_736 = arith.subi %add3A_624, %sub3A : i32
      %mul3A_737 = arith.constant 112 : i32
      %mul3A_738 = arith.muli %sub3A_736, %mul3A_737 : i32
      %add3A_739 = arith.addi %mul3A_2, %mul3A_738 : i32
      %min3A_740 = arith.constant 99888 : i32
      %min3A_741 = arith.minsi %add3A_739, %min3A_740 : i32
      %dma_wait3A_742 = arith.constant 0 : i32
      %dma_wait3A_743 = tpu.memref_slice %arg4[%min3A_741, %dma_wait3A_742] : memref<100000x128xf32, #tpu.memory_space<hbm>> -> memref<112x128xf32, #tpu.memory_space<hbm>>
      %dma_wait3A_744 = arith.constant 0 : i32
      %dma_wait3A_745 = tpu.memref_slice %arg4[%min3A_741, %dma_wait3A_744] : memref<100000x128xf32, #tpu.memory_space<hbm>> -> memref<112x128xf32, #tpu.memory_space<hbm>>
      tpu.wait_dma2 semaphore(%arg28 : memref<!tpu.dma_semaphore, #tpu.memory_space<semaphore_mem>>) src(%arg16 : memref<112x128xf32, #tpu.memory_space<vmem>>) dst(%dma_wait3A_745 : memref<112x128xf32, #tpu.memory_space<hbm>>)
      %dma_start3A_746 = arith.constant 0 : i32
      %dma_start3A_747 = arith.constant 0 : i32
      %dma_start3A_748 = tpu.memref_slice %arg5[%dma_start3A_746, %dma_start3A_747] : memref<28x128xf32, #tpu.memory_space<vmem_shared>> -> memref<28x128xf32, #tpu.memory_space<vmem_shared>>
      tpu.enqueue_indirect_dma source(%dma_start3A_748 : memref<28x128xf32, #tpu.memory_space<vmem_shared>>) target(%arg16 : memref<112x128xf32, #tpu.memory_space<vmem>>) offsets(%arg12 : memref<112xi32, #tpu.memory_space<vmem>>) semaphore(%arg24 : memref<!tpu.dma_semaphore, #tpu.memory_space<semaphore_mem>>)
      %dma_wait3A_749 = arith.constant 0 : i32
      %dma_wait3A_750 = arith.constant 0 : i32
      %dma_wait3A_751 = tpu.memref_slice %arg5[%dma_wait3A_749, %dma_wait3A_750] : memref<28x128xf32, #tpu.memory_space<vmem_shared>> -> memref<28x128xf32, #tpu.memory_space<vmem_shared>>
      tpu.wait_indirect_dma semaphore(%arg26 : memref<!tpu.dma_semaphore, #tpu.memory_space<semaphore_mem>>) src(%dma_wait3A_751 : memref<28x128xf32, #tpu.memory_space<vmem_shared>>) dst(%arg18 : memref<112x128xf32, #tpu.memory_space<vmem>>)
      %scan3A_752 = arith.constant 0 : i32
      %scan3A_753 = arith.constant 0 : i32
      %scan3A_754 = arith.constant 112 : i32
      %scan3A_755 = arith.addi %scan3A_753, %scan3A_754 : i32
      %scan3A_756 = arith.constant 8 : i32
      %scan3A_757 = scf.for %scan3A_1263 = %scan3A_753 to %scan3A_755 step %scan3A_756 iter_args(%scan3A_1264 = %scan3A_752) -> (i32)  : i32 {
        %get3A = arith.index_cast %scan3A_1263 : i32 to index
        %get3A_1265 = arith.constant 0 : index
        %get3A_1266 = tpu.vector_load %arg10[%get3A, %get3A_1265] {strides = array<i32>} : memref<112x17xf32, #tpu.memory_space<vmem>>, vector<16xf32>,
        %swap3A_1267 = arith.index_cast %scan3A_1263 : i32 to index
        %swap3A_1268 = arith.constant 0 : index
        %swap3A_1269 = tpu.vector_load %arg18[%swap3A_1267, %swap3A_1268] {strides = array<i32>} : memref<112x128xf32, #tpu.memory_space<vmem>>, vector<16xf32>,
        tpu.vector_store %arg18[%swap3A_1267, %swap3A_1268], %get3A_1266 {strides = array<i32>} : memref<112x128xf32, #tpu.memory_space<vmem>>, vector<16xf32>,
        %scan3A_1270 = arith.constant 0 : i32
        %scan3A_1271 = arith.constant 1 : i32
        %scan3A_1272 = arith.addi %scan3A_1263, %scan3A_1271 : i32
        %get3A_1273 = arith.index_cast %scan3A_1272 : i32 to index
        %get3A_1274 = arith.constant 0 : index
        %get3A_1275 = tpu.vector_load %arg10[%get3A_1273, %get3A_1274] {strides = array<i32>} : memref<112x17xf32, #tpu.memory_space<vmem>>, vector<16xf32>,
        %swap3A_1276 = arith.index_cast %scan3A_1272 : i32 to index
        %swap3A_1277 = arith.constant 0 : index
        %swap3A_1278 = tpu.vector_load %arg18[%swap3A_1276, %swap3A_1277] {strides = array<i32>} : memref<112x128xf32, #tpu.memory_space<vmem>>, vector<16xf32>,
        tpu.vector_store %arg18[%swap3A_1276, %swap3A_1277], %get3A_1275 {strides = array<i32>} : memref<112x128xf32, #tpu.memory_space<vmem>>, vector<16xf32>,
        %scan3A_1279 = arith.constant 0 : i32
        %scan3A_1280 = arith.constant 2 : i32
        %scan3A_1281 = arith.addi %scan3A_1263, %scan3A_1280 : i32
        %get3A_1282 = arith.index_cast %scan3A_1281 : i32 to index
        %get3A_1283 = arith.constant 0 : index
        %get3A_1284 = tpu.vector_load %arg10[%get3A_1282, %get3A_1283] {strides = array<i32>} : memref<112x17xf32, #tpu.memory_space<vmem>>, vector<16xf32>,
        %swap3A_1285 = arith.index_cast %scan3A_1281 : i32 to index
        %swap3A_1286 = arith.constant 0 : index
        %swap3A_1287 = tpu.vector_load %arg18[%swap3A_1285, %swap3A_1286] {strides = array<i32>} : memref<112x128xf32, #tpu.memory_space<vmem>>, vector<16xf32>,
        tpu.vector_store %arg18[%swap3A_1285, %swap3A_1286], %get3A_1284 {strides = array<i32>} : memref<112x128xf32, #tpu.memory_space<vmem>>, vector<16xf32>,
        %scan3A_1288 = arith.constant 0 : i32
        %scan3A_1289 = arith.constant 3 : i32
        %scan3A_1290 = arith.addi %scan3A_1263, %scan3A_1289 : i32
        %get3A_1291 = arith.index_cast %scan3A_1290 : i32 to index
        %get3A_1292 = arith.constant 0 : index
        %get3A_1293 = tpu.vector_load %arg10[%get3A_1291, %get3A_1292] {strides = array<i32>} : memref<112x17xf32, #tpu.memory_space<vmem>>, vector<16xf32>,
        %swap3A_1294 = arith.index_cast %scan3A_1290 : i32 to index
        %swap3A_1295 = arith.constant 0 : index
        %swap3A_1296 = tpu.vector_load %arg18[%swap3A_1294, %swap3A_1295] {strides = array<i32>} : memref<112x128xf32, #tpu.memory_space<vmem>>, vector<16xf32>,
        tpu.vector_store %arg18[%swap3A_1294, %swap3A_1295], %get3A_1293 {strides = array<i32>} : memref<112x128xf32, #tpu.memory_space<vmem>>, vector<16xf32>,
        %scan3A_1297 = arith.constant 0 : i32
        %scan3A_1298 = arith.constant 4 : i32
        %scan3A_1299 = arith.addi %scan3A_1263, %scan3A_1298 : i32
        %get3A_1300 = arith.index_cast %scan3A_1299 : i32 to index
        %get3A_1301 = arith.constant 0 : index
        %get3A_1302 = tpu.vector_load %arg10[%get3A_1300, %get3A_1301] {strides = array<i32>} : memref<112x17xf32, #tpu.memory_space<vmem>>, vector<16xf32>,
        %swap3A_1303 = arith.index_cast %scan3A_1299 : i32 to index
        %swap3A_1304 = arith.constant 0 : index
        %swap3A_1305 = tpu.vector_load %arg18[%swap3A_1303, %swap3A_1304] {strides = array<i32>} : memref<112x128xf32, #tpu.memory_space<vmem>>, vector<16xf32>,
        tpu.vector_store %arg18[%swap3A_1303, %swap3A_1304], %get3A_1302 {strides = array<i32>} : memref<112x128xf32, #tpu.memory_space<vmem>>, vector<16xf32>,
        %scan3A_1306 = arith.constant 0 : i32
        %scan3A_1307 = arith.constant 5 : i32
        %scan3A_1308 = arith.addi %scan3A_1263, %scan3A_1307 : i32
        %get3A_1309 = arith.index_cast %scan3A_1308 : i32 to index
        %get3A_1310 = arith.constant 0 : index
        %get3A_1311 = tpu.vector_load %arg10[%get3A_1309, %get3A_1310] {strides = array<i32>} : memref<112x17xf32, #tpu.memory_space<vmem>>, vector<16xf32>,
        %swap3A_1312 = arith.index_cast %scan3A_1308 : i32 to index
        %swap3A_1313 = arith.constant 0 : index
        %swap3A_1314 = tpu.vector_load %arg18[%swap3A_1312, %swap3A_1313] {strides = array<i32>} : memref<112x128xf32, #tpu.memory_space<vmem>>, vector<16xf32>,
        tpu.vector_store %arg18[%swap3A_1312, %swap3A_1313], %get3A_1311 {strides = array<i32>} : memref<112x128xf32, #tpu.memory_space<vmem>>, vector<16xf32>,
        %scan3A_1315 = arith.constant 0 : i32
        %scan3A_1316 = arith.constant 6 : i32
        %scan3A_1317 = arith.addi %scan3A_1263, %scan3A_1316 : i32
        %get3A_1318 = arith.index_cast %scan3A_1317 : i32 to index
        %get3A_1319 = arith.constant 0 : index
        %get3A_1320 = tpu.vector_load %arg10[%get3A_1318, %get3A_1319] {strides = array<i32>} : memref<112x17xf32, #tpu.memory_space<vmem>>, vector<16xf32>,
        %swap3A_1321 = arith.index_cast %scan3A_1317 : i32 to index
        %swap3A_1322 = arith.constant 0 : index
        %swap3A_1323 = tpu.vector_load %arg18[%swap3A_1321, %swap3A_1322] {strides = array<i32>} : memref<112x128xf32, #tpu.memory_space<vmem>>, vector<16xf32>,
        tpu.vector_store %arg18[%swap3A_1321, %swap3A_1322], %get3A_1320 {strides = array<i32>} : memref<112x128xf32, #tpu.memory_space<vmem>>, vector<16xf32>,
        %scan3A_1324 = arith.constant 0 : i32
        %scan3A_1325 = arith.constant 7 : i32
        %scan3A_1326 = arith.addi %scan3A_1263, %scan3A_1325 : i32
        %get3A_1327 = arith.index_cast %scan3A_1326 : i32 to index
        %get3A_1328 = arith.constant 0 : index
        %get3A_1329 = tpu.vector_load %arg10[%get3A_1327, %get3A_1328] {strides = array<i32>} : memref<112x17xf32, #tpu.memory_space<vmem>>, vector<16xf32>,
        %swap3A_1330 = arith.index_cast %scan3A_1326 : i32 to index
        %swap3A_1331 = arith.constant 0 : index
        %swap3A_1332 = tpu.vector_load %arg18[%swap3A_1330, %swap3A_1331] {strides = array<i32>} : memref<112x128xf32, #tpu.memory_space<vmem>>, vector<16xf32>,
        tpu.vector_store %arg18[%swap3A_1330, %swap3A_1331], %get3A_1329 {strides = array<i32>} : memref<112x128xf32, #tpu.memory_space<vmem>>, vector<16xf32>,
        %scan3A_1333 = arith.constant 0 : i32
        scf.yield %scan3A_1333 : i32
      }
      %scan3A_758 = arith.constant 112 : i32
      %mul3A_759 = arith.constant 112 : i32
      %mul3A_760 = arith.muli %add3A_624, %mul3A_759 : i32
      %add3A_761 = arith.addi %mul3A_2, %mul3A_760 : i32
      %min3A_762 = arith.constant 99888 : i32
      %min3A_763 = arith.minsi %add3A_761, %min3A_762 : i32
      %dma_start3A_764 = arith.constant 0 : i32
      %dma_start3A_765 = tpu.memref_slice %arg4[%min3A_763, %dma_start3A_764] : memref<100000x128xf32, #tpu.memory_space<hbm>> -> memref<112x128xf32, #tpu.memory_space<hbm>>
      %dma_start3A_766 = arith.constant 0 : i32
      %dma_start3A_767 = tpu.memref_slice %arg4[%min3A_763, %dma_start3A_766] : memref<100000x128xf32, #tpu.memory_space<hbm>> -> memref<112x128xf32, #tpu.memory_space<hbm>>
      tpu.enqueue_dma source(%arg18 : memref<112x128xf32, #tpu.memory_space<vmem>>) target(%dma_start3A_767 : memref<112x128xf32, #tpu.memory_space<hbm>>) target_semaphore(%arg30 : memref<!tpu.dma_semaphore, #tpu.memory_space<semaphore_mem>>)
      %add3A_768 = arith.constant 4 : i32
      %add3A_769 = arith.addi %add3A_624, %add3A_768 : i32
      %mul3A_770 = arith.constant 112 : i32
      %mul3A_771 = arith.muli %add3A_769, %mul3A_770 : i32
      %add3A_772 = arith.addi %mul3A_2, %mul3A_771 : i32
      %min3A_773 = arith.constant 99888 : i32
      %min3A_774 = arith.minsi %add3A_772, %min3A_773 : i32
      %dma_start3A_775 = arith.constant 0 : i32
      %dma_start3A_776 = tpu.memref_slice %arg2[%min3A_774, %dma_start3A_775] : memref<100000x17xf32, #tpu.memory_space<hbm>> -> memref<112x17xf32, #tpu.memory_space<hbm>>
      %dma_start3A_777 = arith.constant 0 : i32
      %dma_start3A_778 = tpu.memref_slice %arg2[%min3A_774, %dma_start3A_777] : memref<100000x17xf32, #tpu.memory_space<hbm>> -> memref<112x17xf32, #tpu.memory_space<hbm>>
      tpu.enqueue_dma source(%dma_start3A_778 : memref<112x17xf32, #tpu.memory_space<hbm>>) target(%arg10 : memref<112x17xf32, #tpu.memory_space<vmem>>) target_semaphore(%arg22 : memref<!tpu.dma_semaphore, #tpu.memory_space<semaphore_mem>>)
      %mul3A_779 = arith.constant 4 : i32
      %mul3A_780 = arith.muli %scan3A_617, %mul3A_779 : i32
      %add3A_781 = arith.constant 2 : i32
      %add3A_782 = arith.addi %mul3A_780, %add3A_781 : i32
      %add3A_783 = arith.constant 1 : i32
      %add3A_784 = arith.addi %add3A_782, %add3A_783 : i32
      %add3A_785 = arith.constant 2 : i32
      %add3A_786 = arith.addi %add3A_784, %add3A_785 : i32
      %mul3A_787 = arith.constant 112 : i32
      %mul3A_788 = arith.muli %add3A_786, %mul3A_787 : i32
      %add3A_789 = arith.addi %mul3A_2, %mul3A_788 : i32
      %min3A_790 = arith.constant 99888 : i32
      %min3A_791 = arith.minsi %add3A_789, %min3A_790 : i32
      %dma_wait3A_792 = arith.constant 0 : i32
      %dma_wait3A_793 = tpu.memref_slice %arg2[%min3A_791, %dma_wait3A_792] : memref<100000x17xf32, #tpu.memory_space<hbm>> -> memref<112x17xf32, #tpu.memory_space<hbm>>
      %dma_wait3A_794 = arith.constant 0 : i32
      %dma_wait3A_795 = tpu.memref_slice %arg2[%min3A_791, %dma_wait3A_794] : memref<100000x17xf32, #tpu.memory_space<hbm>> -> memref<112x17xf32, #tpu.memory_space<hbm>>
      tpu.wait_dma2 semaphore(%arg21 : memref<!tpu.dma_semaphore, #tpu.memory_space<semaphore_mem>>) src(%dma_wait3A_795 : memref<112x17xf32, #tpu.memory_space<hbm>>) dst(%arg9 : memref<112x17xf32, #tpu.memory_space<vmem>>)
      %scan3A_796 = arith.constant 0 : i32
      %scan3A_797 = arith.constant 0 : i32
      %mul3A_798 = arith.constant 16 : i32
      %mul3A_799 = arith.muli %scan3A_797, %mul3A_798 : i32
      %add3A_800 = vector.broadcast %mul3A_799 : i32 to vector<16xi32>
      %add3A_801 = arith.addi %iota3A, %add3A_800 : vector<16xi32>
      %broadcast_in_dim3A_802 = arith.constant 16 : i32
      %broadcast_in_dim3A_803 = vector.broadcast %broadcast_in_dim3A_802 : i32 to vector<16xi32>
      %gather3A_804 = tpu.vector_load_idx %arg9[%add3A_801, %broadcast_in_dim3A_803] : memref<112x17xf32, #tpu.memory_space<vmem>>[vector<16xi32>, vector<16xi32>], vector<16xf32>,
      %convert_element_type3A_805 = arith.fptosi %gather3A_804 : vector<16xf32> to vector<16xi32>
      %mul3A_806 = arith.constant 16 : i32
      %mul3A_807 = arith.muli %scan3A_797, %mul3A_806 : i32
      %swap3A_808 = arith.index_cast %mul3A_807 : i32 to index
      %swap3A_809 = tpu.vector_load %arg13[%swap3A_808] {strides = array<i32>} : memref<112xi32, #tpu.memory_space<vmem>>, vector<16xi32>,
      tpu.vector_store %arg13[%swap3A_808], %convert_element_type3A_805 {strides = array<i32>} : memref<112xi32, #tpu.memory_space<vmem>>, vector<16xi32>,
      %scan3A_810 = arith.constant 0 : i32
      %scan3A_811 = arith.constant 1 : i32
      %mul3A_812 = arith.constant 16 : i32
      %mul3A_813 = arith.muli %scan3A_811, %mul3A_812 : i32
      %add3A_814 = vector.broadcast %mul3A_813 : i32 to vector<16xi32>
      %add3A_815 = arith.addi %iota3A, %add3A_814 : vector<16xi32>
      %broadcast_in_dim3A_816 = arith.constant 16 : i32
      %broadcast_in_dim3A_817 = vector.broadcast %broadcast_in_dim3A_816 : i32 to vector<16xi32>
      %gather3A_818 = tpu.vector_load_idx %arg9[%add3A_815, %broadcast_in_dim3A_817] : memref<112x17xf32, #tpu.memory_space<vmem>>[vector<16xi32>, vector<16xi32>], vector<16xf32>,
      %convert_element_type3A_819 = arith.fptosi %gather3A_818 : vector<16xf32> to vector<16xi32>
      %mul3A_820 = arith.constant 16 : i32
      %mul3A_821 = arith.muli %scan3A_811, %mul3A_820 : i32
      %swap3A_822 = arith.index_cast %mul3A_821 : i32 to index
      %swap3A_823 = tpu.vector_load %arg13[%swap3A_822] {strides = array<i32>} : memref<112xi32, #tpu.memory_space<vmem>>, vector<16xi32>,
      tpu.vector_store %arg13[%swap3A_822], %convert_element_type3A_819 {strides = array<i32>} : memref<112xi32, #tpu.memory_space<vmem>>, vector<16xi32>,
      %scan3A_824 = arith.constant 0 : i32
      %scan3A_825 = arith.constant 2 : i32
      %mul3A_826 = arith.constant 16 : i32
      %mul3A_827 = arith.muli %scan3A_825, %mul3A_826 : i32
      %add3A_828 = vector.broadcast %mul3A_827 : i32 to vector<16xi32>
      %add3A_829 = arith.addi %iota3A, %add3A_828 : vector<16xi32>
      %broadcast_in_dim3A_830 = arith.constant 16 : i32
      %broadcast_in_dim3A_831 = vector.broadcast %broadcast_in_dim3A_830 : i32 to vector<16xi32>
      %gather3A_832 = tpu.vector_load_idx %arg9[%add3A_829, %broadcast_in_dim3A_831] : memref<112x17xf32, #tpu.memory_space<vmem>>[vector<16xi32>, vector<16xi32>], vector<16xf32>,
      %convert_element_type3A_833 = arith.fptosi %gather3A_832 : vector<16xf32> to vector<16xi32>
      %mul3A_834 = arith.constant 16 : i32
      %mul3A_835 = arith.muli %scan3A_825, %mul3A_834 : i32
      %swap3A_836 = arith.index_cast %mul3A_835 : i32 to index
      %swap3A_837 = tpu.vector_load %arg13[%swap3A_836] {strides = array<i32>} : memref<112xi32, #tpu.memory_space<vmem>>, vector<16xi32>,
      tpu.vector_store %arg13[%swap3A_836], %convert_element_type3A_833 {strides = array<i32>} : memref<112xi32, #tpu.memory_space<vmem>>, vector<16xi32>,
      %scan3A_838 = arith.constant 0 : i32
      %scan3A_839 = arith.constant 3 : i32
      %mul3A_840 = arith.constant 16 : i32
      %mul3A_841 = arith.muli %scan3A_839, %mul3A_840 : i32
      %add3A_842 = vector.broadcast %mul3A_841 : i32 to vector<16xi32>
      %add3A_843 = arith.addi %iota3A, %add3A_842 : vector<16xi32>
      %broadcast_in_dim3A_844 = arith.constant 16 : i32
      %broadcast_in_dim3A_845 = vector.broadcast %broadcast_in_dim3A_844 : i32 to vector<16xi32>
      %gather3A_846 = tpu.vector_load_idx %arg9[%add3A_843, %broadcast_in_dim3A_845] : memref<112x17xf32, #tpu.memory_space<vmem>>[vector<16xi32>, vector<16xi32>], vector<16xf32>,
      %convert_element_type3A_847 = arith.fptosi %gather3A_846 : vector<16xf32> to vector<16xi32>
      %mul3A_848 = arith.constant 16 : i32
      %mul3A_849 = arith.muli %scan3A_839, %mul3A_848 : i32
      %swap3A_850 = arith.index_cast %mul3A_849 : i32 to index
      %swap3A_851 = tpu.vector_load %arg13[%swap3A_850] {strides = array<i32>} : memref<112xi32, #tpu.memory_space<vmem>>, vector<16xi32>,
      tpu.vector_store %arg13[%swap3A_850], %convert_element_type3A_847 {strides = array<i32>} : memref<112xi32, #tpu.memory_space<vmem>>, vector<16xi32>,
      %scan3A_852 = arith.constant 0 : i32
      %scan3A_853 = arith.constant 4 : i32
      %mul3A_854 = arith.constant 16 : i32
      %mul3A_855 = arith.muli %scan3A_853, %mul3A_854 : i32
      %add3A_856 = vector.broadcast %mul3A_855 : i32 to vector<16xi32>
      %add3A_857 = arith.addi %iota3A, %add3A_856 : vector<16xi32>
      %broadcast_in_dim3A_858 = arith.constant 16 : i32
      %broadcast_in_dim3A_859 = vector.broadcast %broadcast_in_dim3A_858 : i32 to vector<16xi32>
      %gather3A_860 = tpu.vector_load_idx %arg9[%add3A_857, %broadcast_in_dim3A_859] : memref<112x17xf32, #tpu.memory_space<vmem>>[vector<16xi32>, vector<16xi32>], vector<16xf32>,
      %convert_element_type3A_861 = arith.fptosi %gather3A_860 : vector<16xf32> to vector<16xi32>
      %mul3A_862 = arith.constant 16 : i32
      %mul3A_863 = arith.muli %scan3A_853, %mul3A_862 : i32
      %swap3A_864 = arith.index_cast %mul3A_863 : i32 to index
      %swap3A_865 = tpu.vector_load %arg13[%swap3A_864] {strides = array<i32>} : memref<112xi32, #tpu.memory_space<vmem>>, vector<16xi32>,
      tpu.vector_store %arg13[%swap3A_864], %convert_element_type3A_861 {strides = array<i32>} : memref<112xi32, #tpu.memory_space<vmem>>, vector<16xi32>,
      %scan3A_866 = arith.constant 0 : i32
      %scan3A_867 = arith.constant 5 : i32
      %mul3A_868 = arith.constant 16 : i32
      %mul3A_869 = arith.muli %scan3A_867, %mul3A_868 : i32
      %add3A_870 = vector.broadcast %mul3A_869 : i32 to vector<16xi32>
      %add3A_871 = arith.addi %iota3A, %add3A_870 : vector<16xi32>
      %broadcast_in_dim3A_872 = arith.constant 16 : i32
      %broadcast_in_dim3A_873 = vector.broadcast %broadcast_in_dim3A_872 : i32 to vector<16xi32>
      %gather3A_874 = tpu.vector_load_idx %arg9[%add3A_871, %broadcast_in_dim3A_873] : memref<112x17xf32, #tpu.memory_space<vmem>>[vector<16xi32>, vector<16xi32>], vector<16xf32>,
      %convert_element_type3A_875 = arith.fptosi %gather3A_874 : vector<16xf32> to vector<16xi32>
      %mul3A_876 = arith.constant 16 : i32
      %mul3A_877 = arith.muli %scan3A_867, %mul3A_876 : i32
      %swap3A_878 = arith.index_cast %mul3A_877 : i32 to index
      %swap3A_879 = tpu.vector_load %arg13[%swap3A_878] {strides = array<i32>} : memref<112xi32, #tpu.memory_space<vmem>>, vector<16xi32>,
      tpu.vector_store %arg13[%swap3A_878], %convert_element_type3A_875 {strides = array<i32>} : memref<112xi32, #tpu.memory_space<vmem>>, vector<16xi32>,
      %scan3A_880 = arith.constant 0 : i32
      %scan3A_881 = arith.constant 6 : i32
      %mul3A_882 = arith.constant 16 : i32
      %mul3A_883 = arith.muli %scan3A_881, %mul3A_882 : i32
      %add3A_884 = vector.broadcast %mul3A_883 : i32 to vector<16xi32>
      %add3A_885 = arith.addi %iota3A, %add3A_884 : vector<16xi32>
      %broadcast_in_dim3A_886 = arith.constant 16 : i32
      %broadcast_in_dim3A_887 = vector.broadcast %broadcast_in_dim3A_886 : i32 to vector<16xi32>
      %gather3A_888 = tpu.vector_load_idx %arg9[%add3A_885, %broadcast_in_dim3A_887] : memref<112x17xf32, #tpu.memory_space<vmem>>[vector<16xi32>, vector<16xi32>], vector<16xf32>,
      %convert_element_type3A_889 = arith.fptosi %gather3A_888 : vector<16xf32> to vector<16xi32>
      %mul3A_890 = arith.constant 16 : i32
      %mul3A_891 = arith.muli %scan3A_881, %mul3A_890 : i32
      %swap3A_892 = arith.index_cast %mul3A_891 : i32 to index
      %swap3A_893 = tpu.vector_load %arg13[%swap3A_892] {strides = array<i32>} : memref<112xi32, #tpu.memory_space<vmem>>, vector<16xi32>,
      tpu.vector_store %arg13[%swap3A_892], %convert_element_type3A_889 {strides = array<i32>} : memref<112xi32, #tpu.memory_space<vmem>>, vector<16xi32>,
      %scan3A_894 = arith.constant 0 : i32
      %scan3A_895 = arith.constant 7 : i32
      %sub3A_896 = arith.constant 2 : i32
      %sub3A_897 = arith.subi %add3A_784, %sub3A_896 : i32
      %mul3A_898 = arith.constant 112 : i32
      %mul3A_899 = arith.muli %sub3A_897, %mul3A_898 : i32
      %add3A_900 = arith.addi %mul3A_2, %mul3A_899 : i32
      %min3A_901 = arith.constant 99888 : i32
      %min3A_902 = arith.minsi %add3A_900, %min3A_901 : i32
      %dma_wait3A_903 = arith.constant 0 : i32
      %dma_wait3A_904 = tpu.memref_slice %arg4[%min3A_902, %dma_wait3A_903] : memref<100000x128xf32, #tpu.memory_space<hbm>> -> memref<112x128xf32, #tpu.memory_space<hbm>>
      %dma_wait3A_905 = arith.constant 0 : i32
      %dma_wait3A_906 = tpu.memref_slice %arg4[%min3A_902, %dma_wait3A_905] : memref<100000x128xf32, #tpu.memory_space<hbm>> -> memref<112x128xf32, #tpu.memory_space<hbm>>
      tpu.wait_dma2 semaphore(%arg29 : memref<!tpu.dma_semaphore, #tpu.memory_space<semaphore_mem>>) src(%arg17 : memref<112x128xf32, #tpu.memory_space<vmem>>) dst(%dma_wait3A_906 : memref<112x128xf32, #tpu.memory_space<hbm>>)
      %dma_start3A_907 = arith.constant 0 : i32
      %dma_start3A_908 = arith.constant 0 : i32
      %dma_start3A_909 = tpu.memref_slice %arg5[%dma_start3A_907, %dma_start3A_908] : memref<28x128xf32, #tpu.memory_space<vmem_shared>> -> memref<28x128xf32, #tpu.memory_space<vmem_shared>>
      tpu.enqueue_indirect_dma source(%dma_start3A_909 : memref<28x128xf32, #tpu.memory_space<vmem_shared>>) target(%arg17 : memref<112x128xf32, #tpu.memory_space<vmem>>) offsets(%arg13 : memref<112xi32, #tpu.memory_space<vmem>>) semaphore(%arg25 : memref<!tpu.dma_semaphore, #tpu.memory_space<semaphore_mem>>)
      %dma_wait3A_910 = arith.constant 0 : i32
      %dma_wait3A_911 = arith.constant 0 : i32
      %dma_wait3A_912 = tpu.memref_slice %arg5[%dma_wait3A_910, %dma_wait3A_911] : memref<28x128xf32, #tpu.memory_space<vmem_shared>> -> memref<28x128xf32, #tpu.memory_space<vmem_shared>>
      tpu.wait_indirect_dma semaphore(%arg27 : memref<!tpu.dma_semaphore, #tpu.memory_space<semaphore_mem>>) src(%dma_wait3A_912 : memref<28x128xf32, #tpu.memory_space<vmem_shared>>) dst(%arg19 : memref<112x128xf32, #tpu.memory_space<vmem>>)
      %scan3A_913 = arith.constant 0 : i32
      %scan3A_914 = arith.constant 0 : i32
      %scan3A_915 = arith.constant 112 : i32
      %scan3A_916 = arith.addi %scan3A_914, %scan3A_915 : i32
      %scan3A_917 = arith.constant 8 : i32
      %scan3A_918 = scf.for %scan3A_1263 = %scan3A_914 to %scan3A_916 step %scan3A_917 iter_args(%scan3A_1264 = %scan3A_913) -> (i32)  : i32 {
        %get3A = arith.index_cast %scan3A_1263 : i32 to index
        %get3A_1265 = arith.constant 0 : index
        %get3A_1266 = tpu.vector_load %arg11[%get3A, %get3A_1265] {strides = array<i32>} : memref<112x17xf32, #tpu.memory_space<vmem>>, vector<16xf32>,
        %swap3A_1267 = arith.index_cast %scan3A_1263 : i32 to index
        %swap3A_1268 = arith.constant 0 : index
        %swap3A_1269 = tpu.vector_load %arg19[%swap3A_1267, %swap3A_1268] {strides = array<i32>} : memref<112x128xf32, #tpu.memory_space<vmem>>, vector<16xf32>,
        tpu.vector_store %arg19[%swap3A_1267, %swap3A_1268], %get3A_1266 {strides = array<i32>} : memref<112x128xf32, #tpu.memory_space<vmem>>, vector<16xf32>,
        %scan3A_1270 = arith.constant 0 : i32
        %scan3A_1271 = arith.constant 1 : i32
        %scan3A_1272 = arith.addi %scan3A_1263, %scan3A_1271 : i32
        %get3A_1273 = arith.index_cast %scan3A_1272 : i32 to index
        %get3A_1274 = arith.constant 0 : index
        %get3A_1275 = tpu.vector_load %arg11[%get3A_1273, %get3A_1274] {strides = array<i32>} : memref<112x17xf32, #tpu.memory_space<vmem>>, vector<16xf32>,
        %swap3A_1276 = arith.index_cast %scan3A_1272 : i32 to index
        %swap3A_1277 = arith.constant 0 : index
        %swap3A_1278 = tpu.vector_load %arg19[%swap3A_1276, %swap3A_1277] {strides = array<i32>} : memref<112x128xf32, #tpu.memory_space<vmem>>, vector<16xf32>,
        tpu.vector_store %arg19[%swap3A_1276, %swap3A_1277], %get3A_1275 {strides = array<i32>} : memref<112x128xf32, #tpu.memory_space<vmem>>, vector<16xf32>,
        %scan3A_1279 = arith.constant 0 : i32
        %scan3A_1280 = arith.constant 2 : i32
        %scan3A_1281 = arith.addi %scan3A_1263, %scan3A_1280 : i32
        %get3A_1282 = arith.index_cast %scan3A_1281 : i32 to index
        %get3A_1283 = arith.constant 0 : index
        %get3A_1284 = tpu.vector_load %arg11[%get3A_1282, %get3A_1283] {strides = array<i32>} : memref<112x17xf32, #tpu.memory_space<vmem>>, vector<16xf32>,
        %swap3A_1285 = arith.index_cast %scan3A_1281 : i32 to index
        %swap3A_1286 = arith.constant 0 : index
        %swap3A_1287 = tpu.vector_load %arg19[%swap3A_1285, %swap3A_1286] {strides = array<i32>} : memref<112x128xf32, #tpu.memory_space<vmem>>, vector<16xf32>,
        tpu.vector_store %arg19[%swap3A_1285, %swap3A_1286], %get3A_1284 {strides = array<i32>} : memref<112x128xf32, #tpu.memory_space<vmem>>, vector<16xf32>,
        %scan3A_1288 = arith.constant 0 : i32
        %scan3A_1289 = arith.constant 3 : i32
        %scan3A_1290 = arith.addi %scan3A_1263, %scan3A_1289 : i32
        %get3A_1291 = arith.index_cast %scan3A_1290 : i32 to index
        %get3A_1292 = arith.constant 0 : index
        %get3A_1293 = tpu.vector_load %arg11[%get3A_1291, %get3A_1292] {strides = array<i32>} : memref<112x17xf32, #tpu.memory_space<vmem>>, vector<16xf32>,
        %swap3A_1294 = arith.index_cast %scan3A_1290 : i32 to index
        %swap3A_1295 = arith.constant 0 : index
        %swap3A_1296 = tpu.vector_load %arg19[%swap3A_1294, %swap3A_1295] {strides = array<i32>} : memref<112x128xf32, #tpu.memory_space<vmem>>, vector<16xf32>,
        tpu.vector_store %arg19[%swap3A_1294, %swap3A_1295], %get3A_1293 {strides = array<i32>} : memref<112x128xf32, #tpu.memory_space<vmem>>, vector<16xf32>,
        %scan3A_1297 = arith.constant 0 : i32
        %scan3A_1298 = arith.constant 4 : i32
        %scan3A_1299 = arith.addi %scan3A_1263, %scan3A_1298 : i32
        %get3A_1300 = arith.index_cast %scan3A_1299 : i32 to index
        %get3A_1301 = arith.constant 0 : index
        %get3A_1302 = tpu.vector_load %arg11[%get3A_1300, %get3A_1301] {strides = array<i32>} : memref<112x17xf32, #tpu.memory_space<vmem>>, vector<16xf32>,
        %swap3A_1303 = arith.index_cast %scan3A_1299 : i32 to index
        %swap3A_1304 = arith.constant 0 : index
        %swap3A_1305 = tpu.vector_load %arg19[%swap3A_1303, %swap3A_1304] {strides = array<i32>} : memref<112x128xf32, #tpu.memory_space<vmem>>, vector<16xf32>,
        tpu.vector_store %arg19[%swap3A_1303, %swap3A_1304], %get3A_1302 {strides = array<i32>} : memref<112x128xf32, #tpu.memory_space<vmem>>, vector<16xf32>,
        %scan3A_1306 = arith.constant 0 : i32
        %scan3A_1307 = arith.constant 5 : i32
        %scan3A_1308 = arith.addi %scan3A_1263, %scan3A_1307 : i32
        %get3A_1309 = arith.index_cast %scan3A_1308 : i32 to index
        %get3A_1310 = arith.constant 0 : index
        %get3A_1311 = tpu.vector_load %arg11[%get3A_1309, %get3A_1310] {strides = array<i32>} : memref<112x17xf32, #tpu.memory_space<vmem>>, vector<16xf32>,
        %swap3A_1312 = arith.index_cast %scan3A_1308 : i32 to index
        %swap3A_1313 = arith.constant 0 : index
        %swap3A_1314 = tpu.vector_load %arg19[%swap3A_1312, %swap3A_1313] {strides = array<i32>} : memref<112x128xf32, #tpu.memory_space<vmem>>, vector<16xf32>,
        tpu.vector_store %arg19[%swap3A_1312, %swap3A_1313], %get3A_1311 {strides = array<i32>} : memref<112x128xf32, #tpu.memory_space<vmem>>, vector<16xf32>,
        %scan3A_1315 = arith.constant 0 : i32
        %scan3A_1316 = arith.constant 6 : i32
        %scan3A_1317 = arith.addi %scan3A_1263, %scan3A_1316 : i32
        %get3A_1318 = arith.index_cast %scan3A_1317 : i32 to index
        %get3A_1319 = arith.constant 0 : index
        %get3A_1320 = tpu.vector_load %arg11[%get3A_1318, %get3A_1319] {strides = array<i32>} : memref<112x17xf32, #tpu.memory_space<vmem>>, vector<16xf32>,
        %swap3A_1321 = arith.index_cast %scan3A_1317 : i32 to index
        %swap3A_1322 = arith.constant 0 : index
        %swap3A_1323 = tpu.vector_load %arg19[%swap3A_1321, %swap3A_1322] {strides = array<i32>} : memref<112x128xf32, #tpu.memory_space<vmem>>, vector<16xf32>,
        tpu.vector_store %arg19[%swap3A_1321, %swap3A_1322], %get3A_1320 {strides = array<i32>} : memref<112x128xf32, #tpu.memory_space<vmem>>, vector<16xf32>,
        %scan3A_1324 = arith.constant 0 : i32
        %scan3A_1325 = arith.constant 7 : i32
        %scan3A_1326 = arith.addi %scan3A_1263, %scan3A_1325 : i32
        %get3A_1327 = arith.index_cast %scan3A_1326 : i32 to index
        %get3A_1328 = arith.constant 0 : index
        %get3A_1329 = tpu.vector_load %arg11[%get3A_1327, %get3A_1328] {strides = array<i32>} : memref<112x17xf32, #tpu.memory_space<vmem>>, vector<16xf32>,
        %swap3A_1330 = arith.index_cast %scan3A_1326 : i32 to index
        %swap3A_1331 = arith.constant 0 : index
        %swap3A_1332 = tpu.vector_load %arg19[%swap3A_1330, %swap3A_1331] {strides = array<i32>} : memref<112x128xf32, #tpu.memory_space<vmem>>, vector<16xf32>,
        tpu.vector_store %arg19[%swap3A_1330, %swap3A_1331], %get3A_1329 {strides = array<i32>} : memref<112x128xf32, #tpu.memory_space<vmem>>, vector<16xf32>,
        %scan3A_1333 = arith.constant 0 : i32
        scf.yield %scan3A_1333 : i32
      }
      %scan3A_919 = arith.constant 112 : i32
      %mul3A_920 = arith.constant 112 : i32
      %mul3A_921 = arith.muli %add3A_784, %mul3A_920 : i32
      %add3A_922 = arith.addi %mul3A_2, %mul3A_921 : i32
      %min3A_923 = arith.constant 99888 : i32
      %min3A_924 = arith.minsi %add3A_922, %min3A_923 : i32
      %dma_start3A_925 = arith.constant 0 : i32
      %dma_start3A_926 = tpu.memref_slice %arg4[%min3A_924, %dma_start3A_925] : memref<100000x128xf32, #tpu.memory_space<hbm>> -> memref<112x128xf32, #tpu.memory_space<hbm>>
      %dma_start3A_927 = arith.constant 0 : i32
      %dma_start3A_928 = tpu.memref_slice %arg4[%min3A_924, %dma_start3A_927] : memref<100000x128xf32, #tpu.memory_space<hbm>> -> memref<112x128xf32, #tpu.memory_space<hbm>>
      tpu.enqueue_dma source(%arg19 : memref<112x128xf32, #tpu.memory_space<vmem>>) target(%dma_start3A_928 : memref<112x128xf32, #tpu.memory_space<hbm>>) target_semaphore(%arg31 : memref<!tpu.dma_semaphore, #tpu.memory_space<semaphore_mem>>)
      %add3A_929 = arith.constant 4 : i32
      %add3A_930 = arith.addi %add3A_784, %add3A_929 : i32
      %mul3A_931 = arith.constant 112 : i32
      %mul3A_932 = arith.muli %add3A_930, %mul3A_931 : i32
      %add3A_933 = arith.addi %mul3A_2, %mul3A_932 : i32
      %min3A_934 = arith.constant 99888 : i32
      %min3A_935 = arith.minsi %add3A_933, %min3A_934 : i32
      %dma_start3A_936 = arith.constant 0 : i32
      %dma_start3A_937 = tpu.memref_slice %arg2[%min3A_935, %dma_start3A_936] : memref<100000x17xf32, #tpu.memory_space<hbm>> -> memref<112x17xf32, #tpu.memory_space<hbm>>
      %dma_start3A_938 = arith.constant 0 : i32
      %dma_start3A_939 = tpu.memref_slice %arg2[%min3A_935, %dma_start3A_938] : memref<100000x17xf32, #tpu.memory_space<hbm>> -> memref<112x17xf32, #tpu.memory_space<hbm>>
      tpu.enqueue_dma source(%dma_start3A_939 : memref<112x17xf32, #tpu.memory_space<hbm>>) target(%arg11 : memref<112x17xf32, #tpu.memory_space<vmem>>) target_semaphore(%arg23 : memref<!tpu.dma_semaphore, #tpu.memory_space<semaphore_mem>>)
      %mul3A_940 = arith.constant 4 : i32
      %mul3A_941 = arith.muli %scan3A_617, %mul3A_940 : i32
      %add3A_942 = arith.constant 2 : i32
      %add3A_943 = arith.addi %mul3A_941, %add3A_942 : i32
      %add3A_944 = arith.constant 2 : i32
      %add3A_945 = arith.addi %add3A_943, %add3A_944 : i32
      %add3A_946 = arith.constant 2 : i32
      %add3A_947 = arith.addi %add3A_945, %add3A_946 : i32
      %mul3A_948 = arith.constant 112 : i32
      %mul3A_949 = arith.muli %add3A_947, %mul3A_948 : i32
      %add3A_950 = arith.addi %mul3A_2, %mul3A_949 : i32
      %min3A_951 = arith.constant 99888 : i32
      %min3A_952 = arith.minsi %add3A_950, %min3A_951 : i32
      %dma_wait3A_953 = arith.constant 0 : i32
      %dma_wait3A_954 = tpu.memref_slice %arg2[%min3A_952, %dma_wait3A_953] : memref<100000x17xf32, #tpu.memory_space<hbm>> -> memref<112x17xf32, #tpu.memory_space<hbm>>
      %dma_wait3A_955 = arith.constant 0 : i32
      %dma_wait3A_956 = tpu.memref_slice %arg2[%min3A_952, %dma_wait3A_955] : memref<100000x17xf32, #tpu.memory_space<hbm>> -> memref<112x17xf32, #tpu.memory_space<hbm>>
      tpu.wait_dma2 semaphore(%arg22 : memref<!tpu.dma_semaphore, #tpu.memory_space<semaphore_mem>>) src(%dma_wait3A_956 : memref<112x17xf32, #tpu.memory_space<hbm>>) dst(%arg10 : memref<112x17xf32, #tpu.memory_space<vmem>>)
      %scan3A_957 = arith.constant 0 : i32
      %scan3A_958 = arith.constant 0 : i32
      %mul3A_959 = arith.constant 16 : i32
      %mul3A_960 = arith.muli %scan3A_958, %mul3A_959 : i32
      %add3A_961 = vector.broadcast %mul3A_960 : i32 to vector<16xi32>
      %add3A_962 = arith.addi %iota3A, %add3A_961 : vector<16xi32>
      %broadcast_in_dim3A_963 = arith.constant 16 : i32
      %broadcast_in_dim3A_964 = vector.broadcast %broadcast_in_dim3A_963 : i32 to vector<16xi32>
      %gather3A_965 = tpu.vector_load_idx %arg10[%add3A_962, %broadcast_in_dim3A_964] : memref<112x17xf32, #tpu.memory_space<vmem>>[vector<16xi32>, vector<16xi32>], vector<16xf32>,
      %convert_element_type3A_966 = arith.fptosi %gather3A_965 : vector<16xf32> to vector<16xi32>
      %mul3A_967 = arith.constant 16 : i32
      %mul3A_968 = arith.muli %scan3A_958, %mul3A_967 : i32
      %swap3A_969 = arith.index_cast %mul3A_968 : i32 to index
      %swap3A_970 = tpu.vector_load %arg14[%swap3A_969] {strides = array<i32>} : memref<112xi32, #tpu.memory_space<vmem>>, vector<16xi32>,
      tpu.vector_store %arg14[%swap3A_969], %convert_element_type3A_966 {strides = array<i32>} : memref<112xi32, #tpu.memory_space<vmem>>, vector<16xi32>,
      %scan3A_971 = arith.constant 0 : i32
      %scan3A_972 = arith.constant 1 : i32
      %mul3A_973 = arith.constant 16 : i32
      %mul3A_974 = arith.muli %scan3A_972, %mul3A_973 : i32
      %add3A_975 = vector.broadcast %mul3A_974 : i32 to vector<16xi32>
      %add3A_976 = arith.addi %iota3A, %add3A_975 : vector<16xi32>
      %broadcast_in_dim3A_977 = arith.constant 16 : i32
      %broadcast_in_dim3A_978 = vector.broadcast %broadcast_in_dim3A_977 : i32 to vector<16xi32>
      %gather3A_979 = tpu.vector_load_idx %arg10[%add3A_976, %broadcast_in_dim3A_978] : memref<112x17xf32, #tpu.memory_space<vmem>>[vector<16xi32>, vector<16xi32>], vector<16xf32>,
      %convert_element_type3A_980 = arith.fptosi %gather3A_979 : vector<16xf32> to vector<16xi32>
      %mul3A_981 = arith.constant 16 : i32
      %mul3A_982 = arith.muli %scan3A_972, %mul3A_981 : i32
      %swap3A_983 = arith.index_cast %mul3A_982 : i32 to index
      %swap3A_984 = tpu.vector_load %arg14[%swap3A_983] {strides = array<i32>} : memref<112xi32, #tpu.memory_space<vmem>>, vector<16xi32>,
      tpu.vector_store %arg14[%swap3A_983], %convert_element_type3A_980 {strides = array<i32>} : memref<112xi32, #tpu.memory_space<vmem>>, vector<16xi32>,
      %scan3A_985 = arith.constant 0 : i32
      %scan3A_986 = arith.constant 2 : i32
      %mul3A_987 = arith.constant 16 : i32
      %mul3A_988 = arith.muli %scan3A_986, %mul3A_987 : i32
      %add3A_989 = vector.broadcast %mul3A_988 : i32 to vector<16xi32>
      %add3A_990 = arith.addi %iota3A, %add3A_989 : vector<16xi32>
      %broadcast_in_dim3A_991 = arith.constant 16 : i32
      %broadcast_in_dim3A_992 = vector.broadcast %broadcast_in_dim3A_991 : i32 to vector<16xi32>
      %gather3A_993 = tpu.vector_load_idx %arg10[%add3A_990, %broadcast_in_dim3A_992] : memref<112x17xf32, #tpu.memory_space<vmem>>[vector<16xi32>, vector<16xi32>], vector<16xf32>,
      %convert_element_type3A_994 = arith.fptosi %gather3A_993 : vector<16xf32> to vector<16xi32>
      %mul3A_995 = arith.constant 16 : i32
      %mul3A_996 = arith.muli %scan3A_986, %mul3A_995 : i32
      %swap3A_997 = arith.index_cast %mul3A_996 : i32 to index
      %swap3A_998 = tpu.vector_load %arg14[%swap3A_997] {strides = array<i32>} : memref<112xi32, #tpu.memory_space<vmem>>, vector<16xi32>,
      tpu.vector_store %arg14[%swap3A_997], %convert_element_type3A_994 {strides = array<i32>} : memref<112xi32, #tpu.memory_space<vmem>>, vector<16xi32>,
      %scan3A_999 = arith.constant 0 : i32
      %scan3A_1000 = arith.constant 3 : i32
      %mul3A_1001 = arith.constant 16 : i32
      %mul3A_1002 = arith.muli %scan3A_1000, %mul3A_1001 : i32
      %add3A_1003 = vector.broadcast %mul3A_1002 : i32 to vector<16xi32>
      %add3A_1004 = arith.addi %iota3A, %add3A_1003 : vector<16xi32>
      %broadcast_in_dim3A_1005 = arith.constant 16 : i32
      %broadcast_in_dim3A_1006 = vector.broadcast %broadcast_in_dim3A_1005 : i32 to vector<16xi32>
      %gather3A_1007 = tpu.vector_load_idx %arg10[%add3A_1004, %broadcast_in_dim3A_1006] : memref<112x17xf32, #tpu.memory_space<vmem>>[vector<16xi32>, vector<16xi32>], vector<16xf32>,
      %convert_element_type3A_1008 = arith.fptosi %gather3A_1007 : vector<16xf32> to vector<16xi32>
      %mul3A_1009 = arith.constant 16 : i32
      %mul3A_1010 = arith.muli %scan3A_1000, %mul3A_1009 : i32
      %swap3A_1011 = arith.index_cast %mul3A_1010 : i32 to index
      %swap3A_1012 = tpu.vector_load %arg14[%swap3A_1011] {strides = array<i32>} : memref<112xi32, #tpu.memory_space<vmem>>, vector<16xi32>,
      tpu.vector_store %arg14[%swap3A_1011], %convert_element_type3A_1008 {strides = array<i32>} : memref<112xi32, #tpu.memory_space<vmem>>, vector<16xi32>,
      %scan3A_1013 = arith.constant 0 : i32
      %scan3A_1014 = arith.constant 4 : i32
      %mul3A_1015 = arith.constant 16 : i32
      %mul3A_1016 = arith.muli %scan3A_1014, %mul3A_1015 : i32
      %add3A_1017 = vector.broadcast %mul3A_1016 : i32 to vector<16xi32>
      %add3A_1018 = arith.addi %iota3A, %add3A_1017 : vector<16xi32>
      %broadcast_in_dim3A_1019 = arith.constant 16 : i32
      %broadcast_in_dim3A_1020 = vector.broadcast %broadcast_in_dim3A_1019 : i32 to vector<16xi32>
      %gather3A_1021 = tpu.vector_load_idx %arg10[%add3A_1018, %broadcast_in_dim3A_1020] : memref<112x17xf32, #tpu.memory_space<vmem>>[vector<16xi32>, vector<16xi32>], vector<16xf32>,
      %convert_element_type3A_1022 = arith.fptosi %gather3A_1021 : vector<16xf32> to vector<16xi32>
      %mul3A_1023 = arith.constant 16 : i32
      %mul3A_1024 = arith.muli %scan3A_1014, %mul3A_1023 : i32
      %swap3A_1025 = arith.index_cast %mul3A_1024 : i32 to index
      %swap3A_1026 = tpu.vector_load %arg14[%swap3A_1025] {strides = array<i32>} : memref<112xi32, #tpu.memory_space<vmem>>, vector<16xi32>,
      tpu.vector_store %arg14[%swap3A_1025], %convert_element_type3A_1022 {strides = array<i32>} : memref<112xi32, #tpu.memory_space<vmem>>, vector<16xi32>,
      %scan3A_1027 = arith.constant 0 : i32
      %scan3A_1028 = arith.constant 5 : i32
      %mul3A_1029 = arith.constant 16 : i32
      %mul3A_1030 = arith.muli %scan3A_1028, %mul3A_1029 : i32
      %add3A_1031 = vector.broadcast %mul3A_1030 : i32 to vector<16xi32>
      %add3A_1032 = arith.addi %iota3A, %add3A_1031 : vector<16xi32>
      %broadcast_in_dim3A_1033 = arith.constant 16 : i32
      %broadcast_in_dim3A_1034 = vector.broadcast %broadcast_in_dim3A_1033 : i32 to vector<16xi32>
      %gather3A_1035 = tpu.vector_load_idx %arg10[%add3A_1032, %broadcast_in_dim3A_1034] : memref<112x17xf32, #tpu.memory_space<vmem>>[vector<16xi32>, vector<16xi32>], vector<16xf32>,
      %convert_element_type3A_1036 = arith.fptosi %gather3A_1035 : vector<16xf32> to vector<16xi32>
      %mul3A_1037 = arith.constant 16 : i32
      %mul3A_1038 = arith.muli %scan3A_1028, %mul3A_1037 : i32
      %swap3A_1039 = arith.index_cast %mul3A_1038 : i32 to index
      %swap3A_1040 = tpu.vector_load %arg14[%swap3A_1039] {strides = array<i32>} : memref<112xi32, #tpu.memory_space<vmem>>, vector<16xi32>,
      tpu.vector_store %arg14[%swap3A_1039], %convert_element_type3A_1036 {strides = array<i32>} : memref<112xi32, #tpu.memory_space<vmem>>, vector<16xi32>,
      %scan3A_1041 = arith.constant 0 : i32
      %scan3A_1042 = arith.constant 6 : i32
      %mul3A_1043 = arith.constant 16 : i32
      %mul3A_1044 = arith.muli %scan3A_1042, %mul3A_1043 : i32
      %add3A_1045 = vector.broadcast %mul3A_1044 : i32 to vector<16xi32>
      %add3A_1046 = arith.addi %iota3A, %add3A_1045 : vector<16xi32>
      %broadcast_in_dim3A_1047 = arith.constant 16 : i32
      %broadcast_in_dim3A_1048 = vector.broadcast %broadcast_in_dim3A_1047 : i32 to vector<16xi32>
      %gather3A_1049 = tpu.vector_load_idx %arg10[%add3A_1046, %broadcast_in_dim3A_1048] : memref<112x17xf32, #tpu.memory_space<vmem>>[vector<16xi32>, vector<16xi32>], vector<16xf32>,
      %convert_element_type3A_1050 = arith.fptosi %gather3A_1049 : vector<16xf32> to vector<16xi32>
      %mul3A_1051 = arith.constant 16 : i32
      %mul3A_1052 = arith.muli %scan3A_1042, %mul3A_1051 : i32
      %swap3A_1053 = arith.index_cast %mul3A_1052 : i32 to index
      %swap3A_1054 = tpu.vector_load %arg14[%swap3A_1053] {strides = array<i32>} : memref<112xi32, #tpu.memory_space<vmem>>, vector<16xi32>,
      tpu.vector_store %arg14[%swap3A_1053], %convert_element_type3A_1050 {strides = array<i32>} : memref<112xi32, #tpu.memory_space<vmem>>, vector<16xi32>,
      %scan3A_1055 = arith.constant 0 : i32
      %scan3A_1056 = arith.constant 7 : i32
      %sub3A_1057 = arith.constant 2 : i32
      %sub3A_1058 = arith.subi %add3A_945, %sub3A_1057 : i32
      %mul3A_1059 = arith.constant 112 : i32
      %mul3A_1060 = arith.muli %sub3A_1058, %mul3A_1059 : i32
      %add3A_1061 = arith.addi %mul3A_2, %mul3A_1060 : i32
      %min3A_1062 = arith.constant 99888 : i32
      %min3A_1063 = arith.minsi %add3A_1061, %min3A_1062 : i32
      %dma_wait3A_1064 = arith.constant 0 : i32
      %dma_wait3A_1065 = tpu.memref_slice %arg4[%min3A_1063, %dma_wait3A_1064] : memref<100000x128xf32, #tpu.memory_space<hbm>> -> memref<112x128xf32, #tpu.memory_space<hbm>>
      %dma_wait3A_1066 = arith.constant 0 : i32
      %dma_wait3A_1067 = tpu.memref_slice %arg4[%min3A_1063, %dma_wait3A_1066] : memref<100000x128xf32, #tpu.memory_space<hbm>> -> memref<112x128xf32, #tpu.memory_space<hbm>>
      tpu.wait_dma2 semaphore(%arg30 : memref<!tpu.dma_semaphore, #tpu.memory_space<semaphore_mem>>) src(%arg18 : memref<112x128xf32, #tpu.memory_space<vmem>>) dst(%dma_wait3A_1067 : memref<112x128xf32, #tpu.memory_space<hbm>>)
      %dma_start3A_1068 = arith.constant 0 : i32
      %dma_start3A_1069 = arith.constant 0 : i32
      %dma_start3A_1070 = tpu.memref_slice %arg5[%dma_start3A_1068, %dma_start3A_1069] : memref<28x128xf32, #tpu.memory_space<vmem_shared>> -> memref<28x128xf32, #tpu.memory_space<vmem_shared>>
      tpu.enqueue_indirect_dma source(%dma_start3A_1070 : memref<28x128xf32, #tpu.memory_space<vmem_shared>>) target(%arg18 : memref<112x128xf32, #tpu.memory_space<vmem>>) offsets(%arg14 : memref<112xi32, #tpu.memory_space<vmem>>) semaphore(%arg26 : memref<!tpu.dma_semaphore, #tpu.memory_space<semaphore_mem>>)
      %dma_wait3A_1071 = arith.constant 0 : i32
      %dma_wait3A_1072 = arith.constant 0 : i32
      %dma_wait3A_1073 = tpu.memref_slice %arg5[%dma_wait3A_1071, %dma_wait3A_1072] : memref<28x128xf32, #tpu.memory_space<vmem_shared>> -> memref<28x128xf32, #tpu.memory_space<vmem_shared>>
      tpu.wait_indirect_dma semaphore(%arg24 : memref<!tpu.dma_semaphore, #tpu.memory_space<semaphore_mem>>) src(%dma_wait3A_1073 : memref<28x128xf32, #tpu.memory_space<vmem_shared>>) dst(%arg16 : memref<112x128xf32, #tpu.memory_space<vmem>>)
      %scan3A_1074 = arith.constant 0 : i32
      %scan3A_1075 = arith.constant 0 : i32
      %scan3A_1076 = arith.constant 112 : i32
      %scan3A_1077 = arith.addi %scan3A_1075, %scan3A_1076 : i32
      %scan3A_1078 = arith.constant 8 : i32
      %scan3A_1079 = scf.for %scan3A_1263 = %scan3A_1075 to %scan3A_1077 step %scan3A_1078 iter_args(%scan3A_1264 = %scan3A_1074) -> (i32)  : i32 {
        %get3A = arith.index_cast %scan3A_1263 : i32 to index
        %get3A_1265 = arith.constant 0 : index
        %get3A_1266 = tpu.vector_load %arg8[%get3A, %get3A_1265] {strides = array<i32>} : memref<112x17xf32, #tpu.memory_space<vmem>>, vector<16xf32>,
        %swap3A_1267 = arith.index_cast %scan3A_1263 : i32 to index
        %swap3A_1268 = arith.constant 0 : index
        %swap3A_1269 = tpu.vector_load %arg16[%swap3A_1267, %swap3A_1268] {strides = array<i32>} : memref<112x128xf32, #tpu.memory_space<vmem>>, vector<16xf32>,
        tpu.vector_store %arg16[%swap3A_1267, %swap3A_1268], %get3A_1266 {strides = array<i32>} : memref<112x128xf32, #tpu.memory_space<vmem>>, vector<16xf32>,
        %scan3A_1270 = arith.constant 0 : i32
        %scan3A_1271 = arith.constant 1 : i32
        %scan3A_1272 = arith.addi %scan3A_1263, %scan3A_1271 : i32
        %get3A_1273 = arith.index_cast %scan3A_1272 : i32 to index
        %get3A_1274 = arith.constant 0 : index
        %get3A_1275 = tpu.vector_load %arg8[%get3A_1273, %get3A_1274] {strides = array<i32>} : memref<112x17xf32, #tpu.memory_space<vmem>>, vector<16xf32>,
        %swap3A_1276 = arith.index_cast %scan3A_1272 : i32 to index
        %swap3A_1277 = arith.constant 0 : index
        %swap3A_1278 = tpu.vector_load %arg16[%swap3A_1276, %swap3A_1277] {strides = array<i32>} : memref<112x128xf32, #tpu.memory_space<vmem>>, vector<16xf32>,
        tpu.vector_store %arg16[%swap3A_1276, %swap3A_1277], %get3A_1275 {strides = array<i32>} : memref<112x128xf32, #tpu.memory_space<vmem>>, vector<16xf32>,
        %scan3A_1279 = arith.constant 0 : i32
        %scan3A_1280 = arith.constant 2 : i32
        %scan3A_1281 = arith.addi %scan3A_1263, %scan3A_1280 : i32
        %get3A_1282 = arith.index_cast %scan3A_1281 : i32 to index
        %get3A_1283 = arith.constant 0 : index
        %get3A_1284 = tpu.vector_load %arg8[%get3A_1282, %get3A_1283] {strides = array<i32>} : memref<112x17xf32, #tpu.memory_space<vmem>>, vector<16xf32>,
        %swap3A_1285 = arith.index_cast %scan3A_1281 : i32 to index
        %swap3A_1286 = arith.constant 0 : index
        %swap3A_1287 = tpu.vector_load %arg16[%swap3A_1285, %swap3A_1286] {strides = array<i32>} : memref<112x128xf32, #tpu.memory_space<vmem>>, vector<16xf32>,
        tpu.vector_store %arg16[%swap3A_1285, %swap3A_1286], %get3A_1284 {strides = array<i32>} : memref<112x128xf32, #tpu.memory_space<vmem>>, vector<16xf32>,
        %scan3A_1288 = arith.constant 0 : i32
        %scan3A_1289 = arith.constant 3 : i32
        %scan3A_1290 = arith.addi %scan3A_1263, %scan3A_1289 : i32
        %get3A_1291 = arith.index_cast %scan3A_1290 : i32 to index
        %get3A_1292 = arith.constant 0 : index
        %get3A_1293 = tpu.vector_load %arg8[%get3A_1291, %get3A_1292] {strides = array<i32>} : memref<112x17xf32, #tpu.memory_space<vmem>>, vector<16xf32>,
        %swap3A_1294 = arith.index_cast %scan3A_1290 : i32 to index
        %swap3A_1295 = arith.constant 0 : index
        %swap3A_1296 = tpu.vector_load %arg16[%swap3A_1294, %swap3A_1295] {strides = array<i32>} : memref<112x128xf32, #tpu.memory_space<vmem>>, vector<16xf32>,
        tpu.vector_store %arg16[%swap3A_1294, %swap3A_1295], %get3A_1293 {strides = array<i32>} : memref<112x128xf32, #tpu.memory_space<vmem>>, vector<16xf32>,
        %scan3A_1297 = arith.constant 0 : i32
        %scan3A_1298 = arith.constant 4 : i32
        %scan3A_1299 = arith.addi %scan3A_1263, %scan3A_1298 : i32
        %get3A_1300 = arith.index_cast %scan3A_1299 : i32 to index
        %get3A_1301 = arith.constant 0 : index
        %get3A_1302 = tpu.vector_load %arg8[%get3A_1300, %get3A_1301] {strides = array<i32>} : memref<112x17xf32, #tpu.memory_space<vmem>>, vector<16xf32>,
        %swap3A_1303 = arith.index_cast %scan3A_1299 : i32 to index
        %swap3A_1304 = arith.constant 0 : index
        %swap3A_1305 = tpu.vector_load %arg16[%swap3A_1303, %swap3A_1304] {strides = array<i32>} : memref<112x128xf32, #tpu.memory_space<vmem>>, vector<16xf32>,
        tpu.vector_store %arg16[%swap3A_1303, %swap3A_1304], %get3A_1302 {strides = array<i32>} : memref<112x128xf32, #tpu.memory_space<vmem>>, vector<16xf32>,
        %scan3A_1306 = arith.constant 0 : i32
        %scan3A_1307 = arith.constant 5 : i32
        %scan3A_1308 = arith.addi %scan3A_1263, %scan3A_1307 : i32
        %get3A_1309 = arith.index_cast %scan3A_1308 : i32 to index
        %get3A_1310 = arith.constant 0 : index
        %get3A_1311 = tpu.vector_load %arg8[%get3A_1309, %get3A_1310] {strides = array<i32>} : memref<112x17xf32, #tpu.memory_space<vmem>>, vector<16xf32>,
        %swap3A_1312 = arith.index_cast %scan3A_1308 : i32 to index
        %swap3A_1313 = arith.constant 0 : index
        %swap3A_1314 = tpu.vector_load %arg16[%swap3A_1312, %swap3A_1313] {strides = array<i32>} : memref<112x128xf32, #tpu.memory_space<vmem>>, vector<16xf32>,
        tpu.vector_store %arg16[%swap3A_1312, %swap3A_1313], %get3A_1311 {strides = array<i32>} : memref<112x128xf32, #tpu.memory_space<vmem>>, vector<16xf32>,
        %scan3A_1315 = arith.constant 0 : i32
        %scan3A_1316 = arith.constant 6 : i32
        %scan3A_1317 = arith.addi %scan3A_1263, %scan3A_1316 : i32
        %get3A_1318 = arith.index_cast %scan3A_1317 : i32 to index
        %get3A_1319 = arith.constant 0 : index
        %get3A_1320 = tpu.vector_load %arg8[%get3A_1318, %get3A_1319] {strides = array<i32>} : memref<112x17xf32, #tpu.memory_space<vmem>>, vector<16xf32>,
        %swap3A_1321 = arith.index_cast %scan3A_1317 : i32 to index
        %swap3A_1322 = arith.constant 0 : index
        %swap3A_1323 = tpu.vector_load %arg16[%swap3A_1321, %swap3A_1322] {strides = array<i32>} : memref<112x128xf32, #tpu.memory_space<vmem>>, vector<16xf32>,
        tpu.vector_store %arg16[%swap3A_1321, %swap3A_1322], %get3A_1320 {strides = array<i32>} : memref<112x128xf32, #tpu.memory_space<vmem>>, vector<16xf32>,
        %scan3A_1324 = arith.constant 0 : i32
        %scan3A_1325 = arith.constant 7 : i32
        %scan3A_1326 = arith.addi %scan3A_1263, %scan3A_1325 : i32
        %get3A_1327 = arith.index_cast %scan3A_1326 : i32 to index
        %get3A_1328 = arith.constant 0 : index
        %get3A_1329 = tpu.vector_load %arg8[%get3A_1327, %get3A_1328] {strides = array<i32>} : memref<112x17xf32, #tpu.memory_space<vmem>>, vector<16xf32>,
        %swap3A_1330 = arith.index_cast %scan3A_1326 : i32 to index
        %swap3A_1331 = arith.constant 0 : index
        %swap3A_1332 = tpu.vector_load %arg16[%swap3A_1330, %swap3A_1331] {strides = array<i32>} : memref<112x128xf32, #tpu.memory_space<vmem>>, vector<16xf32>,
        tpu.vector_store %arg16[%swap3A_1330, %swap3A_1331], %get3A_1329 {strides = array<i32>} : memref<112x128xf32, #tpu.memory_space<vmem>>, vector<16xf32>,
        %scan3A_1333 = arith.constant 0 : i32
        scf.yield %scan3A_1333 : i32
      }
      %scan3A_1080 = arith.constant 112 : i32
      %mul3A_1081 = arith.constant 112 : i32
      %mul3A_1082 = arith.muli %add3A_945, %mul3A_1081 : i32
      %add3A_1083 = arith.addi %mul3A_2, %mul3A_1082 : i32
      %min3A_1084 = arith.constant 99888 : i32
      %min3A_1085 = arith.minsi %add3A_1083, %min3A_1084 : i32
      %dma_start3A_1086 = arith.constant 0 : i32
      %dma_start3A_1087 = tpu.memref_slice %arg4[%min3A_1085, %dma_start3A_1086] : memref<100000x128xf32, #tpu.memory_space<hbm>> -> memref<112x128xf32, #tpu.memory_space<hbm>>
      %dma_start3A_1088 = arith.constant 0 : i32
      %dma_start3A_1089 = tpu.memref_slice %arg4[%min3A_1085, %dma_start3A_1088] : memref<100000x128xf32, #tpu.memory_space<hbm>> -> memref<112x128xf32, #tpu.memory_space<hbm>>
      tpu.enqueue_dma source(%arg16 : memref<112x128xf32, #tpu.memory_space<vmem>>) target(%dma_start3A_1089 : memref<112x128xf32, #tpu.memory_space<hbm>>) target_semaphore(%arg28 : memref<!tpu.dma_semaphore, #tpu.memory_space<semaphore_mem>>)
      %add3A_1090 = arith.constant 4 : i32
      %add3A_1091 = arith.addi %add3A_945, %add3A_1090 : i32
      %mul3A_1092 = arith.constant 112 : i32
      %mul3A_1093 = arith.muli %add3A_1091, %mul3A_1092 : i32
      %add3A_1094 = arith.addi %mul3A_2, %mul3A_1093 : i32
      %min3A_1095 = arith.constant 99888 : i32
      %min3A_1096 = arith.minsi %add3A_1094, %min3A_1095 : i32
      %dma_start3A_1097 = arith.constant 0 : i32
      %dma_start3A_1098 = tpu.memref_slice %arg2[%min3A_1096, %dma_start3A_1097] : memref<100000x17xf32, #tpu.memory_space<hbm>> -> memref<112x17xf32, #tpu.memory_space<hbm>>
      %dma_start3A_1099 = arith.constant 0 : i32
      %dma_start3A_1100 = tpu.memref_slice %arg2[%min3A_1096, %dma_start3A_1099] : memref<100000x17xf32, #tpu.memory_space<hbm>> -> memref<112x17xf32, #tpu.memory_space<hbm>>
      tpu.enqueue_dma source(%dma_start3A_1100 : memref<112x17xf32, #tpu.memory_space<hbm>>) target(%arg8 : memref<112x17xf32, #tpu.memory_space<vmem>>) target_semaphore(%arg20 : memref<!tpu.dma_semaphore, #tpu.memory_space<semaphore_mem>>)
      %mul3A_1101 = arith.constant 4 : i32
      %mul3A_1102 = arith.muli %scan3A_617, %mul3A_1101 : i32
      %add3A_1103 = arith.constant 2 : i32
      %add3A_1104 = arith.addi %mul3A_1102, %add3A_1103 : i32
      %add3A_1105 = arith.constant 3 : i32
      %add3A_1106 = arith.addi %add3A_1104, %add3A_1105 : i32
      %add3A_1107 = arith.constant 2 : i32
      %add3A_1108 = arith.addi %add3A_1106, %add3A_1107 : i32
      %mul3A_1109 = arith.constant 112 : i32
      %mul3A_1110 = arith.muli %add3A_1108, %mul3A_1109 : i32
      %add3A_1111 = arith.addi %mul3A_2, %mul3A_1110 : i32
      %min3A_1112 = arith.constant 99888 : i32
      %min3A_1113 = arith.minsi %add3A_1111, %min3A_1112 : i32
      %dma_wait3A_1114 = arith.constant 0 : i32
      %dma_wait3A_1115 = tpu.memref_slice %arg2[%min3A_1113, %dma_wait3A_1114] : memref<100000x17xf32, #tpu.memory_space<hbm>> -> memref<112x17xf32, #tpu.memory_space<hbm>>
      %dma_wait3A_1116 = arith.constant 0 : i32
      %dma_wait3A_1117 = tpu.memref_slice %arg2[%min3A_1113, %dma_wait3A_1116] : memref<100000x17xf32, #tpu.memory_space<hbm>> -> memref<112x17xf32, #tpu.memory_space<hbm>>
      tpu.wait_dma2 semaphore(%arg23 : memref<!tpu.dma_semaphore, #tpu.memory_space<semaphore_mem>>) src(%dma_wait3A_1117 : memref<112x17xf32, #tpu.memory_space<hbm>>) dst(%arg11 : memref<112x17xf32, #tpu.memory_space<vmem>>)
      %scan3A_1118 = arith.constant 0 : i32
      %scan3A_1119 = arith.constant 0 : i32
      %mul3A_1120 = arith.constant 16 : i32
      %mul3A_1121 = arith.muli %scan3A_1119, %mul3A_1120 : i32
      %add3A_1122 = vector.broadcast %mul3A_1121 : i32 to vector<16xi32>
      %add3A_1123 = arith.addi %iota3A, %add3A_1122 : vector<16xi32>
      %broadcast_in_dim3A_1124 = arith.constant 16 : i32
      %broadcast_in_dim3A_1125 = vector.broadcast %broadcast_in_dim3A_1124 : i32 to vector<16xi32>
      %gather3A_1126 = tpu.vector_load_idx %arg11[%add3A_1123, %broadcast_in_dim3A_1125] : memref<112x17xf32, #tpu.memory_space<vmem>>[vector<16xi32>, vector<16xi32>], vector<16xf32>,
      %convert_element_type3A_1127 = arith.fptosi %gather3A_1126 : vector<16xf32> to vector<16xi32>
      %mul3A_1128 = arith.constant 16 : i32
      %mul3A_1129 = arith.muli %scan3A_1119, %mul3A_1128 : i32
      %swap3A_1130 = arith.index_cast %mul3A_1129 : i32 to index
      %swap3A_1131 = tpu.vector_load %arg15[%swap3A_1130] {strides = array<i32>} : memref<112xi32, #tpu.memory_space<vmem>>, vector<16xi32>,
      tpu.vector_store %arg15[%swap3A_1130], %convert_element_type3A_1127 {strides = array<i32>} : memref<112xi32, #tpu.memory_space<vmem>>, vector<16xi32>,
      %scan3A_1132 = arith.constant 0 : i32
      %scan3A_1133 = arith.constant 1 : i32
      %mul3A_1134 = arith.constant 16 : i32
      %mul3A_1135 = arith.muli %scan3A_1133, %mul3A_1134 : i32
      %add3A_1136 = vector.broadcast %mul3A_1135 : i32 to vector<16xi32>
      %add3A_1137 = arith.addi %iota3A, %add3A_1136 : vector<16xi32>
      %broadcast_in_dim3A_1138 = arith.constant 16 : i32
      %broadcast_in_dim3A_1139 = vector.broadcast %broadcast_in_dim3A_1138 : i32 to vector<16xi32>
      %gather3A_1140 = tpu.vector_load_idx %arg11[%add3A_1137, %broadcast_in_dim3A_1139] : memref<112x17xf32, #tpu.memory_space<vmem>>[vector<16xi32>, vector<16xi32>], vector<16xf32>,
      %convert_element_type3A_1141 = arith.fptosi %gather3A_1140 : vector<16xf32> to vector<16xi32>
      %mul3A_1142 = arith.constant 16 : i32
      %mul3A_1143 = arith.muli %scan3A_1133, %mul3A_1142 : i32
      %swap3A_1144 = arith.index_cast %mul3A_1143 : i32 to index
      %swap3A_1145 = tpu.vector_load %arg15[%swap3A_1144] {strides = array<i32>} : memref<112xi32, #tpu.memory_space<vmem>>, vector<16xi32>,
      tpu.vector_store %arg15[%swap3A_1144], %convert_element_type3A_1141 {strides = array<i32>} : memref<112xi32, #tpu.memory_space<vmem>>, vector<16xi32>,
      %scan3A_1146 = arith.constant 0 : i32
      %scan3A_1147 = arith.constant 2 : i32
      %mul3A_1148 = arith.constant 16 : i32
      %mul3A_1149 = arith.muli %scan3A_1147, %mul3A_1148 : i32
      %add3A_1150 = vector.broadcast %mul3A_1149 : i32 to vector<16xi32>
      %add3A_1151 = arith.addi %iota3A, %add3A_1150 : vector<16xi32>
      %broadcast_in_dim3A_1152 = arith.constant 16 : i32
      %broadcast_in_dim3A_1153 = vector.broadcast %broadcast_in_dim3A_1152 : i32 to vector<16xi32>
      %gather3A_1154 = tpu.vector_load_idx %arg11[%add3A_1151, %broadcast_in_dim3A_1153] : memref<112x17xf32, #tpu.memory_space<vmem>>[vector<16xi32>, vector<16xi32>], vector<16xf32>,
      %convert_element_type3A_1155 = arith.fptosi %gather3A_1154 : vector<16xf32> to vector<16xi32>
      %mul3A_1156 = arith.constant 16 : i32
      %mul3A_1157 = arith.muli %scan3A_1147, %mul3A_1156 : i32
      %swap3A_1158 = arith.index_cast %mul3A_1157 : i32 to index
      %swap3A_1159 = tpu.vector_load %arg15[%swap3A_1158] {strides = array<i32>} : memref<112xi32, #tpu.memory_space<vmem>>, vector<16xi32>,
      tpu.vector_store %arg15[%swap3A_1158], %convert_element_type3A_1155 {strides = array<i32>} : memref<112xi32, #tpu.memory_space<vmem>>, vector<16xi32>,
      %scan3A_1160 = arith.constant 0 : i32
      %scan3A_1161 = arith.constant 3 : i32
      %mul3A_1162 = arith.constant 16 : i32
      %mul3A_1163 = arith.muli %scan3A_1161, %mul3A_1162 : i32
      %add3A_1164 = vector.broadcast %mul3A_1163 : i32 to vector<16xi32>
      %add3A_1165 = arith.addi %iota3A, %add3A_1164 : vector<16xi32>
      %broadcast_in_dim3A_1166 = arith.constant 16 : i32
      %broadcast_in_dim3A_1167 = vector.broadcast %broadcast_in_dim3A_1166 : i32 to vector<16xi32>
      %gather3A_1168 = tpu.vector_load_idx %arg11[%add3A_1165, %broadcast_in_dim3A_1167] : memref<112x17xf32, #tpu.memory_space<vmem>>[vector<16xi32>, vector<16xi32>], vector<16xf32>,
      %convert_element_type3A_1169 = arith.fptosi %gather3A_1168 : vector<16xf32> to vector<16xi32>
      %mul3A_1170 = arith.constant 16 : i32
      %mul3A_1171 = arith.muli %scan3A_1161, %mul3A_1170 : i32
      %swap3A_1172 = arith.index_cast %mul3A_1171 : i32 to index
      %swap3A_1173 = tpu.vector_load %arg15[%swap3A_1172] {strides = array<i32>} : memref<112xi32, #tpu.memory_space<vmem>>, vector<16xi32>,
      tpu.vector_store %arg15[%swap3A_1172], %convert_element_type3A_1169 {strides = array<i32>} : memref<112xi32, #tpu.memory_space<vmem>>, vector<16xi32>,
      %scan3A_1174 = arith.constant 0 : i32
      %scan3A_1175 = arith.constant 4 : i32
      %mul3A_1176 = arith.constant 16 : i32
      %mul3A_1177 = arith.muli %scan3A_1175, %mul3A_1176 : i32
      %add3A_1178 = vector.broadcast %mul3A_1177 : i32 to vector<16xi32>
      %add3A_1179 = arith.addi %iota3A, %add3A_1178 : vector<16xi32>
      %broadcast_in_dim3A_1180 = arith.constant 16 : i32
      %broadcast_in_dim3A_1181 = vector.broadcast %broadcast_in_dim3A_1180 : i32 to vector<16xi32>
      %gather3A_1182 = tpu.vector_load_idx %arg11[%add3A_1179, %broadcast_in_dim3A_1181] : memref<112x17xf32, #tpu.memory_space<vmem>>[vector<16xi32>, vector<16xi32>], vector<16xf32>,
      %convert_element_type3A_1183 = arith.fptosi %gather3A_1182 : vector<16xf32> to vector<16xi32>
      %mul3A_1184 = arith.constant 16 : i32
      %mul3A_1185 = arith.muli %scan3A_1175, %mul3A_1184 : i32
      %swap3A_1186 = arith.index_cast %mul3A_1185 : i32 to index
      %swap3A_1187 = tpu.vector_load %arg15[%swap3A_1186] {strides = array<i32>} : memref<112xi32, #tpu.memory_space<vmem>>, vector<16xi32>,
      tpu.vector_store %arg15[%swap3A_1186], %convert_element_type3A_1183 {strides = array<i32>} : memref<112xi32, #tpu.memory_space<vmem>>, vector<16xi32>,
      %scan3A_1188 = arith.constant 0 : i32
      %scan3A_1189 = arith.constant 5 : i32
      %mul3A_1190 = arith.constant 16 : i32
      %mul3A_1191 = arith.muli %scan3A_1189, %mul3A_1190 : i32
      %add3A_1192 = vector.broadcast %mul3A_1191 : i32 to vector<16xi32>
      %add3A_1193 = arith.addi %iota3A, %add3A_1192 : vector<16xi32>
      %broadcast_in_dim3A_1194 = arith.constant 16 : i32
      %broadcast_in_dim3A_1195 = vector.broadcast %broadcast_in_dim3A_1194 : i32 to vector<16xi32>
      %gather3A_1196 = tpu.vector_load_idx %arg11[%add3A_1193, %broadcast_in_dim3A_1195] : memref<112x17xf32, #tpu.memory_space<vmem>>[vector<16xi32>, vector<16xi32>], vector<16xf32>,
      %convert_element_type3A_1197 = arith.fptosi %gather3A_1196 : vector<16xf32> to vector<16xi32>
      %mul3A_1198 = arith.constant 16 : i32
      %mul3A_1199 = arith.muli %scan3A_1189, %mul3A_1198 : i32
      %swap3A_1200 = arith.index_cast %mul3A_1199 : i32 to index
      %swap3A_1201 = tpu.vector_load %arg15[%swap3A_1200] {strides = array<i32>} : memref<112xi32, #tpu.memory_space<vmem>>, vector<16xi32>,
      tpu.vector_store %arg15[%swap3A_1200], %convert_element_type3A_1197 {strides = array<i32>} : memref<112xi32, #tpu.memory_space<vmem>>, vector<16xi32>,
      %scan3A_1202 = arith.constant 0 : i32
      %scan3A_1203 = arith.constant 6 : i32
      %mul3A_1204 = arith.constant 16 : i32
      %mul3A_1205 = arith.muli %scan3A_1203, %mul3A_1204 : i32
      %add3A_1206 = vector.broadcast %mul3A_1205 : i32 to vector<16xi32>
      %add3A_1207 = arith.addi %iota3A, %add3A_1206 : vector<16xi32>
      %broadcast_in_dim3A_1208 = arith.constant 16 : i32
      %broadcast_in_dim3A_1209 = vector.broadcast %broadcast_in_dim3A_1208 : i32 to vector<16xi32>
      %gather3A_1210 = tpu.vector_load_idx %arg11[%add3A_1207, %broadcast_in_dim3A_1209] : memref<112x17xf32, #tpu.memory_space<vmem>>[vector<16xi32>, vector<16xi32>], vector<16xf32>,
      %convert_element_type3A_1211 = arith.fptosi %gather3A_1210 : vector<16xf32> to vector<16xi32>
      %mul3A_1212 = arith.constant 16 : i32
      %mul3A_1213 = arith.muli %scan3A_1203, %mul3A_1212 : i32
      %swap3A_1214 = arith.index_cast %mul3A_1213 : i32 to index
      %swap3A_1215 = tpu.vector_load %arg15[%swap3A_1214] {strides = array<i32>} : memref<112xi32, #tpu.memory_space<vmem>>, vector<16xi32>,
      tpu.vector_store %arg15[%swap3A_1214], %convert_element_type3A_1211 {strides = array<i32>} : memref<112xi32, #tpu.memory_space<vmem>>, vector<16xi32>,
      %scan3A_1216 = arith.constant 0 : i32
      %scan3A_1217 = arith.constant 7 : i32
      %sub3A_1218 = arith.constant 2 : i32
      %sub3A_1219 = arith.subi %add3A_1106, %sub3A_1218 : i32
      %mul3A_1220 = arith.constant 112 : i32
      %mul3A_1221 = arith.muli %sub3A_1219, %mul3A_1220 : i32
      %add3A_1222 = arith.addi %mul3A_2, %mul3A_1221 : i32
      %min3A_1223 = arith.constant 99888 : i32
      %min3A_1224 = arith.minsi %add3A_1222, %min3A_1223 : i32
      %dma_wait3A_1225 = arith.constant 0 : i32
      %dma_wait3A_1226 = tpu.memref_slice %arg4[%min3A_1224, %dma_wait3A_1225] : memref<100000x128xf32, #tpu.memory_space<hbm>> -> memref<112x128xf32, #tpu.memory_space<hbm>>
      %dma_wait3A_1227 = arith.constant 0 : i32
      %dma_wait3A_1228 = tpu.memref_slice %arg4[%min3A_1224, %dma_wait3A_1227] : memref<100000x128xf32, #tpu.memory_space<hbm>> -> memref<112x128xf32, #tpu.memory_space<hbm>>
      tpu.wait_dma2 semaphore(%arg31 : memref<!tpu.dma_semaphore, #tpu.memory_space<semaphore_mem>>) src(%arg19 : memref<112x128xf32, #tpu.memory_space<vmem>>) dst(%dma_wait3A_1228 : memref<112x128xf32, #tpu.memory_space<hbm>>)
      %dma_start3A_1229 = arith.constant 0 : i32
      %dma_start3A_1230 = arith.constant 0 : i32
      %dma_start3A_1231 = tpu.memref_slice %arg5[%dma_start3A_1229, %dma_start3A_1230] : memref<28x128xf32, #tpu.memory_space<vmem_shared>> -> memref<28x128xf32, #tpu.memory_space<vmem_shared>>
      tpu.enqueue_indirect_dma source(%dma_start3A_1231 : memref<28x128xf32, #tpu.memory_space<vmem_shared>>) target(%arg19 : memref<112x128xf32, #tpu.memory_space<vmem>>) offsets(%arg15 : memref<112xi32, #tpu.memory_space<vmem>>) semaphore(%arg27 : memref<!tpu.dma_semaphore, #tpu.memory_space<semaphore_mem>>)
      %dma_wait3A_1232 = arith.constant 0 : i32
      %dma_wait3A_1233 = arith.constant 0 : i32
      %dma_wait3A_1234 = tpu.memref_slice %arg5[%dma_wait3A_1232, %dma_wait3A_1233] : memref<28x128xf32, #tpu.memory_space<vmem_shared>> -> memref<28x128xf32, #tpu.memory_space<vmem_shared>>
      tpu.wait_indirect_dma semaphore(%arg25 : memref<!tpu.dma_semaphore, #tpu.memory_space<semaphore_mem>>) src(%dma_wait3A_1234 : memref<28x128xf32, #tpu.memory_space<vmem_shared>>) dst(%arg17 : memref<112x128xf32, #tpu.memory_space<vmem>>)
      %scan3A_1235 = arith.constant 0 : i32
      %scan3A_1236 = arith.constant 0 : i32
      %scan3A_1237 = arith.constant 112 : i32
      %scan3A_1238 = arith.addi %scan3A_1236, %scan3A_1237 : i32
      %scan3A_1239 = arith.constant 8 : i32
      %scan3A_1240 = scf.for %scan3A_1263 = %scan3A_1236 to %scan3A_1238 step %scan3A_1239 iter_args(%scan3A_1264 = %scan3A_1235) -> (i32)  : i32 {
        %get3A = arith.index_cast %scan3A_1263 : i32 to index
        %get3A_1265 = arith.constant 0 : index
        %get3A_1266 = tpu.vector_load %arg9[%get3A, %get3A_1265] {strides = array<i32>} : memref<112x17xf32, #tpu.memory_space<vmem>>, vector<16xf32>,
        %swap3A_1267 = arith.index_cast %scan3A_1263 : i32 to index
        %swap3A_1268 = arith.constant 0 : index
        %swap3A_1269 = tpu.vector_load %arg17[%swap3A_1267, %swap3A_1268] {strides = array<i32>} : memref<112x128xf32, #tpu.memory_space<vmem>>, vector<16xf32>,
        tpu.vector_store %arg17[%swap3A_1267, %swap3A_1268], %get3A_1266 {strides = array<i32>} : memref<112x128xf32, #tpu.memory_space<vmem>>, vector<16xf32>,
        %scan3A_1270 = arith.constant 0 : i32
        %scan3A_1271 = arith.constant 1 : i32
        %scan3A_1272 = arith.addi %scan3A_1263, %scan3A_1271 : i32
        %get3A_1273 = arith.index_cast %scan3A_1272 : i32 to index
        %get3A_1274 = arith.constant 0 : index
        %get3A_1275 = tpu.vector_load %arg9[%get3A_1273, %get3A_1274] {strides = array<i32>} : memref<112x17xf32, #tpu.memory_space<vmem>>, vector<16xf32>,
        %swap3A_1276 = arith.index_cast %scan3A_1272 : i32 to index
        %swap3A_1277 = arith.constant 0 : index
        %swap3A_1278 = tpu.vector_load %arg17[%swap3A_1276, %swap3A_1277] {strides = array<i32>} : memref<112x128xf32, #tpu.memory_space<vmem>>, vector<16xf32>,
        tpu.vector_store %arg17[%swap3A_1276, %swap3A_1277], %get3A_1275 {strides = array<i32>} : memref<112x128xf32, #tpu.memory_space<vmem>>, vector<16xf32>,
        %scan3A_1279 = arith.constant 0 : i32
        %scan3A_1280 = arith.constant 2 : i32
        %scan3A_1281 = arith.addi %scan3A_1263, %scan3A_1280 : i32
        %get3A_1282 = arith.index_cast %scan3A_1281 : i32 to index
        %get3A_1283 = arith.constant 0 : index
        %get3A_1284 = tpu.vector_load %arg9[%get3A_1282, %get3A_1283] {strides = array<i32>} : memref<112x17xf32, #tpu.memory_space<vmem>>, vector<16xf32>,
        %swap3A_1285 = arith.index_cast %scan3A_1281 : i32 to index
        %swap3A_1286 = arith.constant 0 : index
        %swap3A_1287 = tpu.vector_load %arg17[%swap3A_1285, %swap3A_1286] {strides = array<i32>} : memref<112x128xf32, #tpu.memory_space<vmem>>, vector<16xf32>,
        tpu.vector_store %arg17[%swap3A_1285, %swap3A_1286], %get3A_1284 {strides = array<i32>} : memref<112x128xf32, #tpu.memory_space<vmem>>, vector<16xf32>,
        %scan3A_1288 = arith.constant 0 : i32
        %scan3A_1289 = arith.constant 3 : i32
        %scan3A_1290 = arith.addi %scan3A_1263, %scan3A_1289 : i32
        %get3A_1291 = arith.index_cast %scan3A_1290 : i32 to index
        %get3A_1292 = arith.constant 0 : index
        %get3A_1293 = tpu.vector_load %arg9[%get3A_1291, %get3A_1292] {strides = array<i32>} : memref<112x17xf32, #tpu.memory_space<vmem>>, vector<16xf32>,
        %swap3A_1294 = arith.index_cast %scan3A_1290 : i32 to index
        %swap3A_1295 = arith.constant 0 : index
        %swap3A_1296 = tpu.vector_load %arg17[%swap3A_1294, %swap3A_1295] {strides = array<i32>} : memref<112x128xf32, #tpu.memory_space<vmem>>, vector<16xf32>,
        tpu.vector_store %arg17[%swap3A_1294, %swap3A_1295], %get3A_1293 {strides = array<i32>} : memref<112x128xf32, #tpu.memory_space<vmem>>, vector<16xf32>,
        %scan3A_1297 = arith.constant 0 : i32
        %scan3A_1298 = arith.constant 4 : i32
        %scan3A_1299 = arith.addi %scan3A_1263, %scan3A_1298 : i32
        %get3A_1300 = arith.index_cast %scan3A_1299 : i32 to index
        %get3A_1301 = arith.constant 0 : index
        %get3A_1302 = tpu.vector_load %arg9[%get3A_1300, %get3A_1301] {strides = array<i32>} : memref<112x17xf32, #tpu.memory_space<vmem>>, vector<16xf32>,
        %swap3A_1303 = arith.index_cast %scan3A_1299 : i32 to index
        %swap3A_1304 = arith.constant 0 : index
        %swap3A_1305 = tpu.vector_load %arg17[%swap3A_1303, %swap3A_1304] {strides = array<i32>} : memref<112x128xf32, #tpu.memory_space<vmem>>, vector<16xf32>,
        tpu.vector_store %arg17[%swap3A_1303, %swap3A_1304], %get3A_1302 {strides = array<i32>} : memref<112x128xf32, #tpu.memory_space<vmem>>, vector<16xf32>,
        %scan3A_1306 = arith.constant 0 : i32
        %scan3A_1307 = arith.constant 5 : i32
        %scan3A_1308 = arith.addi %scan3A_1263, %scan3A_1307 : i32
        %get3A_1309 = arith.index_cast %scan3A_1308 : i32 to index
        %get3A_1310 = arith.constant 0 : index
        %get3A_1311 = tpu.vector_load %arg9[%get3A_1309, %get3A_1310] {strides = array<i32>} : memref<112x17xf32, #tpu.memory_space<vmem>>, vector<16xf32>,
        %swap3A_1312 = arith.index_cast %scan3A_1308 : i32 to index
        %swap3A_1313 = arith.constant 0 : index
        %swap3A_1314 = tpu.vector_load %arg17[%swap3A_1312, %swap3A_1313] {strides = array<i32>} : memref<112x128xf32, #tpu.memory_space<vmem>>, vector<16xf32>,
        tpu.vector_store %arg17[%swap3A_1312, %swap3A_1313], %get3A_1311 {strides = array<i32>} : memref<112x128xf32, #tpu.memory_space<vmem>>, vector<16xf32>,
        %scan3A_1315 = arith.constant 0 : i32
        %scan3A_1316 = arith.constant 6 : i32
        %scan3A_1317 = arith.addi %scan3A_1263, %scan3A_1316 : i32
        %get3A_1318 = arith.index_cast %scan3A_1317 : i32 to index
        %get3A_1319 = arith.constant 0 : index
        %get3A_1320 = tpu.vector_load %arg9[%get3A_1318, %get3A_1319] {strides = array<i32>} : memref<112x17xf32, #tpu.memory_space<vmem>>, vector<16xf32>,
        %swap3A_1321 = arith.index_cast %scan3A_1317 : i32 to index
        %swap3A_1322 = arith.constant 0 : index
        %swap3A_1323 = tpu.vector_load %arg17[%swap3A_1321, %swap3A_1322] {strides = array<i32>} : memref<112x128xf32, #tpu.memory_space<vmem>>, vector<16xf32>,
        tpu.vector_store %arg17[%swap3A_1321, %swap3A_1322], %get3A_1320 {strides = array<i32>} : memref<112x128xf32, #tpu.memory_space<vmem>>, vector<16xf32>,
        %scan3A_1324 = arith.constant 0 : i32
        %scan3A_1325 = arith.constant 7 : i32
        %scan3A_1326 = arith.addi %scan3A_1263, %scan3A_1325 : i32
        %get3A_1327 = arith.index_cast %scan3A_1326 : i32 to index
        %get3A_1328 = arith.constant 0 : index
        %get3A_1329 = tpu.vector_load %arg9[%get3A_1327, %get3A_1328] {strides = array<i32>} : memref<112x17xf32, #tpu.memory_space<vmem>>, vector<16xf32>,
        %swap3A_1330 = arith.index_cast %scan3A_1326 : i32 to index
        %swap3A_1331 = arith.constant 0 : index
        %swap3A_1332 = tpu.vector_load %arg17[%swap3A_1330, %swap3A_1331] {strides = array<i32>} : memref<112x128xf32, #tpu.memory_space<vmem>>, vector<16xf32>,
        tpu.vector_store %arg17[%swap3A_1330, %swap3A_1331], %get3A_1329 {strides = array<i32>} : memref<112x128xf32, #tpu.memory_space<vmem>>, vector<16xf32>,
        %scan3A_1333 = arith.constant 0 : i32
        scf.yield %scan3A_1333 : i32
      }
      %scan3A_1241 = arith.constant 112 : i32
      %mul3A_1242 = arith.constant 112 : i32
      %mul3A_1243 = arith.muli %add3A_1106, %mul3A_1242 : i32
      %add3A_1244 = arith.addi %mul3A_2, %mul3A_1243 : i32
      %min3A_1245 = arith.constant 99888 : i32
      %min3A_1246 = arith.minsi %add3A_1244, %min3A_1245 : i32
      %dma_start3A_1247 = arith.constant 0 : i32
      %dma_start3A_1248 = tpu.memref_slice %arg4[%min3A_1246, %dma_start3A_1247] : memref<100000x128xf32, #tpu.memory_space<hbm>> -> memref<112x128xf32, #tpu.memory_space<hbm>>
      %dma_start3A_1249 = arith.constant 0 : i32
      %dma_start3A_1250 = tpu.memref_slice %arg4[%min3A_1246, %dma_start3A_1249] : memref<100000x128xf32, #tpu.memory_space<hbm>> -> memref<112x128xf32, #tpu.memory_space<hbm>>
      tpu.enqueue_dma source(%arg17 : memref<112x128xf32, #tpu.memory_space<vmem>>) target(%dma_start3A_1250 : memref<112x128xf32, #tpu.memory_space<hbm>>) target_semaphore(%arg29 : memref<!tpu.dma_semaphore, #tpu.memory_space<semaphore_mem>>)
      %add3A_1251 = arith.constant 4 : i32
      %add3A_1252 = arith.addi %add3A_1106, %add3A_1251 : i32
      %mul3A_1253 = arith.constant 112 : i32
      %mul3A_1254 = arith.muli %add3A_1252, %mul3A_1253 : i32
      %add3A_1255 = arith.addi %mul3A_2, %mul3A_1254 : i32
      %min3A_1256 = arith.constant 99888 : i32
      %min3A_1257 = arith.minsi %add3A_1255, %min3A_1256 : i32
      %dma_start3A_1258 = arith.constant 0 : i32
      %dma_start3A_1259 = tpu.memref_slice %arg2[%min3A_1257, %dma_start3A_1258] : memref<100000x17xf32, #tpu.memory_space<hbm>> -> memref<112x17xf32, #tpu.memory_space<hbm>>
      %dma_start3A_1260 = arith.constant 0 : i32
      %dma_start3A_1261 = tpu.memref_slice %arg2[%min3A_1257, %dma_start3A_1260] : memref<100000x17xf32, #tpu.memory_space<hbm>> -> memref<112x17xf32, #tpu.memory_space<hbm>>
      tpu.enqueue_dma source(%dma_start3A_1261 : memref<112x17xf32, #tpu.memory_space<hbm>>) target(%arg9 : memref<112x17xf32, #tpu.memory_space<vmem>>) target_semaphore(%arg21 : memref<!tpu.dma_semaphore, #tpu.memory_space<semaphore_mem>>)
      %scan3A_1262 = arith.constant 0 : i32
      scf.yield %scan3A_1262 : i32
    }
    %scan3A_532 = arith.constant 6 : i32
    %dma_wait3A_533 = arith.constant 0 : i32
    %dma_wait3A_534 = arith.constant 0 : i32
    %dma_wait3A_535 = tpu.memref_slice %arg5[%dma_wait3A_533, %dma_wait3A_534] : memref<28x128xf32, #tpu.memory_space<vmem_shared>> -> memref<28x128xf32, #tpu.memory_space<vmem_shared>>
    tpu.wait_indirect_dma semaphore(%arg26 : memref<!tpu.dma_semaphore, #tpu.memory_space<semaphore_mem>>) src(%dma_wait3A_535 : memref<28x128xf32, #tpu.memory_space<vmem_shared>>) dst(%arg18 : memref<112x128xf32, #tpu.memory_space<vmem>>)
    %scan3A_536 = arith.constant 0 : i32
    %scan3A_537 = arith.constant 0 : i32
    %scan3A_538 = arith.constant 112 : i32
    %scan3A_539 = arith.addi %scan3A_537, %scan3A_538 : i32
    %scan3A_540 = arith.constant 8 : i32
    %scan3A_541 = scf.for %scan3A_617 = %scan3A_537 to %scan3A_539 step %scan3A_540 iter_args(%scan3A_618 = %scan3A_536) -> (i32)  : i32 {
      %get3A = arith.index_cast %scan3A_617 : i32 to index
      %get3A_619 = arith.constant 0 : index
      %get3A_620 = tpu.vector_load %arg10[%get3A, %get3A_619] {strides = array<i32>} : memref<112x17xf32, #tpu.memory_space<vmem>>, vector<16xf32>,
      %swap3A_621 = arith.index_cast %scan3A_617 : i32 to index
      %swap3A_622 = arith.constant 0 : index
      %swap3A_623 = tpu.vector_load %arg18[%swap3A_621, %swap3A_622] {strides = array<i32>} : memref<112x128xf32, #tpu.memory_space<vmem>>, vector<16xf32>,
      tpu.vector_store %arg18[%swap3A_621, %swap3A_622], %get3A_620 {strides = array<i32>} : memref<112x128xf32, #tpu.memory_space<vmem>>, vector<16xf32>,
      %scan3A_624 = arith.constant 0 : i32
      %scan3A_625 = arith.constant 1 : i32
      %scan3A_626 = arith.addi %scan3A_617, %scan3A_625 : i32
      %get3A_627 = arith.index_cast %scan3A_626 : i32 to index
      %get3A_628 = arith.constant 0 : index
      %get3A_629 = tpu.vector_load %arg10[%get3A_627, %get3A_628] {strides = array<i32>} : memref<112x17xf32, #tpu.memory_space<vmem>>, vector<16xf32>,
      %swap3A_630 = arith.index_cast %scan3A_626 : i32 to index
      %swap3A_631 = arith.constant 0 : index
      %swap3A_632 = tpu.vector_load %arg18[%swap3A_630, %swap3A_631] {strides = array<i32>} : memref<112x128xf32, #tpu.memory_space<vmem>>, vector<16xf32>,
      tpu.vector_store %arg18[%swap3A_630, %swap3A_631], %get3A_629 {strides = array<i32>} : memref<112x128xf32, #tpu.memory_space<vmem>>, vector<16xf32>,
      %scan3A_633 = arith.constant 0 : i32
      %scan3A_634 = arith.constant 2 : i32
      %scan3A_635 = arith.addi %scan3A_617, %scan3A_634 : i32
      %get3A_636 = arith.index_cast %scan3A_635 : i32 to index
      %get3A_637 = arith.constant 0 : index
      %get3A_638 = tpu.vector_load %arg10[%get3A_636, %get3A_637] {strides = array<i32>} : memref<112x17xf32, #tpu.memory_space<vmem>>, vector<16xf32>,
      %swap3A_639 = arith.index_cast %scan3A_635 : i32 to index
      %swap3A_640 = arith.constant 0 : index
      %swap3A_641 = tpu.vector_load %arg18[%swap3A_639, %swap3A_640] {strides = array<i32>} : memref<112x128xf32, #tpu.memory_space<vmem>>, vector<16xf32>,
      tpu.vector_store %arg18[%swap3A_639, %swap3A_640], %get3A_638 {strides = array<i32>} : memref<112x128xf32, #tpu.memory_space<vmem>>, vector<16xf32>,
      %scan3A_642 = arith.constant 0 : i32
      %scan3A_643 = arith.constant 3 : i32
      %scan3A_644 = arith.addi %scan3A_617, %scan3A_643 : i32
      %get3A_645 = arith.index_cast %scan3A_644 : i32 to index
      %get3A_646 = arith.constant 0 : index
      %get3A_647 = tpu.vector_load %arg10[%get3A_645, %get3A_646] {strides = array<i32>} : memref<112x17xf32, #tpu.memory_space<vmem>>, vector<16xf32>,
      %swap3A_648 = arith.index_cast %scan3A_644 : i32 to index
      %swap3A_649 = arith.constant 0 : index
      %swap3A_650 = tpu.vector_load %arg18[%swap3A_648, %swap3A_649] {strides = array<i32>} : memref<112x128xf32, #tpu.memory_space<vmem>>, vector<16xf32>,
      tpu.vector_store %arg18[%swap3A_648, %swap3A_649], %get3A_647 {strides = array<i32>} : memref<112x128xf32, #tpu.memory_space<vmem>>, vector<16xf32>,
      %scan3A_651 = arith.constant 0 : i32
      %scan3A_652 = arith.constant 4 : i32
      %scan3A_653 = arith.addi %scan3A_617, %scan3A_652 : i32
      %get3A_654 = arith.index_cast %scan3A_653 : i32 to index
      %get3A_655 = arith.constant 0 : index
      %get3A_656 = tpu.vector_load %arg10[%get3A_654, %get3A_655] {strides = array<i32>} : memref<112x17xf32, #tpu.memory_space<vmem>>, vector<16xf32>,
      %swap3A_657 = arith.index_cast %scan3A_653 : i32 to index
      %swap3A_658 = arith.constant 0 : index
      %swap3A_659 = tpu.vector_load %arg18[%swap3A_657, %swap3A_658] {strides = array<i32>} : memref<112x128xf32, #tpu.memory_space<vmem>>, vector<16xf32>,
      tpu.vector_store %arg18[%swap3A_657, %swap3A_658], %get3A_656 {strides = array<i32>} : memref<112x128xf32, #tpu.memory_space<vmem>>, vector<16xf32>,
      %scan3A_660 = arith.constant 0 : i32
      %scan3A_661 = arith.constant 5 : i32
      %scan3A_662 = arith.addi %scan3A_617, %scan3A_661 : i32
      %get3A_663 = arith.index_cast %scan3A_662 : i32 to index
      %get3A_664 = arith.constant 0 : index
      %get3A_665 = tpu.vector_load %arg10[%get3A_663, %get3A_664] {strides = array<i32>} : memref<112x17xf32, #tpu.memory_space<vmem>>, vector<16xf32>,
      %swap3A_666 = arith.index_cast %scan3A_662 : i32 to index
      %swap3A_667 = arith.constant 0 : index
      %swap3A_668 = tpu.vector_load %arg18[%swap3A_666, %swap3A_667] {strides = array<i32>} : memref<112x128xf32, #tpu.memory_space<vmem>>, vector<16xf32>,
      tpu.vector_store %arg18[%swap3A_666, %swap3A_667], %get3A_665 {strides = array<i32>} : memref<112x128xf32, #tpu.memory_space<vmem>>, vector<16xf32>,
      %scan3A_669 = arith.constant 0 : i32
      %scan3A_670 = arith.constant 6 : i32
      %scan3A_671 = arith.addi %scan3A_617, %scan3A_670 : i32
      %get3A_672 = arith.index_cast %scan3A_671 : i32 to index
      %get3A_673 = arith.constant 0 : index
      %get3A_674 = tpu.vector_load %arg10[%get3A_672, %get3A_673] {strides = array<i32>} : memref<112x17xf32, #tpu.memory_space<vmem>>, vector<16xf32>,
      %swap3A_675 = arith.index_cast %scan3A_671 : i32 to index
      %swap3A_676 = arith.constant 0 : index
      %swap3A_677 = tpu.vector_load %arg18[%swap3A_675, %swap3A_676] {strides = array<i32>} : memref<112x128xf32, #tpu.memory_space<vmem>>, vector<16xf32>,
      tpu.vector_store %arg18[%swap3A_675, %swap3A_676], %get3A_674 {strides = array<i32>} : memref<112x128xf32, #tpu.memory_space<vmem>>, vector<16xf32>,
      %scan3A_678 = arith.constant 0 : i32
      %scan3A_679 = arith.constant 7 : i32
      %scan3A_680 = arith.addi %scan3A_617, %scan3A_679 : i32
      %get3A_681 = arith.index_cast %scan3A_680 : i32 to index
      %get3A_682 = arith.constant 0 : index
      %get3A_683 = tpu.vector_load %arg10[%get3A_681, %get3A_682] {strides = array<i32>} : memref<112x17xf32, #tpu.memory_space<vmem>>, vector<16xf32>,
      %swap3A_684 = arith.index_cast %scan3A_680 : i32 to index
      %swap3A_685 = arith.constant 0 : index
      %swap3A_686 = tpu.vector_load %arg18[%swap3A_684, %swap3A_685] {strides = array<i32>} : memref<112x128xf32, #tpu.memory_space<vmem>>, vector<16xf32>,
      tpu.vector_store %arg18[%swap3A_684, %swap3A_685], %get3A_683 {strides = array<i32>} : memref<112x128xf32, #tpu.memory_space<vmem>>, vector<16xf32>,
      %scan3A_687 = arith.constant 0 : i32
      scf.yield %scan3A_687 : i32
    }
    %scan3A_542 = arith.constant 112 : i32
    %add3A_543 = arith.constant 2912 : i32
    %add3A_544 = arith.addi %mul3A_2, %add3A_543 : i32
    %min3A_545 = arith.constant 99888 : i32
    %min3A_546 = arith.minsi %add3A_544, %min3A_545 : i32
    %dma_start3A_547 = arith.constant 0 : i32
    %dma_start3A_548 = tpu.memref_slice %arg4[%min3A_546, %dma_start3A_547] : memref<100000x128xf32, #tpu.memory_space<hbm>> -> memref<112x128xf32, #tpu.memory_space<hbm>>
    %dma_start3A_549 = arith.constant 0 : i32
    %dma_start3A_550 = tpu.memref_slice %arg4[%min3A_546, %dma_start3A_549] : memref<100000x128xf32, #tpu.memory_space<hbm>> -> memref<112x128xf32, #tpu.memory_space<hbm>>
    tpu.enqueue_dma source(%arg18 : memref<112x128xf32, #tpu.memory_space<vmem>>) target(%dma_start3A_550 : memref<112x128xf32, #tpu.memory_space<hbm>>) target_semaphore(%arg30 : memref<!tpu.dma_semaphore, #tpu.memory_space<semaphore_mem>>)
    %dma_wait3A_551 = arith.constant 0 : i32
    %dma_wait3A_552 = arith.constant 0 : i32
    %dma_wait3A_553 = tpu.memref_slice %arg5[%dma_wait3A_551, %dma_wait3A_552] : memref<28x128xf32, #tpu.memory_space<vmem_shared>> -> memref<28x128xf32, #tpu.memory_space<vmem_shared>>
    tpu.wait_indirect_dma semaphore(%arg27 : memref<!tpu.dma_semaphore, #tpu.memory_space<semaphore_mem>>) src(%dma_wait3A_553 : memref<28x128xf32, #tpu.memory_space<vmem_shared>>) dst(%arg19 : memref<112x128xf32, #tpu.memory_space<vmem>>)
    %scan3A_554 = arith.constant 0 : i32
    %scan3A_555 = arith.constant 0 : i32
    %scan3A_556 = arith.constant 112 : i32
    %scan3A_557 = arith.addi %scan3A_555, %scan3A_556 : i32
    %scan3A_558 = arith.constant 8 : i32
    %scan3A_559 = scf.for %scan3A_617 = %scan3A_555 to %scan3A_557 step %scan3A_558 iter_args(%scan3A_618 = %scan3A_554) -> (i32)  : i32 {
      %get3A = arith.index_cast %scan3A_617 : i32 to index
      %get3A_619 = arith.constant 0 : index
      %get3A_620 = tpu.vector_load %arg11[%get3A, %get3A_619] {strides = array<i32>} : memref<112x17xf32, #tpu.memory_space<vmem>>, vector<16xf32>,
      %swap3A_621 = arith.index_cast %scan3A_617 : i32 to index
      %swap3A_622 = arith.constant 0 : index
      %swap3A_623 = tpu.vector_load %arg19[%swap3A_621, %swap3A_622] {strides = array<i32>} : memref<112x128xf32, #tpu.memory_space<vmem>>, vector<16xf32>,
      tpu.vector_store %arg19[%swap3A_621, %swap3A_622], %get3A_620 {strides = array<i32>} : memref<112x128xf32, #tpu.memory_space<vmem>>, vector<16xf32>,
      %scan3A_624 = arith.constant 0 : i32
      %scan3A_625 = arith.constant 1 : i32
      %scan3A_626 = arith.addi %scan3A_617, %scan3A_625 : i32
      %get3A_627 = arith.index_cast %scan3A_626 : i32 to index
      %get3A_628 = arith.constant 0 : index
      %get3A_629 = tpu.vector_load %arg11[%get3A_627, %get3A_628] {strides = array<i32>} : memref<112x17xf32, #tpu.memory_space<vmem>>, vector<16xf32>,
      %swap3A_630 = arith.index_cast %scan3A_626 : i32 to index
      %swap3A_631 = arith.constant 0 : index
      %swap3A_632 = tpu.vector_load %arg19[%swap3A_630, %swap3A_631] {strides = array<i32>} : memref<112x128xf32, #tpu.memory_space<vmem>>, vector<16xf32>,
      tpu.vector_store %arg19[%swap3A_630, %swap3A_631], %get3A_629 {strides = array<i32>} : memref<112x128xf32, #tpu.memory_space<vmem>>, vector<16xf32>,
      %scan3A_633 = arith.constant 0 : i32
      %scan3A_634 = arith.constant 2 : i32
      %scan3A_635 = arith.addi %scan3A_617, %scan3A_634 : i32
      %get3A_636 = arith.index_cast %scan3A_635 : i32 to index
      %get3A_637 = arith.constant 0 : index
      %get3A_638 = tpu.vector_load %arg11[%get3A_636, %get3A_637] {strides = array<i32>} : memref<112x17xf32, #tpu.memory_space<vmem>>, vector<16xf32>,
      %swap3A_639 = arith.index_cast %scan3A_635 : i32 to index
      %swap3A_640 = arith.constant 0 : index
      %swap3A_641 = tpu.vector_load %arg19[%swap3A_639, %swap3A_640] {strides = array<i32>} : memref<112x128xf32, #tpu.memory_space<vmem>>, vector<16xf32>,
      tpu.vector_store %arg19[%swap3A_639, %swap3A_640], %get3A_638 {strides = array<i32>} : memref<112x128xf32, #tpu.memory_space<vmem>>, vector<16xf32>,
      %scan3A_642 = arith.constant 0 : i32
      %scan3A_643 = arith.constant 3 : i32
      %scan3A_644 = arith.addi %scan3A_617, %scan3A_643 : i32
      %get3A_645 = arith.index_cast %scan3A_644 : i32 to index
      %get3A_646 = arith.constant 0 : index
      %get3A_647 = tpu.vector_load %arg11[%get3A_645, %get3A_646] {strides = array<i32>} : memref<112x17xf32, #tpu.memory_space<vmem>>, vector<16xf32>,
      %swap3A_648 = arith.index_cast %scan3A_644 : i32 to index
      %swap3A_649 = arith.constant 0 : index
      %swap3A_650 = tpu.vector_load %arg19[%swap3A_648, %swap3A_649] {strides = array<i32>} : memref<112x128xf32, #tpu.memory_space<vmem>>, vector<16xf32>,
      tpu.vector_store %arg19[%swap3A_648, %swap3A_649], %get3A_647 {strides = array<i32>} : memref<112x128xf32, #tpu.memory_space<vmem>>, vector<16xf32>,
      %scan3A_651 = arith.constant 0 : i32
      %scan3A_652 = arith.constant 4 : i32
      %scan3A_653 = arith.addi %scan3A_617, %scan3A_652 : i32
      %get3A_654 = arith.index_cast %scan3A_653 : i32 to index
      %get3A_655 = arith.constant 0 : index
      %get3A_656 = tpu.vector_load %arg11[%get3A_654, %get3A_655] {strides = array<i32>} : memref<112x17xf32, #tpu.memory_space<vmem>>, vector<16xf32>,
      %swap3A_657 = arith.index_cast %scan3A_653 : i32 to index
      %swap3A_658 = arith.constant 0 : index
      %swap3A_659 = tpu.vector_load %arg19[%swap3A_657, %swap3A_658] {strides = array<i32>} : memref<112x128xf32, #tpu.memory_space<vmem>>, vector<16xf32>,
      tpu.vector_store %arg19[%swap3A_657, %swap3A_658], %get3A_656 {strides = array<i32>} : memref<112x128xf32, #tpu.memory_space<vmem>>, vector<16xf32>,
      %scan3A_660 = arith.constant 0 : i32
      %scan3A_661 = arith.constant 5 : i32
      %scan3A_662 = arith.addi %scan3A_617, %scan3A_661 : i32
      %get3A_663 = arith.index_cast %scan3A_662 : i32 to index
      %get3A_664 = arith.constant 0 : index
      %get3A_665 = tpu.vector_load %arg11[%get3A_663, %get3A_664] {strides = array<i32>} : memref<112x17xf32, #tpu.memory_space<vmem>>, vector<16xf32>,
      %swap3A_666 = arith.index_cast %scan3A_662 : i32 to index
      %swap3A_667 = arith.constant 0 : index
      %swap3A_668 = tpu.vector_load %arg19[%swap3A_666, %swap3A_667] {strides = array<i32>} : memref<112x128xf32, #tpu.memory_space<vmem>>, vector<16xf32>,
      tpu.vector_store %arg19[%swap3A_666, %swap3A_667], %get3A_665 {strides = array<i32>} : memref<112x128xf32, #tpu.memory_space<vmem>>, vector<16xf32>,
      %scan3A_669 = arith.constant 0 : i32
      %scan3A_670 = arith.constant 6 : i32
      %scan3A_671 = arith.addi %scan3A_617, %scan3A_670 : i32
      %get3A_672 = arith.index_cast %scan3A_671 : i32 to index
      %get3A_673 = arith.constant 0 : index
      %get3A_674 = tpu.vector_load %arg11[%get3A_672, %get3A_673] {strides = array<i32>} : memref<112x17xf32, #tpu.memory_space<vmem>>, vector<16xf32>,
      %swap3A_675 = arith.index_cast %scan3A_671 : i32 to index
      %swap3A_676 = arith.constant 0 : index
      %swap3A_677 = tpu.vector_load %arg19[%swap3A_675, %swap3A_676] {strides = array<i32>} : memref<112x128xf32, #tpu.memory_space<vmem>>, vector<16xf32>,
      tpu.vector_store %arg19[%swap3A_675, %swap3A_676], %get3A_674 {strides = array<i32>} : memref<112x128xf32, #tpu.memory_space<vmem>>, vector<16xf32>,
      %scan3A_678 = arith.constant 0 : i32
      %scan3A_679 = arith.constant 7 : i32
      %scan3A_680 = arith.addi %scan3A_617, %scan3A_679 : i32
      %get3A_681 = arith.index_cast %scan3A_680 : i32 to index
      %get3A_682 = arith.constant 0 : index
      %get3A_683 = tpu.vector_load %arg11[%get3A_681, %get3A_682] {strides = array<i32>} : memref<112x17xf32, #tpu.memory_space<vmem>>, vector<16xf32>,
      %swap3A_684 = arith.index_cast %scan3A_680 : i32 to index
      %swap3A_685 = arith.constant 0 : index
      %swap3A_686 = tpu.vector_load %arg19[%swap3A_684, %swap3A_685] {strides = array<i32>} : memref<112x128xf32, #tpu.memory_space<vmem>>, vector<16xf32>,
      tpu.vector_store %arg19[%swap3A_684, %swap3A_685], %get3A_683 {strides = array<i32>} : memref<112x128xf32, #tpu.memory_space<vmem>>, vector<16xf32>,
      %scan3A_687 = arith.constant 0 : i32
      scf.yield %scan3A_687 : i32
    }
    %scan3A_560 = arith.constant 112 : i32
    %add3A_561 = arith.constant 3024 : i32
    %add3A_562 = arith.addi %mul3A_2, %add3A_561 : i32
    %min3A_563 = arith.constant 99888 : i32
    %min3A_564 = arith.minsi %add3A_562, %min3A_563 : i32
    %dma_start3A_565 = arith.constant 0 : i32
    %dma_start3A_566 = tpu.memref_slice %arg4[%min3A_564, %dma_start3A_565] : memref<100000x128xf32, #tpu.memory_space<hbm>> -> memref<112x128xf32, #tpu.memory_space<hbm>>
    %dma_start3A_567 = arith.constant 0 : i32
    %dma_start3A_568 = tpu.memref_slice %arg4[%min3A_564, %dma_start3A_567] : memref<100000x128xf32, #tpu.memory_space<hbm>> -> memref<112x128xf32, #tpu.memory_space<hbm>>
    tpu.enqueue_dma source(%arg19 : memref<112x128xf32, #tpu.memory_space<vmem>>) target(%dma_start3A_568 : memref<112x128xf32, #tpu.memory_space<hbm>>) target_semaphore(%arg31 : memref<!tpu.dma_semaphore, #tpu.memory_space<semaphore_mem>>)
    %add3A_569 = arith.constant 2688 : i32
    %add3A_570 = arith.addi %mul3A_2, %add3A_569 : i32
    %min3A_571 = arith.constant 99888 : i32
    %min3A_572 = arith.minsi %add3A_570, %min3A_571 : i32
    %dma_wait3A_573 = arith.constant 0 : i32
    %dma_wait3A_574 = tpu.memref_slice %arg4[%min3A_572, %dma_wait3A_573] : memref<100000x128xf32, #tpu.memory_space<hbm>> -> memref<112x128xf32, #tpu.memory_space<hbm>>
    %dma_wait3A_575 = arith.constant 0 : i32
    %dma_wait3A_576 = tpu.memref_slice %arg4[%min3A_572, %dma_wait3A_575] : memref<100000x128xf32, #tpu.memory_space<hbm>> -> memref<112x128xf32, #tpu.memory_space<hbm>>
    tpu.wait_dma2 semaphore(%arg28 : memref<!tpu.dma_semaphore, #tpu.memory_space<semaphore_mem>>) src(%arg16 : memref<112x128xf32, #tpu.memory_space<vmem>>) dst(%dma_wait3A_576 : memref<112x128xf32, #tpu.memory_space<hbm>>)
    %add3A_577 = arith.constant 2800 : i32
    %add3A_578 = arith.addi %mul3A_2, %add3A_577 : i32
    %min3A_579 = arith.constant 99888 : i32
    %min3A_580 = arith.minsi %add3A_578, %min3A_579 : i32
    %dma_wait3A_581 = arith.constant 0 : i32
    %dma_wait3A_582 = tpu.memref_slice %arg4[%min3A_580, %dma_wait3A_581] : memref<100000x128xf32, #tpu.memory_space<hbm>> -> memref<112x128xf32, #tpu.memory_space<hbm>>
    %dma_wait3A_583 = arith.constant 0 : i32
    %dma_wait3A_584 = tpu.memref_slice %arg4[%min3A_580, %dma_wait3A_583] : memref<100000x128xf32, #tpu.memory_space<hbm>> -> memref<112x128xf32, #tpu.memory_space<hbm>>
    tpu.wait_dma2 semaphore(%arg29 : memref<!tpu.dma_semaphore, #tpu.memory_space<semaphore_mem>>) src(%arg17 : memref<112x128xf32, #tpu.memory_space<vmem>>) dst(%dma_wait3A_584 : memref<112x128xf32, #tpu.memory_space<hbm>>)
    %add3A_585 = arith.constant 2912 : i32
    %add3A_586 = arith.addi %mul3A_2, %add3A_585 : i32
    %min3A_587 = arith.constant 99888 : i32
    %min3A_588 = arith.minsi %add3A_586, %min3A_587 : i32
    %dma_wait3A_589 = arith.constant 0 : i32
    %dma_wait3A_590 = tpu.memref_slice %arg4[%min3A_588, %dma_wait3A_589] : memref<100000x128xf32, #tpu.memory_space<hbm>> -> memref<112x128xf32, #tpu.memory_space<hbm>>
    %dma_wait3A_591 = arith.constant 0 : i32
    %dma_wait3A_592 = tpu.memref_slice %arg4[%min3A_588, %dma_wait3A_591] : memref<100000x128xf32, #tpu.memory_space<hbm>> -> memref<112x128xf32, #tpu.memory_space<hbm>>
    tpu.wait_dma2 semaphore(%arg30 : memref<!tpu.dma_semaphore, #tpu.memory_space<semaphore_mem>>) src(%arg18 : memref<112x128xf32, #tpu.memory_space<vmem>>) dst(%dma_wait3A_592 : memref<112x128xf32, #tpu.memory_space<hbm>>)
    %add3A_593 = arith.constant 3024 : i32
    %add3A_594 = arith.addi %mul3A_2, %add3A_593 : i32
    %min3A_595 = arith.constant 99888 : i32
    %min3A_596 = arith.minsi %add3A_594, %min3A_595 : i32
    %dma_wait3A_597 = arith.constant 0 : i32
    %dma_wait3A_598 = tpu.memref_slice %arg4[%min3A_596, %dma_wait3A_597] : memref<100000x128xf32, #tpu.memory_space<hbm>> -> memref<112x128xf32, #tpu.memory_space<hbm>>
    %dma_wait3A_599 = arith.constant 0 : i32
    %dma_wait3A_600 = tpu.memref_slice %arg4[%min3A_596, %dma_wait3A_599] : memref<100000x128xf32, #tpu.memory_space<hbm>> -> memref<112x128xf32, #tpu.memory_space<hbm>>
    tpu.wait_dma2 semaphore(%arg31 : memref<!tpu.dma_semaphore, #tpu.memory_space<semaphore_mem>>) src(%arg19 : memref<112x128xf32, #tpu.memory_space<vmem>>) dst(%dma_wait3A_600 : memref<112x128xf32, #tpu.memory_space<hbm>>)
    %add3A_601 = arith.constant 3136 : i32
    %add3A_602 = arith.addi %mul3A_2, %add3A_601 : i32
    %min3A_603 = arith.constant 99888 : i32
    %min3A_604 = arith.minsi %add3A_602, %min3A_603 : i32
    %dma_wait3A_605 = arith.constant 0 : i32
    %dma_wait3A_606 = tpu.memref_slice %arg2[%min3A_604, %dma_wait3A_605] : memref<100000x17xf32, #tpu.memory_space<hbm>> -> memref<112x17xf32, #tpu.memory_space<hbm>>
    %dma_wait3A_607 = arith.constant 0 : i32
    %dma_wait3A_608 = tpu.memref_slice %arg2[%min3A_604, %dma_wait3A_607] : memref<100000x17xf32, #tpu.memory_space<hbm>> -> memref<112x17xf32, #tpu.memory_space<hbm>>
    tpu.wait_dma2 semaphore(%arg20 : memref<!tpu.dma_semaphore, #tpu.memory_space<semaphore_mem>>) src(%dma_wait3A_608 : memref<112x17xf32, #tpu.memory_space<hbm>>) dst(%arg8 : memref<112x17xf32, #tpu.memory_space<vmem>>)
    %add3A_609 = arith.constant 3248 : i32
    %add3A_610 = arith.addi %mul3A_2, %add3A_609 : i32
    %min3A_611 = arith.constant 99888 : i32
    %min3A_612 = arith.minsi %add3A_610, %min3A_611 : i32
    %dma_wait3A_613 = arith.constant 0 : i32
    %dma_wait3A_614 = tpu.memref_slice %arg2[%min3A_612, %dma_wait3A_613] : memref<100000x17xf32, #tpu.memory_space<hbm>> -> memref<112x17xf32, #tpu.memory_space<hbm>>
    %dma_wait3A_615 = arith.constant 0 : i32
    %dma_wait3A_616 = tpu.memref_slice %arg2[%min3A_612, %dma_wait3A_615] : memref<100000x17xf32, #tpu.memory_space<hbm>> -> memref<112x17xf32, #tpu.memory_space<hbm>>
    tpu.wait_dma2 semaphore(%arg21 : memref<!tpu.dma_semaphore, #tpu.memory_space<semaphore_mem>>) src(%dma_wait3A_616 : memref<112x17xf32, #tpu.memory_space<hbm>>) dst(%arg9 : memref<112x17xf32, #tpu.memory_space<vmem>>)
    return
  }
}

</mosaic_0001>

<sc_bundles>
// kernel: _run.3.cloned.1.call-start
scs
__scs_entry_jumppad:
0x0: {  	(pc) =	sbr.rel $0x88, $3  }
0x1: {  	(tag) =	ssettag $0x0;
	lr =	simm.s32 $0x1  }
0x2: {  	[smem:$0x3F9F] =	sst lr;
	_ =	strace $0xD0000000  }
0x3: {  	_ = 	snop  }
0x4: {  	_ = 	snop  }
0x5: {  	_ = 	snop  }
0x6: {  	_ = 	snop  }
0x7: {  	_ = 	snop  }
__scs_overlays_trampoline_lowered:
0x8: {  	[smem:$0x3FAE] =	sst s0  }
0x9: {  	[smem:$0x3FAF] =	sst s1  }
0xa: {  	[smem:$0x3FB0] =	sst s2  }
0xb: {  	[smem:$0x3FB1] =	sst s3  }
0xc: {  	[smem:$0x3FB2] =	sst s4  }
0xd: {  	[smem:$0x3FB3] =	sst s5  }
0xe: {  	[smem:$0x3FB4] =	sst s6  }
0xf: {  	[smem:$0x3FB5] =	sst s7  }
0x10: {  	[smem:$0x3FB6] =	sst s8  }
0x11: {  	[smem:$0x3FB7] =	sst s9;
	s0 =	simm.s32 @!p0 $0x0  }
0x12: {  	s1 =	sld [smem:$0x3F9D];
	s0 =	simm.s32 @p0 $0x1  }
0x13: {  	[smem:$0x3FB8] =	sst s0;
	s0 =	simm.s32 @!p1 $0x0  }
0x14: {  	s2 =	sld [smem:$0x3F9C];
	s0 =	simm.s32 @p1 $0x1  }
0x15: {  	[smem:$0x3FB9] =	sst s0;
	s0 =	simm.s32 @!p2 $0x0  }
0x16: {  	s3 =	sld [smem:$0x3FDB];
	s0 =	simm.s32 @p2 $0x1  }
0x17: {  	s4 =	simm.s32 $0x1BF5;
	[smem:$0x3FBB] =	sst s0  }
0x18: {  	s0 =	sld [smem:$0x3F9E];
	_ =	swait.ge [sflag:s4], $0x0  }
0x19: {  	s7 =	sld [smem:$0x3F9F]  }
0x1a: {  	s8 =	sadd.s32 $0xFFFFE003, lr  }
0x1b: {  	s9 =	sadd.s32 $0xFFFFFEF7, lr;
	s5 =	simm.s32 $0xFFFFFFFF;
	p2 =	slt.u32 s8, $0xFFFFF086  }
0x1c: {  	p1 =	slt.u32 s9, $0xF7A;
	s5 =	simm.s32 @!p2 $0x0  }
0x1d: {  	s5 =	simm.s32 @p1 $0x1;
	p0 =	seq.s32 s7, s2  }
0x1e: {  	s7 =	smul.u32 @!p0 $0xF7A, s2;
	p2 =	seq.s32 @!p0 s5, $0x0  }
0x1f: {  	s9 =	smul.u32 $0xF7A, s1;
	s8 =	simm.s32 @!p0 $0x1BF5;
	p2 =	por !p2, p0  }
0x20: {  	[sflag:s8] =	ssyncset.s32 @!p0 $0xFFFFF086;
	s6 =	sadd.s32 @!p0 s3, s7;
	s7 =	simm.s32 @!p0 $0x108  }
0x21: {  	s3 =	sadd.s32 s3, s9;
	s6 =	sadd.s32 @!p0 $0x88, s6;
	s7 =	simm.s32 @p2 $0x1082  }
0x22: {  	[simem:s7], [sflag:s8] =	dma.local @!p0 [hbm:s6], $0xF7A  }
0x23: {  	s9 =	sor.u32 $0xD0000000, s2;
	s6 =	simm.s32 $0x108;
	_ =	swait.ge @!p0 [sflag:s8], $0x0  }
0x24: {  	s3 =	sadd.s32 $0x88, s3;
	s6 =	simm.s32 @!p1 $0x1082;
	[sflag:s4] =	ssyncset.s32 $0xFFFFF086  }
0x25: {  	[simem:s6], [sflag:s4] =	dma.local [hbm:s3], $0xF7A  }
0x26: {  	[smem:$0x3F9F] =	sst s1;
	(tag) =	ssettag s2;
	_ =	strace s9  }
0x27: {  	s1 =	sld [smem:$0x3FAF]  }
0x28: {  	s2 =	sld [smem:$0x3FB0]  }
0x29: {  	s4 =	sld [smem:$0x3FB2]  }
0x2a: {  	p0 =	seq.s32 s5, $0x0;
	s5 =	sld [smem:$0x3FB3]  }
0x2b: {  	s6 =	sld [smem:$0x3FB4]  }
0x2c: {  	s7 =	sld [smem:$0x3FB5]  }
0x2d: {  	s3 =	simm.s32 $0x108;
	s8 =	sld [smem:$0x3FB6]  }
0x2e: {  	s3 =	simm.s32 @!p0 $0x1082;
	s9 =	sld [smem:$0x3FB7]  }
0x2f: {  	lr =	sadd.s32 s0, s3;
	s0 =	sld [smem:$0x3FAE]  }
0x30: {  	s3 =	sld [smem:$0x3FB1]  }
0x31: {  	[smem:$0x3FBA] =	sst s10  }
0x32: {  	s10 =	sld [smem:$0x3FB8];
	_ =	sdelay $0x3  }
0x33: {  	p0 =	seq.s32 s10, $0x1;
	s10 =	sld [smem:$0x3FBA];
	_ =	sdelay $0x3  }
0x34: {  	[smem:$0x3FBA] =	sst s10  }
0x35: {  	s10 =	sld [smem:$0x3FB9];
	_ =	sdelay $0x3  }
0x36: {  	p1 =	seq.s32 s10, $0x1;
	s10 =	sld [smem:$0x3FBA];
	_ =	sdelay $0x3  }
0x37: {  	[smem:$0x3FBA] =	sst s10  }
0x38: {  	s10 =	sld [smem:$0x3FBB]  }
0x39: {  	_ = 	snop;
	(pc) =	sbr.ind lr, $3  }
0x3a: {  	_ = 	snop  }
0x3b: {  	_ = 	snop  }
0x3c: {  	p2 =	seq.s32 s10, $0x1;
	s10 =	sld [smem:$0x3FBA]  }
0x3d: {  	_ =	shalt  }
0x3e: {  	_ =	shalt  }
0x3f: {  	_ =	shalt  }
0x40: {  	_ =	shalt  }
0x41: {  	_ =	shalt  }
0x42: {  	_ =	shalt  }
0x43: {  	_ =	shalt  }
0x44: {  	_ =	shalt  }
0x45: {  	_ =	shalt  }
0x46: {  	_ =	shalt  }
0x47: {  	_ =	shalt  }
0x48: {  	_ =	shalt  }
0x49: {  	_ =	shalt  }
0x4a: {  	_ =	shalt  }
0x4b: {  	_ =	shalt  }
0x4c: {  	_ =	shalt  }
0x4d: {  	_ =	shalt  }
0x4e: {  	_ =	shalt  }
0x4f: {  	_ =	shalt  }
0x50: {  	_ =	shalt  }
0x51: {  	_ =	shalt  }
0x52: {  	_ =	shalt  }
0x53: {  	_ =	shalt  }
0x54: {  	_ =	shalt  }
0x55: {  	_ =	shalt  }
0x56: {  	_ =	shalt  }
0x57: {  	_ =	shalt  }
0x58: {  	_ =	shalt  }
0x59: {  	_ =	shalt  }
0x5a: {  	_ =	shalt  }
0x5b: {  	_ =	shalt  }
0x5c: {  	_ =	shalt  }
0x5d: {  	_ =	shalt  }
0x5e: {  	_ =	shalt  }
0x5f: {  	_ =	shalt  }
0x60: {  	_ =	shalt  }
0x61: {  	_ =	shalt  }
0x62: {  	_ =	shalt  }
0x63: {  	_ =	shalt  }
0x64: {  	_ =	shalt  }
0x65: {  	_ =	shalt  }
0x66: {  	_ =	shalt  }
0x67: {  	_ =	shalt  }
0x68: {  	_ =	shalt  }
0x69: {  	_ =	shalt  }
0x6a: {  	_ =	shalt  }
0x6b: {  	_ =	shalt  }
0x6c: {  	_ =	shalt  }
0x6d: {  	_ =	shalt  }
0x6e: {  	_ =	shalt  }
0x6f: {  	_ =	shalt  }
0x70: {  	_ =	shalt  }
0x71: {  	_ =	shalt  }
0x72: {  	_ =	shalt  }
0x73: {  	_ =	shalt  }
0x74: {  	_ =	shalt  }
0x75: {  	_ =	shalt  }
0x76: {  	_ =	shalt  }
0x77: {  	_ =	shalt  }
0x78: {  	_ =	shalt  }
0x79: {  	_ =	shalt  }
0x7a: {  	_ =	shalt  }
0x7b: {  	_ =	shalt  }
0x7c: {  	_ =	shalt  }
0x7d: {  	_ =	shalt  }
0x7e: {  	_ =	shalt  }
0x7f: {  	_ =	shalt  }
0x80: {  	_ =	shalt  }
0x81: {  	_ =	shalt  }
0x82: {  	_ =	shalt  }
0x83: {  	_ =	shalt  }
0x84: {  	_ =	shalt  }
0x85: {  	_ =	shalt  }
0x86: {  	_ =	shalt  }
0x87: {  	_ =	shalt  }
.Lfunc_end0:
.L_simem_size_0:
called_computation_lowered:
.L_overlay_start_0:
0x88: {  	s2 =	sld [smem:$0x3FD9]  }
0x89: {  	s3 =	sld [smem:$0x3FFE];
	_ =	sdelay $0x1  }
0x8a: {  	s1 =	srdreg.scid  }
0x8b: {  	s0 =	sand.u32 $0x1, s1  }
0x8c: {  	s17 =	sshll.u32 s0, $0xA;
	s2 =	sadd.s32 s3, s2  }
0x8d: {  	s2 =	sadd.s32 s2, s17  }
0x8e: {  	[smem:$0x3FC6] =	sst s2  }
0x8f: {  	_ = 	snop  }
0x90: {  	s2 =	sld [smem:$0x3FC8]  }
0x91: {  	s18 =	sld [smem:$0x3FD0];
	(tm) =	ssettm $0x1  }
0x92: {  	s4 =	sld [smem:$0x3FFB];
	_ =	sdelay $0x3  }
0x93: {  	_ =	strace s4  }
0x94: {  	s4 =	sld [smem:$0x3FFC];
	_ =	sdelay $0x3  }
0x95: {  	_ =	strace s4  }
0x96: {  	s4 =	sld [smem:$0x3FFD];
	_ =	sdelay $0x3  }
0x97: {  	_ =	strace s4  }
0x98: {  	_ =	strace $0x8FFFFFFF  }
0x99: {  	s19 =	sld [smem:$0x3FDB];
	_ =	sdelay $0x1  }
0x9a: {  	s5 =	simm.s32 $_scs_section_size  }
0x9b: {  	s6 =	simm.s32 $_size__tile_overlayer_lowered;
	s7 =	simm.s32 $_tile_overlayer_lowered  }
0x9c: {  	s22 =	simm.s32 $0x1BFF;
	s21 =	sshll.u32 s7, $0x1;
	s4 =	sadd.s32 s5, s19  }
0x9d: {  	s8 =	simm.s32 $0x0;
	s20 =	sshll.u32 s6, $0x1;
	s6 =	sadd.s32 s21, s4  }
0x9e: {  	[timem:s8], [sflag:s22] =	dma.local [hbm:s6], s20  }
0x9f: {  	_ =	swait.ge [sflag:s22], s20  }
0xa0: {  	s5 =	ssub.s32 $0x0, s20;
	[sflag:s22] =	ssyncset.done $0x0  }
0xa1: {  	[sflag:s22] =	ssyncadd.s32 s5;
	_ =	sdelay $0x1  }
0xa2: {  	s23 =	simm.s32 $0x1B8B  }
0xa3: {  	_ =	swait.ge [sflag:s23], $0x1  }
0xa4: {  	[sflag:s23] =	ssyncset.done $0x0  }
0xa5: {  	s25 =	simm.s32 $0x1B8E;
	s24 =	sld [smem:$0x3FFE];
	[sflag:s23] =	ssyncadd.s32 $0xFFFFFFFF  }
0xa6: {  	s26 =	simm.s32 $execute0_lowered;
	[smem:$0x3FD2] =	sst s25  }
0xa7: {  	s6 =	sshll.u32 s26, $0x1;
	_ =	strace $0x80000046;
	[dreg:$0x1] =	wrdreg $0xFFFFFFFF  }
0xa8: {  	s28 =	simm.s32 $_size_execute0_lowered;
	s4 =	sadd.s32 s4, s6;
	[dreg:$0x0] =	wrdreg $0x0  }
0xa9: {  	s6 =	sshll.u32 s28, $0x1;
	[dreg:$0x2] =	wrdreg s4  }
0xaa: {  	[dreg:$0x3] =	wrdreg s6  }
0xab: {  	[dreg:$0x4] =	wrdreg $0xC0  }
0xac: {  	_ =	task [dreg:s8], $0x5FFFF  }
0xad: {  	[dreg:$0x1] =	wrdreg $0xFFFFFFFF  }
0xae: {  	[dreg:$0x0] =	wrdreg $0x60  }
0xaf: {  	[dreg:$0x2] =	wrdreg s24  }
0xb0: {  	[dreg:$0x3] =	wrdreg s2  }
0xb1: {  	[dreg:$0x4] =	wrdreg s18  }
0xb2: {  	[dreg:$0x5] =	wrdreg $0x0  }
0xb3: {  	[dreg:$0x6] =	wrdreg $0x9  }
0xb4: {  	_ =	task.clear_ibuf [dreg:s8], $0x7FFFF;
	_ =	strace $0x90000046  }
0xb5: {  	s29 =	simm.s32 $0x9;
	_ =	strace $0x80000048  }
0xb6: {  	_ =	swait.ge [sflag:s29], $0x1  }
0xb7: {  	[sflag:s29] =	ssyncadd.s32 $0xFFFFFFFF  }
0xb8: {  	_ =	strace $0x90000048  }
0xb9: {  	_ =	sfence  }
0xba: {  	s30 =	sld [smem:$0x0];
	_ =	sdelay $0x2  }
0xbb: {  	s31 =	sshll.u32 s1, $0xD;
	s1 =	sshrl.u32 s1, $0x2  }
0xbc: {  	s3 =	sand.u32 $0x4000, s31;
	s1 =	sadd.s32 s1, s30  }
0xbd: {  	s0 =	sor.u32 s3, s0;
	s1 =	sshll.u32 s1, $0x11  }
0xbe: {  	s0 =	sor.u32 s1, s0  }
0xbf: {  	s0 =	sadd.s32 $0x8F2B, s0  }
0xc0: {  	[sflag:s0] =	ssyncadd.remote.s32 $0x1  }
0xc1: {  	_ =	sfence.sel $0xFFFF  }
0xc2: {  	[dreg:$0x0] =	wrdreg $0xFFFFFFFF;
	(pc) =	sbr.abs _section_cstart, $3  }
0xc3: {  	[dreg:$0x1] =	wrdreg $0xFFFFFFFF  }
0xc4: {  	_ =	task.clear_ibuf [dreg:s8], $0x2FFFF;
	_ =	strace $0x9FFFFFFF  }
0xc5: {  	(tm) =	ssettm $0x7FFFFFFF  }
tec
execute0_lowered:
.L_overlay_start_1:
0x0: {  	(tag) =	ssettag $0x1  }
0x1: {  	s0 =	rddreg [dreg:$0x0]  }
0x2: {  	s1 =	srdreg.scid;
	s6 =	stileid.u32  }
0x3: {  	s2 =	rddreg [dreg:$0x2];
	s1 =	sand.u32 $0x1, s1;
	s5 =	sshll.u32 s6, $0x1  }
0x4: {  	s3 =	rddreg [dreg:$0x3];
	s7 =	ssub.s32 $0x2, s1;
	s1 =	sor.u32 s1, s5  }
0x5: {  	s4 =	simm.s32 $0x0;
	s28 =	simm.s32 $0x90E0;
	s9 =	smul.u32 $0xC400, s1  }
0x6: {  	[smem:$0x7FF] =	sst s4;
	s5 =	sadd.s32 $0x400, s0;
	s1 =	smul.u32 $0xC40, s1  }
0x7: {  	s25 =	sadd.s32 s5, s9;
	s26 =	sadd.s32 $0x700, s9;
	s9 =	sadd.s32 s2, s9  }
0x8: {  	s29 =	simm.s32 $0xC8E0;
	_ =	strace $0x80000047;
	[dreg:$0x9] =	wrdreg s9  }
0x9: {  	s30 =	simm.s32 $0x70;
	s15 =	sadd.s32 $0x1C0, s1;
	[dreg:$0x5] =	wrdreg s25  }
0xa: {  	s31 =	simm.s32 $0x6;
	s16 =	sadd.s32 $0xE0, s1;
	[dreg:$0xd] =	wrdreg s15  }
0xb: {  	p0 =	sne.s32 s6, $0x0;
	s17 =	sadd.s32 $0x2A0, s1;
	[dreg:$0xe] =	wrdreg s16  }
0xc: {  	s6 =	simm.s32 $0x1AAE0;
	s18 =	sadd.s32 $0x230, s1;
	[dreg:$0xf] =	wrdreg s17  }
0xd: {  	s8 =	sshrl.u32 s7, $0x1;
	s19 =	sadd.s32 $0x150, s1;
	[dreg:$0x10] =	wrdreg s18  }
0xe: {  	s0 =	ssub.s32 s7, s8;
	s20 =	sadd.s32 $0x310, s1;
	[dreg:$0x11] =	wrdreg s19  }
0xf: {  	s21 =	smin.u32 s1, $0x17AD0;
	s23 =	sadd.s32 $0x380, s1;
	[dreg:$0x12] =	wrdreg s20  }
0x10: {  	s22 =	smin.u32 s1, $0x17A60;
	s0 =	smax.u32 s0, $0x1;
	[dreg:$0x13] =	wrdreg s23  }
0x11: {  	s10 =	sadd.s32 s5, s26;
	s11 =	sadd.s32 $0xE00, s25;
	[dreg:$0x16] =	wrdreg s0  }
0x12: {  	s12 =	sadd.s32 $0x1500, s25;
	s13 =	sadd.s32 $0x1C00, s25;
	[dreg:$0x6] =	wrdreg s10  }
0x13: {  	s7 =	sadd.s32 s2, s26;
	s14 =	sadd.s32 $0x2300, s25;
	[dreg:$0x7] =	wrdreg s11  }
0x14: {  	s8 =	sshll.u32 s22, $0x4;
	s22 =	simm.s32 $0x5;
	[dreg:$0x8] =	wrdreg s12  }
0x15: {  	s23 =	simm.s32 $0x4;
	s0 =	simm.s32 $0x9;
	[dreg:$0xa] =	wrdreg s13  }
0x16: {  	s9 =	simm.s32 $0x7;
	s15 =	simm.s32 $0xC;
	[dreg:$0xb] =	wrdreg s7  }
0x17: {  	s17 =	simm.s32 $0x0;
	[dreg:$0xc] =	wrdreg s14;
	s7 =	sshll.u32 s21, $0x4  }
0x18: {  	v0 =	vlaneseq.u32;
	s21 =	sadd.s32 $0x3F0, s1;
	s25 =	sadd.s32 s8, s2;
	s8 =	simm.s32 $0x2  }
0x19: {  	v7 =	vmul.u32 $0x80, v0;
	s10 =	simm.s32 $0x13AE0;
	s11 =	simm.s32 $0x3;
	s13 =	simm.s32 $0x172E0  }
0x1a: {  	s12 =	simm.s32 $0xA;
	s14 =	simm.s32 $0xB;
	s24 =	sadd.s32 s7, s2  }
0x1b: {  	v0 =	vimm.f32 $0.0e+00;
	v1 =	vor.u32 $0x10, v7;
	s26 =	sadd.s32 $0xBD00, s25;
	s25 =	simm.s32 $0x20E0;
	s7 =	simm.s32 $0x102E0  }
0x1c: {  	v2 =	vor.u32 $0x810, v7;
	v3 =	vor.u32 $0x1010, v7;
	v4 =	vor.u32 $0x1810, v7;
	s1 =	sadd.s32 $0xB600, s24;
	[dreg:$0x15] =	wrdreg s26;
	s26 =	simm.s32 $0x58E0  }
0x1d: {  	v5 =	vor.u32 $0x2010, v7;
	v6 =	vor.u32 $0x2810, v7;
	v7 =	vor.u32 $0x3010, v7;
	s24 =	simm.s32 $0x8;
	[dreg:$0x14] =	wrdreg s1;
	s1 =	simm.s32 $0x1  }
.LBB2_1:
0x1e: {  	s16 =	rddreg [dreg:$0x5]  }
0x1f: {  	[tilespmem:s25], [sflag:$0x1] =	stream.linear.gather [hbm4b:s16+s4], $0x3800, $0x38;
	[tilespmem:$0x1E2E0] =	vst v63  }
0x20: {  	s18 =	rddreg [dreg:$0x6]  }
0x21: {  	[tilespmem:s26], [sflag:$0x2] =	stream.linear.gather [hbm4b:s18+s4], $0x3800, $0x38;
	[tilespmem:$0x1E2E0] =	vst v63  }
.Ltmp0:
0x22: {  	[dreg:$0x17] =	wrdreg s17;
	(pc) =	sbr.rel @p0 .LBB2_5-.Ltmp0, $4  }
0x23: {  	s19 =	rddreg [dreg:$0x7]  }
0x24: {  	[tilespmem:s28], [sflag:$0x3] =	stream.linear.gather [hbm4b:s19+s4], $0x3800, $0x38;
	[tilespmem:$0x1E2E0] =	vst v63  }
0x25: {  	s20 =	rddreg [dreg:$0x8]  }
0x26: {  	[tilespmem:s29], [sflag:$0x4] =	stream.linear.gather [hbm4b:s20+s4], $0x3800, $0x38;
	[tilespmem:$0x1E2E0] =	vst v63  }
0x27: {  	s16 =	simm.s32 $0x0  }
0x28: {  	s17 =	rddreg [dreg:$0x1];
	s18 =	simm.s32 $0xE0;
	s20 =	simm.s32 $0xD  }
0x29: {  	[tilespmem:s18], [sflag:$0xD] =	stream.linear.gather [hbm4b:s17+s16], $0xE00, $0x38;
	[tilespmem:$0x1E2E0] =	vst v63  }
0x2a: {  	_ =	swait.ge [sflag:s20], $0xE00  }
0x2b: {  	[sflag:s20] =	ssyncset.done $0x0  }
0x2c: {  	s16 =	simm.s32 $0x0;
	[sflag:s20] =	ssyncadd.s32 $0xFFFFF200  }
0x2d: {  	v11 =	vld [tilespmem:s16+$0x140]  }
0x2e: {  	v12 =	vld [tilespmem:s16+$0xE0]  }
0x2f: {  	v13 =	vld [tilespmem:s16+$0xF0]  }
0x30: {  	v8 =	vld [tilespmem:s16+$0x100]  }
0x31: {  	[tilespmem:s16+$0x10E0] =	vst v0;
	v10 =	vld [tilespmem:s16+$0x110]  }
0x32: {  	v9 =	vld [tilespmem:s16+$0x120];
	[tilespmem:s16+$0x1150] =	vst v11  }
0x33: {  	[tilespmem:s16+$0x10F0] =	vst v12;
	v11 =	vld [tilespmem:s16+$0x130]  }
0x34: {  	s17 =	simm.s32 $0x80;
	s18 =	simm.s32 $0x400;
	[tilespmem:s16+$0x1100] =	vst v13  }
.LBB2_3:
0x35: {  	p1 =	sne.s32 s18, $0x3600;
	v12 =	vld [tilespmem:s17+$0x140];
	[tilespmem:s16+$0x1110] =	vst v8  }
0x36: {  	v13 =	vld [tilespmem:s17+$0xE0];
	[tilespmem:s16+$0x1120] =	vst v10  }
0x37: {  	v14 =	vld [tilespmem:s17+$0xF0];
	[tilespmem:s16+$0x1130] =	vst v9  }
.Ltmp1:
0x38: {  	v8 =	vld [tilespmem:s17+$0x100];
	[tilespmem:s16+$0x1140] =	vst v11;
	s16 =	smov.u32 s17;
	(pc) =	sbr.rel @p1 .LBB2_3-.Ltmp1, $4  }
0x39: {  	[tilespmem:s16+$0x10E0] =	vst v0;
	v10 =	vld [tilespmem:s16+$0x110]  }
0x3a: {  	v9 =	vld [tilespmem:s16+$0x120];
	[tilespmem:s16+$0x1150] =	vst v12  }
0x3b: {  	[tilespmem:s16+$0x10F0] =	vst v13;
	v11 =	vld [tilespmem:s16+$0x130]  }
0x3c: {  	s17 =	sshra.s32 s18, $0x2;
	s18 =	sadd.s32 $0x200, s18;
	[tilespmem:s16+$0x1100] =	vst v14  }
0x3d: {  	v12 =	vld [tilespmem:s17+$0x140];
	[tilespmem:s16+$0x1110] =	vst v8  }
0x3e: {  	v8 =	vld [tilespmem:s17+$0xE0];
	[tilespmem:s16+$0x1120] =	vst v10  }
0x3f: {  	v10 =	vld [tilespmem:s17+$0xF0];
	[tilespmem:s16+$0x1130] =	vst v9  }
0x40: {  	v9 =	vld [tilespmem:s17+$0x100];
	[tilespmem:s16+$0x1140] =	vst v11  }
0x41: {  	[tilespmem:s17+$0x10E0] =	vst v0;
	v11 =	vld [tilespmem:s17+$0x110]  }
0x42: {  	v13 =	vld [tilespmem:s17+$0x120];
	[tilespmem:s17+$0x1150] =	vst v12  }
0x43: {  	[tilespmem:s17+$0x10F0] =	vst v8;
	v8 =	vld [tilespmem:s17+$0x130]  }
0x44: {  	[tilespmem:s17+$0x1100] =	vst v10  }
0x45: {  	[tilespmem:s17+$0x1110] =	vst v9  }
0x46: {  	[tilespmem:s17+$0x1120] =	vst v11  }
0x47: {  	[tilespmem:s17+$0x1130] =	vst v13  }
0x48: {  	s19 =	simm.s32 $0x10E0;
	s20 =	simm.s32 $0xD;
	[tilespmem:s17+$0x1140] =	vst v8  }
0x49: {  	[spmem:s3] =	stream.linear.scatter [tilespmem:s19], [sflag:$0xD], $0xE00, $0x38;
	[tilespmem:$0x1E2E0] =	vst v63  }
0x4a: {  	_ =	swait.ge [sflag:s20], $0xE00  }
0x4b: {  	[sflag:s20] =	ssyncset.done $0x0  }
0x4c: {  	[sflag:s20] =	ssyncadd.s32 $0xFFFFF200  }
.LBB2_5:
0x4d: {  	[bflag:$0x0] =	sbarrier.arrive $0xFFFF  }
0x4e: {  	_ =	swait.ge [sflag:s1], $0x3800  }
0x4f: {  	[sflag:s1] =	ssyncset.done $0x0  }
0x50: {  	[sflag:s1] =	ssyncadd.s32 $0xFFFFC800  }
0x51: {  	v8 =	vld.idx.msk [tilespmem:v1+s25+$0x0], $0xffff;
	_ =	sdelay $0x4  }
0x52: {  	v8 =	vtrunc.f32 v8  }
0x53: {  	v8 =	vcvt.f32.s32 v8;
	_ =	sdelay $0x1  }
0x54: {  	[tilespmem:$0x100E0] =	vst v8  }
0x55: {  	v8 =	vld.idx.msk [tilespmem:v2+s25+$0x0], $0xffff;
	_ =	sdelay $0x4  }
0x56: {  	v8 =	vtrunc.f32 v8  }
0x57: {  	v8 =	vcvt.f32.s32 v8;
	_ =	sdelay $0x1  }
0x58: {  	[tilespmem:$0x100F0] =	vst v8  }
0x59: {  	v8 =	vld.idx.msk [tilespmem:v3+s25+$0x0], $0xffff;
	_ =	sdelay $0x4  }
0x5a: {  	v8 =	vtrunc.f32 v8  }
0x5b: {  	v8 =	vcvt.f32.s32 v8;
	_ =	sdelay $0x1  }
0x5c: {  	[tilespmem:$0x10100] =	vst v8  }
0x5d: {  	v8 =	vld.idx.msk [tilespmem:v4+s25+$0x0], $0xffff;
	_ =	sdelay $0x4  }
0x5e: {  	v8 =	vtrunc.f32 v8  }
0x5f: {  	v8 =	vcvt.f32.s32 v8;
	_ =	sdelay $0x1  }
0x60: {  	[tilespmem:$0x10110] =	vst v8  }
0x61: {  	v8 =	vld.idx.msk [tilespmem:v5+s25+$0x0], $0xffff;
	_ =	sdelay $0x4  }
0x62: {  	v8 =	vtrunc.f32 v8  }
0x63: {  	v8 =	vcvt.f32.s32 v8;
	_ =	sdelay $0x1  }
0x64: {  	[tilespmem:$0x10120] =	vst v8  }
0x65: {  	v8 =	vld.idx.msk [tilespmem:v6+s25+$0x0], $0xffff;
	_ =	sdelay $0x4  }
0x66: {  	v8 =	vtrunc.f32 v8  }
0x67: {  	v8 =	vcvt.f32.s32 v8;
	_ =	sdelay $0x1  }
0x68: {  	[tilespmem:$0x10130] =	vst v8  }
0x69: {  	v8 =	vld.idx.msk [tilespmem:v7+s25+$0x0], $0xffff;
	_ =	sdelay $0x4  }
0x6a: {  	v8 =	vtrunc.f32 v8  }
0x6b: {  	v8 =	vcvt.f32.s32 v8;
	_ =	sdelay $0x1  }
0x6c: {  	s16 =	simm.s32 $0x100E0;
	[tilespmem:$0x10140] =	vst v8  }
0x6d: {  	[tilespmem:s7], [sflag:$0x5] =	stream.indirect.gather [spmem:s3], $0x80, s16, s30, $0xb8;
	[tilespmem:$0x1E2E0] =	vst v63  }
0x6e: {  	_ =	swait.ge [sflag:s8], $0x3800  }
0x6f: {  	[sflag:s8] =	ssyncset.done $0x0  }
0x70: {  	[sflag:s8] =	ssyncadd.s32 $0xFFFFC800  }
0x71: {  	v8 =	vld.idx.msk [tilespmem:v1+s26+$0x0], $0xffff;
	_ =	sdelay $0x4  }
0x72: {  	v8 =	vtrunc.f32 v8  }
0x73: {  	v8 =	vcvt.f32.s32 v8;
	_ =	sdelay $0x1  }
0x74: {  	[tilespmem:$0x10160] =	vst v8  }
0x75: {  	v8 =	vld.idx.msk [tilespmem:v2+s26+$0x0], $0xffff;
	_ =	sdelay $0x4  }
0x76: {  	v8 =	vtrunc.f32 v8  }
0x77: {  	v8 =	vcvt.f32.s32 v8;
	_ =	sdelay $0x1  }
0x78: {  	[tilespmem:$0x10170] =	vst v8  }
0x79: {  	v8 =	vld.idx.msk [tilespmem:v3+s26+$0x0], $0xffff;
	_ =	sdelay $0x4  }
0x7a: {  	v8 =	vtrunc.f32 v8  }
0x7b: {  	v8 =	vcvt.f32.s32 v8;
	_ =	sdelay $0x1  }
0x7c: {  	[tilespmem:$0x10180] =	vst v8  }
0x7d: {  	v8 =	vld.idx.msk [tilespmem:v4+s26+$0x0], $0xffff;
	_ =	sdelay $0x4  }
0x7e: {  	v8 =	vtrunc.f32 v8  }
0x7f: {  	v8 =	vcvt.f32.s32 v8;
	_ =	sdelay $0x1  }
0x80: {  	[tilespmem:$0x10190] =	vst v8  }
0x81: {  	v8 =	vld.idx.msk [tilespmem:v5+s26+$0x0], $0xffff;
	_ =	sdelay $0x4  }
0x82: {  	v8 =	vtrunc.f32 v8  }
0x83: {  	v8 =	vcvt.f32.s32 v8;
	_ =	sdelay $0x1  }
0x84: {  	[tilespmem:$0x101A0] =	vst v8  }
0x85: {  	v8 =	vld.idx.msk [tilespmem:v6+s26+$0x0], $0xffff;
	_ =	sdelay $0x4  }
0x86: {  	v8 =	vtrunc.f32 v8  }
0x87: {  	v8 =	vcvt.f32.s32 v8;
	_ =	sdelay $0x1  }
0x88: {  	[tilespmem:$0x101B0] =	vst v8  }
0x89: {  	v8 =	vld.idx.msk [tilespmem:v7+s26+$0x0], $0xffff;
	_ =	sdelay $0x4  }
0x8a: {  	v8 =	vtrunc.f32 v8  }
0x8b: {  	v8 =	vcvt.f32.s32 v8;
	_ =	sdelay $0x1  }
0x8c: {  	s19 =	simm.s32 $0x10160;
	[tilespmem:$0x101C0] =	vst v8  }
0x8d: {  	[tilespmem:s10], [sflag:$0x6] =	stream.indirect.gather [spmem:s3], $0x80, s19, s30, $0xb8;
	[tilespmem:$0x1E2E0] =	vst v63  }
0x8e: {  	_ =	swait.ge [sflag:s11], $0x3800  }
0x8f: {  	[sflag:s11] =	ssyncset.done $0x0  }
0x90: {  	[sflag:s11] =	ssyncadd.s32 $0xFFFFC800  }
0x91: {  	v8 =	vld.idx.msk [tilespmem:v1+s28+$0x0], $0xffff;
	_ =	sdelay $0x4  }
0x92: {  	v8 =	vtrunc.f32 v8  }
0x93: {  	v8 =	vcvt.f32.s32 v8;
	_ =	sdelay $0x1  }
0x94: {  	[tilespmem:$0x101E0] =	vst v8  }
0x95: {  	v8 =	vld.idx.msk [tilespmem:v2+s28+$0x0], $0xffff;
	_ =	sdelay $0x4  }
0x96: {  	v8 =	vtrunc.f32 v8  }
0x97: {  	v8 =	vcvt.f32.s32 v8;
	_ =	sdelay $0x1  }
0x98: {  	[tilespmem:$0x101F0] =	vst v8  }
0x99: {  	v8 =	vld.idx.msk [tilespmem:v3+s28+$0x0], $0xffff;
	_ =	sdelay $0x4  }
0x9a: {  	v8 =	vtrunc.f32 v8  }
0x9b: {  	v8 =	vcvt.f32.s32 v8;
	_ =	sdelay $0x1  }
0x9c: {  	[tilespmem:$0x10200] =	vst v8  }
0x9d: {  	v8 =	vld.idx.msk [tilespmem:v4+s28+$0x0], $0xffff;
	_ =	sdelay $0x4  }
0x9e: {  	v8 =	vtrunc.f32 v8  }
0x9f: {  	v8 =	vcvt.f32.s32 v8;
	_ =	sdelay $0x1  }
0xa0: {  	[tilespmem:$0x10210] =	vst v8  }
0xa1: {  	v8 =	vld.idx.msk [tilespmem:v5+s28+$0x0], $0xffff;
	_ =	sdelay $0x4  }
0xa2: {  	v8 =	vtrunc.f32 v8  }
0xa3: {  	v8 =	vcvt.f32.s32 v8;
	_ =	sdelay $0x1  }
0xa4: {  	[tilespmem:$0x10220] =	vst v8  }
0xa5: {  	v8 =	vld.idx.msk [tilespmem:v6+s28+$0x0], $0xffff;
	_ =	sdelay $0x4  }
0xa6: {  	v8 =	vtrunc.f32 v8  }
0xa7: {  	v8 =	vcvt.f32.s32 v8;
	_ =	sdelay $0x1  }
0xa8: {  	[tilespmem:$0x10230] =	vst v8  }
0xa9: {  	v8 =	vld.idx.msk [tilespmem:v7+s28+$0x0], $0xffff;
	_ =	sdelay $0x4  }
0xaa: {  	v8 =	vtrunc.f32 v8  }
0xab: {  	v8 =	vcvt.f32.s32 v8;
	_ =	sdelay $0x1  }
0xac: {  	s20 =	simm.s32 $0x101E0;
	[tilespmem:$0x10240] =	vst v8  }
0xad: {  	[tilespmem:s13], [sflag:$0x7] =	stream.indirect.gather [spmem:s3], $0x80, s20, s30, $0xb8;
	[tilespmem:$0x1E2E0] =	vst v63  }
0xae: {  	_ =	swait.ge [sflag:s22], $0x3800  }
0xaf: {  	[sflag:s22] =	ssyncset.done $0x0  }
0xb0: {  	s17 =	simm.s32 $0x22E0;
	[sflag:s22] =	ssyncadd.s32 $0xFFFFC800  }
0xb1: {  	v8 =	vld [tilespmem:s17+$0xFFFFFE00];
	_ =	sdelay $0x3  }
0xb2: {  	s16 =	simm.s32 $0x104E0  }
0xb3: {  	[tilespmem:s16+$0xFFFFFE00] =	vst v8  }
0xb4: {  	v8 =	vld [tilespmem:s17+$0xFFFFFE80];
	_ =	sdelay $0x4  }
0xb5: {  	[tilespmem:s16+$0xFFFFFE80] =	vst v8  }
0xb6: {  	v8 =	vld [tilespmem:s17+$0xFFFFFF00];
	_ =	sdelay $0x4  }
0xb7: {  	[tilespmem:s16+$0xFFFFFF00] =	vst v8  }
0xb8: {  	v8 =	vld [tilespmem:s17+$0xFFFFFF80];
	_ =	sdelay $0x4  }
0xb9: {  	[tilespmem:s16+$0xFFFFFF80] =	vst v8  }
0xba: {  	v8 =	vld [tilespmem:s17+$0x0];
	_ =	sdelay $0x4  }
0xbb: {  	[tilespmem:s16+$0x0] =	vst v8  }
0xbc: {  	v8 =	vld [tilespmem:s17+$0x80];
	_ =	sdelay $0x4  }
0xbd: {  	[tilespmem:s16+$0x80] =	vst v8  }
0xbe: {  	v8 =	vld [tilespmem:s17+$0x100];
	_ =	sdelay $0x4  }
0xbf: {  	[tilespmem:s16+$0x100] =	vst v8  }
0xc0: {  	v8 =	vld [tilespmem:s17+$0x180];
	_ =	sdelay $0x4  }
0xc1: {  	s18 =	simm.s32 $0x26E0;
	s17 =	simm.s32 $0x0;
	[tilespmem:s16+$0x180] =	vst v8  }
.LBB2_6:
0xc2: {  	v8 =	vld [tilespmem:s18+$0xFFFFFE00];
	s17 =	sadd.s32 $0x8, s17  }
0xc3: {  	p1 =	slt.u32 s17, $0x68;
	_ =	sdelay $0x2  }
0xc4: {  	s16 =	sadd.s32 $0x400, s16  }
0xc5: {  	[tilespmem:s16+$0xFFFFFE00] =	vst v8  }
0xc6: {  	v8 =	vld [tilespmem:s18+$0xFFFFFE80];
	_ =	sdelay $0x4  }
0xc7: {  	[tilespmem:s16+$0xFFFFFE80] =	vst v8  }
0xc8: {  	v8 =	vld [tilespmem:s18+$0xFFFFFF00];
	_ =	sdelay $0x4  }
0xc9: {  	[tilespmem:s16+$0xFFFFFF00] =	vst v8  }
0xca: {  	v8 =	vld [tilespmem:s18+$0xFFFFFF80];
	_ =	sdelay $0x4  }
0xcb: {  	[tilespmem:s16+$0xFFFFFF80] =	vst v8  }
0xcc: {  	v8 =	vld [tilespmem:s18+$0x0];
	_ =	sdelay $0x4  }
0xcd: {  	[tilespmem:s16+$0x0] =	vst v8  }
0xce: {  	v8 =	vld [tilespmem:s18+$0x80];
	_ =	sdelay $0x4  }
0xcf: {  	[tilespmem:s16+$0x80] =	vst v8  }
0xd0: {  	v8 =	vld [tilespmem:s18+$0x100];
	_ =	sdelay $0x4  }
0xd1: {  	[tilespmem:s16+$0x100] =	vst v8  }
0xd2: {  	v8 =	vld [tilespmem:s18+$0x180]  }
.Ltmp2:
0xd3: {  	(pc) =	sbr.rel @p1 .LBB2_6-.Ltmp2, $2  }
0xd4: {  	_ =	sdelay $0x2  }
0xd5: {  	s18 =	sadd.s32 $0x400, s18;
	[tilespmem:s16+$0x180] =	vst v8  }
0xd6: {  	s16 =	rddreg [dreg:$0x9]  }
0xd7: {  	[hbm4b:s16+s4] =	stream.linear.scatter [tilespmem:s7], [sflag:$0x9], $0x3800, $0x38;
	[tilespmem:$0x1E2E0] =	vst v63  }
0xd8: {  	s19 =	rddreg [dreg:$0xa]  }
0xd9: {  	[tilespmem:s25], [sflag:$0x1] =	stream.linear.gather [hbm4b:s19+s4], $0x3800, $0x38;
	[tilespmem:$0x1E2E0] =	vst v63  }
0xda: {  	_ =	swait.ge [sflag:s23], $0x3800  }
0xdb: {  	[sflag:s23] =	ssyncset.done $0x0  }
0xdc: {  	[sflag:s23] =	ssyncadd.s32 $0xFFFFC800  }
0xdd: {  	v8 =	vld.idx.msk [tilespmem:v1+s29+$0x0], $0xffff;
	_ =	sdelay $0x4  }
0xde: {  	v8 =	vtrunc.f32 v8  }
0xdf: {  	v8 =	vcvt.f32.s32 v8;
	_ =	sdelay $0x1  }
0xe0: {  	[tilespmem:$0x10260] =	vst v8  }
0xe1: {  	v8 =	vld.idx.msk [tilespmem:v2+s29+$0x0], $0xffff;
	_ =	sdelay $0x4  }
0xe2: {  	v8 =	vtrunc.f32 v8  }
0xe3: {  	v8 =	vcvt.f32.s32 v8;
	_ =	sdelay $0x1  }
0xe4: {  	[tilespmem:$0x10270] =	vst v8  }
0xe5: {  	v8 =	vld.idx.msk [tilespmem:v3+s29+$0x0], $0xffff;
	_ =	sdelay $0x4  }
0xe6: {  	v8 =	vtrunc.f32 v8  }
0xe7: {  	v8 =	vcvt.f32.s32 v8;
	_ =	sdelay $0x1  }
0xe8: {  	[tilespmem:$0x10280] =	vst v8  }
0xe9: {  	v8 =	vld.idx.msk [tilespmem:v4+s29+$0x0], $0xffff;
	_ =	sdelay $0x4  }
0xea: {  	v8 =	vtrunc.f32 v8  }
0xeb: {  	v8 =	vcvt.f32.s32 v8;
	_ =	sdelay $0x1  }
0xec: {  	[tilespmem:$0x10290] =	vst v8  }
0xed: {  	v8 =	vld.idx.msk [tilespmem:v5+s29+$0x0], $0xffff;
	_ =	sdelay $0x4  }
0xee: {  	v8 =	vtrunc.f32 v8  }
0xef: {  	v8 =	vcvt.f32.s32 v8;
	_ =	sdelay $0x1  }
0xf0: {  	[tilespmem:$0x102A0] =	vst v8  }
0xf1: {  	v8 =	vld.idx.msk [tilespmem:v6+s29+$0x0], $0xffff;
	_ =	sdelay $0x4  }
0xf2: {  	v8 =	vtrunc.f32 v8  }
0xf3: {  	v8 =	vcvt.f32.s32 v8;
	_ =	sdelay $0x1  }
0xf4: {  	[tilespmem:$0x102B0] =	vst v8  }
0xf5: {  	v8 =	vld.idx.msk [tilespmem:v7+s29+$0x0], $0xffff;
	_ =	sdelay $0x4  }
0xf6: {  	v8 =	vtrunc.f32 v8  }
0xf7: {  	v8 =	vcvt.f32.s32 v8;
	_ =	sdelay $0x1  }
0xf8: {  	s20 =	simm.s32 $0x10260;
	[tilespmem:$0x102C0] =	vst v8  }
0xf9: {  	[tilespmem:s6], [sflag:$0x8] =	stream.indirect.gather [spmem:s3], $0x80, s20, s30, $0xb8;
	[tilespmem:$0x1E2E0] =	vst v63  }
0xfa: {  	_ =	swait.ge [sflag:s31], $0x3800  }
0xfb: {  	[sflag:s31] =	ssyncset.done $0x0  }
0xfc: {  	s17 =	simm.s32 $0x5AE0;
	[sflag:s31] =	ssyncadd.s32 $0xFFFFC800  }
0xfd: {  	v8 =	vld [tilespmem:s17+$0xFFFFFE00];
	_ =	sdelay $0x3  }
0xfe: {  	s16 =	simm.s32 $0x13CE0  }
0xff: {  	[tilespmem:s16+$0xFFFFFE00] =	vst v8  }
0x100: {  	v8 =	vld [tilespmem:s17+$0xFFFFFE80];
	_ =	sdelay $0x4  }
0x101: {  	[tilespmem:s16+$0xFFFFFE80] =	vst v8  }
0x102: {  	v8 =	vld [tilespmem:s17+$0xFFFFFF00];
	_ =	sdelay $0x4  }
0x103: {  	[tilespmem:s16+$0xFFFFFF00] =	vst v8  }
0x104: {  	v8 =	vld [tilespmem:s17+$0xFFFFFF80];
	_ =	sdelay $0x4  }
0x105: {  	[tilespmem:s16+$0xFFFFFF80] =	vst v8  }
0x106: {  	v8 =	vld [tilespmem:s17+$0x0];
	_ =	sdelay $0x4  }
0x107: {  	[tilespmem:s16+$0x0] =	vst v8  }
0x108: {  	v8 =	vld [tilespmem:s17+$0x80];
	_ =	sdelay $0x4  }
0x109: {  	[tilespmem:s16+$0x80] =	vst v8  }
0x10a: {  	v8 =	vld [tilespmem:s17+$0x100];
	_ =	sdelay $0x4  }
0x10b: {  	[tilespmem:s16+$0x100] =	vst v8  }
0x10c: {  	v8 =	vld [tilespmem:s17+$0x180];
	_ =	sdelay $0x4  }
0x10d: {  	s18 =	simm.s32 $0x5EE0;
	s17 =	simm.s32 $0x0;
	[tilespmem:s16+$0x180] =	vst v8  }
.LBB2_8:
0x10e: {  	v8 =	vld [tilespmem:s18+$0xFFFFFE00];
	s17 =	sadd.s32 $0x8, s17  }
0x10f: {  	p1 =	slt.u32 s17, $0x68;
	_ =	sdelay $0x2  }
0x110: {  	s16 =	sadd.s32 $0x400, s16  }
0x111: {  	[tilespmem:s16+$0xFFFFFE00] =	vst v8  }
0x112: {  	v8 =	vld [tilespmem:s18+$0xFFFFFE80];
	_ =	sdelay $0x4  }
0x113: {  	[tilespmem:s16+$0xFFFFFE80] =	vst v8  }
0x114: {  	v8 =	vld [tilespmem:s18+$0xFFFFFF00];
	_ =	sdelay $0x4  }
0x115: {  	[tilespmem:s16+$0xFFFFFF00] =	vst v8  }
0x116: {  	v8 =	vld [tilespmem:s18+$0xFFFFFF80];
	_ =	sdelay $0x4  }
0x117: {  	[tilespmem:s16+$0xFFFFFF80] =	vst v8  }
0x118: {  	v8 =	vld [tilespmem:s18+$0x0];
	_ =	sdelay $0x4  }
0x119: {  	[tilespmem:s16+$0x0] =	vst v8  }
0x11a: {  	v8 =	vld [tilespmem:s18+$0x80];
	_ =	sdelay $0x4  }
0x11b: {  	[tilespmem:s16+$0x80] =	vst v8  }
0x11c: {  	v8 =	vld [tilespmem:s18+$0x100];
	_ =	sdelay $0x4  }
0x11d: {  	[tilespmem:s16+$0x100] =	vst v8  }
0x11e: {  	v8 =	vld [tilespmem:s18+$0x180]  }
.Ltmp3:
0x11f: {  	(pc) =	sbr.rel @p1 .LBB2_8-.Ltmp3, $2  }
0x120: {  	_ =	sdelay $0x2  }
0x121: {  	s18 =	sadd.s32 $0x400, s18;
	[tilespmem:s16+$0x180] =	vst v8  }
0x122: {  	s16 =	simm.s32 $0x0;
	s17 =	rddreg [dreg:$0xb]  }
0x123: {  	[hbm4b:s17+s16] =	stream.linear.scatter [tilespmem:s10], [sflag:$0xA], $0x3800, $0x38;
	[tilespmem:$0x1E2E0] =	vst v63  }
0x124: {  	s20 =	rddreg [dreg:$0xc]  }
0x125: {  	[tilespmem:s26], [sflag:$0x2] =	stream.linear.gather [hbm4b:s20+s16], $0x3800, $0x38;
	[tilespmem:$0x1E2E0] =	vst v63  }
.LBB2_10:
0x126: {  	_ = 	snop  }
0x127: {  	_ =	swait.ge [sflag:s1], $0x3800  }
0x128: {  	[sflag:s1] =	ssyncset.done $0x0  }
0x129: {  	[sflag:s1] =	ssyncadd.s32 $0xFFFFC800  }
0x12a: {  	v8 =	vld.idx.msk [tilespmem:v1+s25+$0x0], $0xffff;
	_ =	sdelay $0x4  }
0x12b: {  	v8 =	vtrunc.f32 v8  }
0x12c: {  	v8 =	vcvt.f32.s32 v8;
	_ =	sdelay $0x1  }
0x12d: {  	[tilespmem:$0x100E0] =	vst v8  }
0x12e: {  	v8 =	vld.idx.msk [tilespmem:v2+s25+$0x0], $0xffff;
	_ =	sdelay $0x4  }
0x12f: {  	v8 =	vtrunc.f32 v8  }
0x130: {  	v8 =	vcvt.f32.s32 v8;
	_ =	sdelay $0x1  }
0x131: {  	[tilespmem:$0x100F0] =	vst v8  }
0x132: {  	v8 =	vld.idx.msk [tilespmem:v3+s25+$0x0], $0xffff;
	_ =	sdelay $0x4  }
0x133: {  	v8 =	vtrunc.f32 v8  }
0x134: {  	v8 =	vcvt.f32.s32 v8;
	_ =	sdelay $0x1  }
0x135: {  	[tilespmem:$0x10100] =	vst v8  }
0x136: {  	v8 =	vld.idx.msk [tilespmem:v4+s25+$0x0], $0xffff;
	_ =	sdelay $0x4  }
0x137: {  	v8 =	vtrunc.f32 v8  }
0x138: {  	v8 =	vcvt.f32.s32 v8;
	_ =	sdelay $0x1  }
0x139: {  	[tilespmem:$0x10110] =	vst v8  }
0x13a: {  	v8 =	vld.idx.msk [tilespmem:v5+s25+$0x0], $0xffff;
	_ =	sdelay $0x4  }
0x13b: {  	v8 =	vtrunc.f32 v8  }
0x13c: {  	v8 =	vcvt.f32.s32 v8;
	_ =	sdelay $0x1  }
0x13d: {  	[tilespmem:$0x10120] =	vst v8  }
0x13e: {  	v8 =	vld.idx.msk [tilespmem:v6+s25+$0x0], $0xffff;
	_ =	sdelay $0x4  }
0x13f: {  	v8 =	vtrunc.f32 v8  }
0x140: {  	v8 =	vcvt.f32.s32 v8;
	_ =	sdelay $0x1  }
0x141: {  	[tilespmem:$0x10130] =	vst v8  }
0x142: {  	v8 =	vld.idx.msk [tilespmem:v7+s25+$0x0], $0xffff;
	_ =	sdelay $0x4  }
0x143: {  	v8 =	vtrunc.f32 v8  }
0x144: {  	v8 =	vcvt.f32.s32 v8;
	_ =	sdelay $0x1  }
0x145: {  	[tilespmem:$0x10140] =	vst v8  }
0x146: {  	_ =	swait.ge [sflag:s0], $0x3800  }
0x147: {  	[sflag:s0] =	ssyncset.done $0x0  }
0x148: {  	s17 =	simm.s32 $0x100E0;
	[sflag:s0] =	ssyncadd.s32 $0xFFFFC800  }
0x149: {  	[tilespmem:s7], [sflag:$0x5] =	stream.indirect.gather [spmem:s3], $0x80, s17, s30, $0xb8;
	[tilespmem:$0x1E2E0] =	vst v63  }
0x14a: {  	_ =	swait.ge [sflag:s9], $0x3800  }
0x14b: {  	[sflag:s9] =	ssyncset.done $0x0  }
0x14c: {  	s18 =	simm.s32 $0x92E0;
	[sflag:s9] =	ssyncadd.s32 $0xFFFFC800  }
0x14d: {  	v8 =	vld [tilespmem:s18+$0xFFFFFE00];
	_ =	sdelay $0x3  }
0x14e: {  	s17 =	simm.s32 $0x174E0  }
0x14f: {  	[tilespmem:s17+$0xFFFFFE00] =	vst v8  }
0x150: {  	v8 =	vld [tilespmem:s18+$0xFFFFFE80];
	_ =	sdelay $0x4  }
0x151: {  	[tilespmem:s17+$0xFFFFFE80] =	vst v8  }
0x152: {  	v8 =	vld [tilespmem:s18+$0xFFFFFF00];
	_ =	sdelay $0x4  }
0x153: {  	[tilespmem:s17+$0xFFFFFF00] =	vst v8  }
0x154: {  	v8 =	vld [tilespmem:s18+$0xFFFFFF80];
	_ =	sdelay $0x4  }
0x155: {  	[tilespmem:s17+$0xFFFFFF80] =	vst v8  }
0x156: {  	v8 =	vld [tilespmem:s18+$0x0];
	_ =	sdelay $0x4  }
0x157: {  	[tilespmem:s17+$0x0] =	vst v8  }
0x158: {  	v8 =	vld [tilespmem:s18+$0x80];
	_ =	sdelay $0x4  }
0x159: {  	[tilespmem:s17+$0x80] =	vst v8  }
0x15a: {  	v8 =	vld [tilespmem:s18+$0x100];
	_ =	sdelay $0x4  }
0x15b: {  	[tilespmem:s17+$0x100] =	vst v8  }
0x15c: {  	v8 =	vld [tilespmem:s18+$0x180];
	_ =	sdelay $0x4  }
0x15d: {  	s19 =	simm.s32 $0x96E0;
	s18 =	simm.s32 $0x0;
	[tilespmem:s17+$0x180] =	vst v8  }
.LBB2_11:
0x15e: {  	v8 =	vld [tilespmem:s19+$0xFFFFFE00];
	s18 =	sadd.s32 $0x8, s18  }
0x15f: {  	p1 =	slt.u32 s18, $0x68;
	_ =	sdelay $0x2  }
0x160: {  	s17 =	sadd.s32 $0x400, s17  }
0x161: {  	[tilespmem:s17+$0xFFFFFE00] =	vst v8  }
0x162: {  	v8 =	vld [tilespmem:s19+$0xFFFFFE80];
	_ =	sdelay $0x4  }
0x163: {  	[tilespmem:s17+$0xFFFFFE80] =	vst v8  }
0x164: {  	v8 =	vld [tilespmem:s19+$0xFFFFFF00];
	_ =	sdelay $0x4  }
0x165: {  	[tilespmem:s17+$0xFFFFFF00] =	vst v8  }
0x166: {  	v8 =	vld [tilespmem:s19+$0xFFFFFF80];
	_ =	sdelay $0x4  }
0x167: {  	[tilespmem:s17+$0xFFFFFF80] =	vst v8  }
0x168: {  	v8 =	vld [tilespmem:s19+$0x0];
	_ =	sdelay $0x4  }
0x169: {  	[tilespmem:s17+$0x0] =	vst v8  }
0x16a: {  	v8 =	vld [tilespmem:s19+$0x80];
	_ =	sdelay $0x4  }
0x16b: {  	[tilespmem:s17+$0x80] =	vst v8  }
0x16c: {  	v8 =	vld [tilespmem:s19+$0x100];
	_ =	sdelay $0x4  }
0x16d: {  	[tilespmem:s17+$0x100] =	vst v8  }
0x16e: {  	v8 =	vld [tilespmem:s19+$0x180]  }
.Ltmp4:
0x16f: {  	(pc) =	sbr.rel @p1 .LBB2_11-.Ltmp4, $2  }
0x170: {  	_ =	sdelay $0x2  }
0x171: {  	s19 =	sadd.s32 $0x400, s19;
	[tilespmem:s17+$0x180] =	vst v8  }
0x172: {  	s17 =	smul.u32 $0x1C0, s16  }
0x173: {  	s18 =	rddreg [dreg:$0xe]  }
0x174: {  	s18 =	sadd.s32 s17, s18  }
0x175: {  	s18 =	sshll.u32 s18, $0x4  }
0x176: {  	s19 =	rddreg [dreg:$0xf];
	s18 =	sadd.s32 s2, s18  }
0x177: {  	[hbm4b:s18+s4] =	stream.linear.scatter [tilespmem:s13], [sflag:$0xB], $0x3800, $0x38;
	[tilespmem:$0x1E2E0] =	vst v63  }
0x178: {  	s18 =	sadd.s32 s17, s19  }
0x179: {  	p1 =	slt.s32 s18, $0x18630  }
0x17a: {  	s18 =	simm.s32 @!p1 $0x18630  }
0x17b: {  	s18 =	sshll.u32 s18, $0x4  }
0x17c: {  	s18 =	sadd.s32 s5, s18  }
0x17d: {  	[tilespmem:s28], [sflag:$0x3] =	stream.linear.gather [hbm4b:s18+s4], $0x3800, $0x38;
	[tilespmem:$0x1E2E0] =	vst v63  }
0x17e: {  	_ =	swait.ge [sflag:s8], $0x3800  }
0x17f: {  	[sflag:s8] =	ssyncset.done $0x0  }
0x180: {  	[sflag:s8] =	ssyncadd.s32 $0xFFFFC800  }
0x181: {  	v8 =	vld.idx.msk [tilespmem:v1+s26+$0x0], $0xffff;
	_ =	sdelay $0x4  }
0x182: {  	v8 =	vtrunc.f32 v8  }
0x183: {  	v8 =	vcvt.f32.s32 v8;
	_ =	sdelay $0x1  }
0x184: {  	[tilespmem:$0x10160] =	vst v8  }
0x185: {  	v8 =	vld.idx.msk [tilespmem:v2+s26+$0x0], $0xffff;
	_ =	sdelay $0x4  }
0x186: {  	v8 =	vtrunc.f32 v8  }
0x187: {  	v8 =	vcvt.f32.s32 v8;
	_ =	sdelay $0x1  }
0x188: {  	[tilespmem:$0x10170] =	vst v8  }
0x189: {  	v8 =	vld.idx.msk [tilespmem:v3+s26+$0x0], $0xffff;
	_ =	sdelay $0x4  }
0x18a: {  	v8 =	vtrunc.f32 v8  }
0x18b: {  	v8 =	vcvt.f32.s32 v8;
	_ =	sdelay $0x1  }
0x18c: {  	[tilespmem:$0x10180] =	vst v8  }
0x18d: {  	v8 =	vld.idx.msk [tilespmem:v4+s26+$0x0], $0xffff;
	_ =	sdelay $0x4  }
0x18e: {  	v8 =	vtrunc.f32 v8  }
0x18f: {  	v8 =	vcvt.f32.s32 v8;
	_ =	sdelay $0x1  }
0x190: {  	[tilespmem:$0x10190] =	vst v8  }
0x191: {  	v8 =	vld.idx.msk [tilespmem:v5+s26+$0x0], $0xffff;
	_ =	sdelay $0x4  }
0x192: {  	v8 =	vtrunc.f32 v8  }
0x193: {  	v8 =	vcvt.f32.s32 v8;
	_ =	sdelay $0x1  }
0x194: {  	[tilespmem:$0x101A0] =	vst v8  }
0x195: {  	v8 =	vld.idx.msk [tilespmem:v6+s26+$0x0], $0xffff;
	_ =	sdelay $0x4  }
0x196: {  	v8 =	vtrunc.f32 v8  }
0x197: {  	v8 =	vcvt.f32.s32 v8;
	_ =	sdelay $0x1  }
0x198: {  	[tilespmem:$0x101B0] =	vst v8  }
0x199: {  	v8 =	vld.idx.msk [tilespmem:v7+s26+$0x0], $0xffff;
	_ =	sdelay $0x4  }
0x19a: {  	v8 =	vtrunc.f32 v8  }
0x19b: {  	v8 =	vcvt.f32.s32 v8;
	_ =	sdelay $0x1  }
0x19c: {  	[tilespmem:$0x101C0] =	vst v8  }
0x19d: {  	_ =	swait.ge [sflag:s12], $0x3800  }
0x19e: {  	[sflag:s12] =	ssyncset.done $0x0  }
0x19f: {  	s20 =	simm.s32 $0x10160;
	[sflag:s12] =	ssyncadd.s32 $0xFFFFC800  }
0x1a0: {  	[tilespmem:s10], [sflag:$0x6] =	stream.indirect.gather [spmem:s3], $0x80, s20, s30, $0xb8;
	[tilespmem:$0x1E2E0] =	vst v63  }
0x1a1: {  	_ =	swait.ge [sflag:s24], $0x3800  }
0x1a2: {  	[sflag:s24] =	ssyncset.done $0x0  }
0x1a3: {  	s19 =	simm.s32 $0xCAE0;
	[sflag:s24] =	ssyncadd.s32 $0xFFFFC800  }
0x1a4: {  	v8 =	vld [tilespmem:s19+$0xFFFFFE00];
	_ =	sdelay $0x3  }
0x1a5: {  	s18 =	simm.s32 $0x1ACE0  }
0x1a6: {  	[tilespmem:s18+$0xFFFFFE00] =	vst v8  }
0x1a7: {  	v8 =	vld [tilespmem:s19+$0xFFFFFE80];
	_ =	sdelay $0x4  }
0x1a8: {  	[tilespmem:s18+$0xFFFFFE80] =	vst v8  }
0x1a9: {  	v8 =	vld [tilespmem:s19+$0xFFFFFF00];
	_ =	sdelay $0x4  }
0x1aa: {  	[tilespmem:s18+$0xFFFFFF00] =	vst v8  }
0x1ab: {  	v8 =	vld [tilespmem:s19+$0xFFFFFF80];
	_ =	sdelay $0x4  }
0x1ac: {  	[tilespmem:s18+$0xFFFFFF80] =	vst v8  }
0x1ad: {  	v8 =	vld [tilespmem:s19+$0x0];
	_ =	sdelay $0x4  }
0x1ae: {  	[tilespmem:s18+$0x0] =	vst v8  }
0x1af: {  	v8 =	vld [tilespmem:s19+$0x80];
	_ =	sdelay $0x4  }
0x1b0: {  	[tilespmem:s18+$0x80] =	vst v8  }
0x1b1: {  	v8 =	vld [tilespmem:s19+$0x100];
	_ =	sdelay $0x4  }
0x1b2: {  	[tilespmem:s18+$0x100] =	vst v8  }
0x1b3: {  	v8 =	vld [tilespmem:s19+$0x180];
	_ =	sdelay $0x4  }
0x1b4: {  	s20 =	simm.s32 $0xCEE0;
	s19 =	simm.s32 $0x0;
	[tilespmem:s18+$0x180] =	vst v8  }
.LBB2_13:
0x1b5: {  	v8 =	vld [tilespmem:s20+$0xFFFFFE00];
	s19 =	sadd.s32 $0x8, s19  }
0x1b6: {  	p1 =	slt.u32 s19, $0x68;
	_ =	sdelay $0x2  }
0x1b7: {  	s18 =	sadd.s32 $0x400, s18  }
0x1b8: {  	[tilespmem:s18+$0xFFFFFE00] =	vst v8  }
0x1b9: {  	v8 =	vld [tilespmem:s20+$0xFFFFFE80];
	_ =	sdelay $0x4  }
0x1ba: {  	[tilespmem:s18+$0xFFFFFE80] =	vst v8  }
0x1bb: {  	v8 =	vld [tilespmem:s20+$0xFFFFFF00];
	_ =	sdelay $0x4  }
0x1bc: {  	[tilespmem:s18+$0xFFFFFF00] =	vst v8  }
0x1bd: {  	v8 =	vld [tilespmem:s20+$0xFFFFFF80];
	_ =	sdelay $0x4  }
0x1be: {  	[tilespmem:s18+$0xFFFFFF80] =	vst v8  }
0x1bf: {  	v8 =	vld [tilespmem:s20+$0x0];
	_ =	sdelay $0x4  }
0x1c0: {  	[tilespmem:s18+$0x0] =	vst v8  }
0x1c1: {  	v8 =	vld [tilespmem:s20+$0x80];
	_ =	sdelay $0x4  }
0x1c2: {  	[tilespmem:s18+$0x80] =	vst v8  }
0x1c3: {  	v8 =	vld [tilespmem:s20+$0x100];
	_ =	sdelay $0x4  }
0x1c4: {  	[tilespmem:s18+$0x100] =	vst v8  }
0x1c5: {  	v8 =	vld [tilespmem:s20+$0x180]  }
.Ltmp5:
0x1c6: {  	(pc) =	sbr.rel @p1 .LBB2_13-.Ltmp5, $2  }
0x1c7: {  	_ =	sdelay $0x2  }
0x1c8: {  	s20 =	sadd.s32 $0x400, s20;
	[tilespmem:s18+$0x180] =	vst v8  }
0x1c9: {  	s18 =	rddreg [dreg:$0x11]  }
0x1ca: {  	s18 =	sadd.s32 s17, s18  }
0x1cb: {  	s18 =	sshll.u32 s18, $0x4  }
0x1cc: {  	s19 =	rddreg [dreg:$0x12];
	s18 =	sadd.s32 s2, s18  }
0x1cd: {  	[hbm4b:s18+s4] =	stream.linear.scatter [tilespmem:s6], [sflag:$0xC], $0x3800, $0x38;
	[tilespmem:$0x1E2E0] =	vst v63  }
0x1ce: {  	s18 =	sadd.s32 s17, s19  }
0x1cf: {  	p1 =	slt.s32 s18, $0x18630  }
0x1d0: {  	s18 =	simm.s32 @!p1 $0x18630  }
0x1d1: {  	s18 =	sshll.u32 s18, $0x4  }
0x1d2: {  	s18 =	sadd.s32 s5, s18  }
0x1d3: {  	[tilespmem:s29], [sflag:$0x4] =	stream.linear.gather [hbm4b:s18+s4], $0x3800, $0x38;
	[tilespmem:$0x1E2E0] =	vst v63  }
0x1d4: {  	_ =	swait.ge [sflag:s11], $0x3800  }
0x1d5: {  	[sflag:s11] =	ssyncset.done $0x0  }
0x1d6: {  	[sflag:s11] =	ssyncadd.s32 $0xFFFFC800  }
0x1d7: {  	v8 =	vld.idx.msk [tilespmem:v1+s28+$0x0], $0xffff;
	_ =	sdelay $0x4  }
0x1d8: {  	v8 =	vtrunc.f32 v8  }
0x1d9: {  	v8 =	vcvt.f32.s32 v8;
	_ =	sdelay $0x1  }
0x1da: {  	[tilespmem:$0x101E0] =	vst v8  }
0x1db: {  	v8 =	vld.idx.msk [tilespmem:v2+s28+$0x0], $0xffff;
	_ =	sdelay $0x4  }
0x1dc: {  	v8 =	vtrunc.f32 v8  }
0x1dd: {  	v8 =	vcvt.f32.s32 v8;
	_ =	sdelay $0x1  }
0x1de: {  	[tilespmem:$0x101F0] =	vst v8  }
0x1df: {  	v8 =	vld.idx.msk [tilespmem:v3+s28+$0x0], $0xffff;
	_ =	sdelay $0x4  }
0x1e0: {  	v8 =	vtrunc.f32 v8  }
0x1e1: {  	v8 =	vcvt.f32.s32 v8;
	_ =	sdelay $0x1  }
0x1e2: {  	[tilespmem:$0x10200] =	vst v8  }
0x1e3: {  	v8 =	vld.idx.msk [tilespmem:v4+s28+$0x0], $0xffff;
	_ =	sdelay $0x4  }
0x1e4: {  	v8 =	vtrunc.f32 v8  }
0x1e5: {  	v8 =	vcvt.f32.s32 v8;
	_ =	sdelay $0x1  }
0x1e6: {  	[tilespmem:$0x10210] =	vst v8  }
0x1e7: {  	v8 =	vld.idx.msk [tilespmem:v5+s28+$0x0], $0xffff;
	_ =	sdelay $0x4  }
0x1e8: {  	v8 =	vtrunc.f32 v8  }
0x1e9: {  	v8 =	vcvt.f32.s32 v8;
	_ =	sdelay $0x1  }
0x1ea: {  	[tilespmem:$0x10220] =	vst v8  }
0x1eb: {  	v8 =	vld.idx.msk [tilespmem:v6+s28+$0x0], $0xffff;
	_ =	sdelay $0x4  }
0x1ec: {  	v8 =	vtrunc.f32 v8  }
0x1ed: {  	v8 =	vcvt.f32.s32 v8;
	_ =	sdelay $0x1  }
0x1ee: {  	[tilespmem:$0x10230] =	vst v8  }
0x1ef: {  	v8 =	vld.idx.msk [tilespmem:v7+s28+$0x0], $0xffff;
	_ =	sdelay $0x4  }
0x1f0: {  	v8 =	vtrunc.f32 v8  }
0x1f1: {  	v8 =	vcvt.f32.s32 v8;
	_ =	sdelay $0x1  }
0x1f2: {  	[tilespmem:$0x10240] =	vst v8  }
0x1f3: {  	_ =	swait.ge [sflag:s14], $0x3800  }
0x1f4: {  	[sflag:s14] =	ssyncset.done $0x0  }
0x1f5: {  	s20 =	simm.s32 $0x101E0;
	[sflag:s14] =	ssyncadd.s32 $0xFFFFC800  }
0x1f6: {  	[tilespmem:s13], [sflag:$0x7] =	stream.indirect.gather [spmem:s3], $0x80, s20, s30, $0xb8;
	[tilespmem:$0x1E2E0] =	vst v63  }
0x1f7: {  	_ =	swait.ge [sflag:s22], $0x3800  }
0x1f8: {  	[sflag:s22] =	ssyncset.done $0x0  }
0x1f9: {  	s19 =	simm.s32 $0x22E0;
	[sflag:s22] =	ssyncadd.s32 $0xFFFFC800  }
0x1fa: {  	v8 =	vld [tilespmem:s19+$0xFFFFFE00];
	_ =	sdelay $0x3  }
0x1fb: {  	s18 =	simm.s32 $0x104E0  }
0x1fc: {  	[tilespmem:s18+$0xFFFFFE00] =	vst v8  }
0x1fd: {  	v8 =	vld [tilespmem:s19+$0xFFFFFE80];
	_ =	sdelay $0x4  }
0x1fe: {  	[tilespmem:s18+$0xFFFFFE80] =	vst v8  }
0x1ff: {  	v8 =	vld [tilespmem:s19+$0xFFFFFF00];
	_ =	sdelay $0x4  }
0x200: {  	[tilespmem:s18+$0xFFFFFF00] =	vst v8  }
0x201: {  	v8 =	vld [tilespmem:s19+$0xFFFFFF80];
	_ =	sdelay $0x4  }
0x202: {  	[tilespmem:s18+$0xFFFFFF80] =	vst v8  }
0x203: {  	v8 =	vld [tilespmem:s19+$0x0];
	_ =	sdelay $0x4  }
0x204: {  	[tilespmem:s18+$0x0] =	vst v8  }
0x205: {  	v8 =	vld [tilespmem:s19+$0x80];
	_ =	sdelay $0x4  }
0x206: {  	[tilespmem:s18+$0x80] =	vst v8  }
0x207: {  	v8 =	vld [tilespmem:s19+$0x100];
	_ =	sdelay $0x4  }
0x208: {  	[tilespmem:s18+$0x100] =	vst v8  }
0x209: {  	v8 =	vld [tilespmem:s19+$0x180];
	_ =	sdelay $0x4  }
0x20a: {  	s20 =	simm.s32 $0x26E0;
	s19 =	simm.s32 $0x0;
	[tilespmem:s18+$0x180] =	vst v8  }
.LBB2_15:
0x20b: {  	v8 =	vld [tilespmem:s20+$0xFFFFFE00];
	s19 =	sadd.s32 $0x8, s19  }
0x20c: {  	p1 =	slt.u32 s19, $0x68;
	_ =	sdelay $0x2  }
0x20d: {  	s18 =	sadd.s32 $0x400, s18  }
0x20e: {  	[tilespmem:s18+$0xFFFFFE00] =	vst v8  }
0x20f: {  	v8 =	vld [tilespmem:s20+$0xFFFFFE80];
	_ =	sdelay $0x4  }
0x210: {  	[tilespmem:s18+$0xFFFFFE80] =	vst v8  }
0x211: {  	v8 =	vld [tilespmem:s20+$0xFFFFFF00];
	_ =	sdelay $0x4  }
0x212: {  	[tilespmem:s18+$0xFFFFFF00] =	vst v8  }
0x213: {  	v8 =	vld [tilespmem:s20+$0xFFFFFF80];
	_ =	sdelay $0x4  }
0x214: {  	[tilespmem:s18+$0xFFFFFF80] =	vst v8  }
0x215: {  	v8 =	vld [tilespmem:s20+$0x0];
	_ =	sdelay $0x4  }
0x216: {  	[tilespmem:s18+$0x0] =	vst v8  }
0x217: {  	v8 =	vld [tilespmem:s20+$0x80];
	_ =	sdelay $0x4  }
0x218: {  	[tilespmem:s18+$0x80] =	vst v8  }
0x219: {  	v8 =	vld [tilespmem:s20+$0x100];
	_ =	sdelay $0x4  }
0x21a: {  	[tilespmem:s18+$0x100] =	vst v8  }
0x21b: {  	v8 =	vld [tilespmem:s20+$0x180]  }
.Ltmp6:
0x21c: {  	(pc) =	sbr.rel @p1 .LBB2_15-.Ltmp6, $2  }
0x21d: {  	_ =	sdelay $0x2  }
0x21e: {  	s20 =	sadd.s32 $0x400, s20;
	[tilespmem:s18+$0x180] =	vst v8  }
0x21f: {  	s18 =	rddreg [dreg:$0xd]  }
0x220: {  	s18 =	sadd.s32 s17, s18  }
0x221: {  	p1 =	slt.s32 s18, $0x18630  }
0x222: {  	s18 =	simm.s32 @!p1 $0x18630  }
0x223: {  	s18 =	sshll.u32 s18, $0x4  }
0x224: {  	s19 =	rddreg [dreg:$0x13];
	s18 =	sadd.s32 s2, s18  }
0x225: {  	[hbm4b:s18+s4] =	stream.linear.scatter [tilespmem:s7], [sflag:$0x9], $0x3800, $0x38;
	[tilespmem:$0x1E2E0] =	vst v63  }
0x226: {  	s18 =	sadd.s32 s17, s19  }
0x227: {  	p1 =	slt.s32 s18, $0x18630  }
0x228: {  	s18 =	simm.s32 @!p1 $0x18630  }
0x229: {  	s18 =	sshll.u32 s18, $0x4  }
0x22a: {  	s18 =	sadd.s32 s5, s18  }
0x22b: {  	[tilespmem:s25], [sflag:$0x1] =	stream.linear.gather [hbm4b:s18+s4], $0x3800, $0x38;
	[tilespmem:$0x1E2E0] =	vst v63  }
0x22c: {  	_ =	swait.ge [sflag:s23], $0x3800  }
0x22d: {  	[sflag:s23] =	ssyncset.done $0x0  }
0x22e: {  	[sflag:s23] =	ssyncadd.s32 $0xFFFFC800  }
0x22f: {  	v8 =	vld.idx.msk [tilespmem:v1+s29+$0x0], $0xffff;
	_ =	sdelay $0x4  }
0x230: {  	v8 =	vtrunc.f32 v8  }
0x231: {  	v8 =	vcvt.f32.s32 v8;
	_ =	sdelay $0x1  }
0x232: {  	[tilespmem:$0x10260] =	vst v8  }
0x233: {  	v8 =	vld.idx.msk [tilespmem:v2+s29+$0x0], $0xffff;
	_ =	sdelay $0x4  }
0x234: {  	v8 =	vtrunc.f32 v8  }
0x235: {  	v8 =	vcvt.f32.s32 v8;
	_ =	sdelay $0x1  }
0x236: {  	[tilespmem:$0x10270] =	vst v8  }
0x237: {  	v8 =	vld.idx.msk [tilespmem:v3+s29+$0x0], $0xffff;
	_ =	sdelay $0x4  }
0x238: {  	v8 =	vtrunc.f32 v8  }
0x239: {  	v8 =	vcvt.f32.s32 v8;
	_ =	sdelay $0x1  }
0x23a: {  	[tilespmem:$0x10280] =	vst v8  }
0x23b: {  	v8 =	vld.idx.msk [tilespmem:v4+s29+$0x0], $0xffff;
	_ =	sdelay $0x4  }
0x23c: {  	v8 =	vtrunc.f32 v8  }
0x23d: {  	v8 =	vcvt.f32.s32 v8;
	_ =	sdelay $0x1  }
0x23e: {  	[tilespmem:$0x10290] =	vst v8  }
0x23f: {  	v8 =	vld.idx.msk [tilespmem:v5+s29+$0x0], $0xffff;
	_ =	sdelay $0x4  }
0x240: {  	v8 =	vtrunc.f32 v8  }
0x241: {  	v8 =	vcvt.f32.s32 v8;
	_ =	sdelay $0x1  }
0x242: {  	[tilespmem:$0x102A0] =	vst v8  }
0x243: {  	v8 =	vld.idx.msk [tilespmem:v6+s29+$0x0], $0xffff;
	_ =	sdelay $0x4  }
0x244: {  	v8 =	vtrunc.f32 v8  }
0x245: {  	v8 =	vcvt.f32.s32 v8;
	_ =	sdelay $0x1  }
0x246: {  	[tilespmem:$0x102B0] =	vst v8  }
0x247: {  	v8 =	vld.idx.msk [tilespmem:v7+s29+$0x0], $0xffff;
	_ =	sdelay $0x4  }
0x248: {  	v8 =	vtrunc.f32 v8  }
0x249: {  	v8 =	vcvt.f32.s32 v8;
	_ =	sdelay $0x1  }
0x24a: {  	[tilespmem:$0x102C0] =	vst v8  }
0x24b: {  	_ =	swait.ge [sflag:s15], $0x3800  }
0x24c: {  	[sflag:s15] =	ssyncset.done $0x0  }
0x24d: {  	s20 =	simm.s32 $0x10260;
	[sflag:s15] =	ssyncadd.s32 $0xFFFFC800  }
0x24e: {  	[tilespmem:s6], [sflag:$0x8] =	stream.indirect.gather [spmem:s3], $0x80, s20, s30, $0xb8;
	[tilespmem:$0x1E2E0] =	vst v63  }
0x24f: {  	_ =	swait.ge [sflag:s31], $0x3800  }
0x250: {  	[sflag:s31] =	ssyncset.done $0x0  }
0x251: {  	s19 =	simm.s32 $0x5AE0;
	[sflag:s31] =	ssyncadd.s32 $0xFFFFC800  }
0x252: {  	v8 =	vld [tilespmem:s19+$0xFFFFFE00];
	_ =	sdelay $0x3  }
0x253: {  	s18 =	simm.s32 $0x13CE0  }
0x254: {  	[tilespmem:s18+$0xFFFFFE00] =	vst v8  }
0x255: {  	v8 =	vld [tilespmem:s19+$0xFFFFFE80];
	_ =	sdelay $0x4  }
0x256: {  	[tilespmem:s18+$0xFFFFFE80] =	vst v8  }
0x257: {  	v8 =	vld [tilespmem:s19+$0xFFFFFF00];
	_ =	sdelay $0x4  }
0x258: {  	[tilespmem:s18+$0xFFFFFF00] =	vst v8  }
0x259: {  	v8 =	vld [tilespmem:s19+$0xFFFFFF80];
	_ =	sdelay $0x4  }
0x25a: {  	[tilespmem:s18+$0xFFFFFF80] =	vst v8  }
0x25b: {  	v8 =	vld [tilespmem:s19+$0x0];
	_ =	sdelay $0x4  }
0x25c: {  	[tilespmem:s18+$0x0] =	vst v8  }
0x25d: {  	v8 =	vld [tilespmem:s19+$0x80];
	_ =	sdelay $0x4  }
0x25e: {  	[tilespmem:s18+$0x80] =	vst v8  }
0x25f: {  	v8 =	vld [tilespmem:s19+$0x100];
	_ =	sdelay $0x4  }
0x260: {  	[tilespmem:s18+$0x100] =	vst v8  }
0x261: {  	v8 =	vld [tilespmem:s19+$0x180];
	_ =	sdelay $0x4  }
0x262: {  	s20 =	simm.s32 $0x5EE0;
	s19 =	simm.s32 $0x0;
	[tilespmem:s18+$0x180] =	vst v8  }
.LBB2_17:
0x263: {  	v8 =	vld [tilespmem:s20+$0xFFFFFE00];
	s19 =	sadd.s32 $0x8, s19  }
0x264: {  	p1 =	slt.u32 s19, $0x68;
	_ =	sdelay $0x2  }
0x265: {  	s18 =	sadd.s32 $0x400, s18  }
0x266: {  	[tilespmem:s18+$0xFFFFFE00] =	vst v8  }
0x267: {  	v8 =	vld [tilespmem:s20+$0xFFFFFE80];
	_ =	sdelay $0x4  }
0x268: {  	[tilespmem:s18+$0xFFFFFE80] =	vst v8  }
0x269: {  	v8 =	vld [tilespmem:s20+$0xFFFFFF00];
	_ =	sdelay $0x4  }
0x26a: {  	[tilespmem:s18+$0xFFFFFF00] =	vst v8  }
0x26b: {  	v8 =	vld [tilespmem:s20+$0xFFFFFF80];
	_ =	sdelay $0x4  }
0x26c: {  	[tilespmem:s18+$0xFFFFFF80] =	vst v8  }
0x26d: {  	v8 =	vld [tilespmem:s20+$0x0];
	_ =	sdelay $0x4  }
0x26e: {  	[tilespmem:s18+$0x0] =	vst v8  }
0x26f: {  	v8 =	vld [tilespmem:s20+$0x80];
	_ =	sdelay $0x4  }
0x270: {  	[tilespmem:s18+$0x80] =	vst v8  }
0x271: {  	v8 =	vld [tilespmem:s20+$0x100];
	_ =	sdelay $0x4  }
0x272: {  	[tilespmem:s18+$0x100] =	vst v8  }
0x273: {  	v8 =	vld [tilespmem:s20+$0x180]  }
.Ltmp7:
0x274: {  	(pc) =	sbr.rel @p1 .LBB2_17-.Ltmp7, $2  }
0x275: {  	_ =	sdelay $0x2  }
0x276: {  	s20 =	sadd.s32 $0x400, s20;
	[tilespmem:s18+$0x180] =	vst v8  }
0x277: {  	s18 =	rddreg [dreg:$0x10]  }
0x278: {  	s18 =	sadd.s32 s17, s18  }
0x279: {  	s17 =	sadd.s32 s17, s21;
	p1 =	slt.s32 s18, $0x18630  }
0x27a: {  	s16 =	sadd.s32 $0x1, s16;
	s18 =	simm.s32 @!p1 $0x18630;
	p1 =	slt.s32 s17, $0x18630  }
0x27b: {  	s17 =	simm.s32 @!p1 $0x18630;
	p1 =	sne.s32 s16, $0x6  }
.Ltmp8:
0x27c: {  	s18 =	sshll.u32 s18, $0x4;
	(pc) =	sbr.rel @p1 .LBB2_10-.Ltmp8, $4  }
0x27d: {  	s18 =	sadd.s32 s2, s18;
	s17 =	sshll.u32 s17, $0x4  }
0x27e: {  	[hbm4b:s18+s4] =	stream.linear.scatter [tilespmem:s10], [sflag:$0xA], $0x3800, $0x38;
	[tilespmem:$0x1E2E0] =	vst v63  }
0x27f: {  	s17 =	sadd.s32 s5, s17  }
0x280: {  	[tilespmem:s26], [sflag:$0x2] =	stream.linear.gather [hbm4b:s17+s4], $0x3800, $0x38;
	[tilespmem:$0x1E2E0] =	vst v63  }
0x281: {  	_ =	swait.ge [sflag:s9], $0x3800  }
0x282: {  	[sflag:s9] =	ssyncset.done $0x0  }
0x283: {  	s17 =	simm.s32 $0x92E0;
	[sflag:s9] =	ssyncadd.s32 $0xFFFFC800  }
0x284: {  	v8 =	vld [tilespmem:s17+$0xFFFFFE00];
	_ =	sdelay $0x3  }
0x285: {  	s16 =	simm.s32 $0x174E0  }
0x286: {  	[tilespmem:s16+$0xFFFFFE00] =	vst v8  }
0x287: {  	v8 =	vld [tilespmem:s17+$0xFFFFFE80];
	_ =	sdelay $0x4  }
0x288: {  	[tilespmem:s16+$0xFFFFFE80] =	vst v8  }
0x289: {  	v8 =	vld [tilespmem:s17+$0xFFFFFF00];
	_ =	sdelay $0x4  }
0x28a: {  	[tilespmem:s16+$0xFFFFFF00] =	vst v8  }
0x28b: {  	v8 =	vld [tilespmem:s17+$0xFFFFFF80];
	_ =	sdelay $0x4  }
0x28c: {  	[tilespmem:s16+$0xFFFFFF80] =	vst v8  }
0x28d: {  	v8 =	vld [tilespmem:s17+$0x0];
	_ =	sdelay $0x4  }
0x28e: {  	[tilespmem:s16+$0x0] =	vst v8  }
0x28f: {  	v8 =	vld [tilespmem:s17+$0x80];
	_ =	sdelay $0x4  }
0x290: {  	[tilespmem:s16+$0x80] =	vst v8  }
0x291: {  	v8 =	vld [tilespmem:s17+$0x100];
	_ =	sdelay $0x4  }
0x292: {  	[tilespmem:s16+$0x100] =	vst v8  }
0x293: {  	v8 =	vld [tilespmem:s17+$0x180];
	_ =	sdelay $0x4  }
0x294: {  	s18 =	simm.s32 $0x96E0;
	s17 =	simm.s32 $0x0;
	[tilespmem:s16+$0x180] =	vst v8  }
.LBB2_20:
0x295: {  	v8 =	vld [tilespmem:s18+$0xFFFFFE00];
	s17 =	sadd.s32 $0x8, s17  }
0x296: {  	p1 =	slt.u32 s17, $0x68;
	_ =	sdelay $0x2  }
0x297: {  	s16 =	sadd.s32 $0x400, s16  }
0x298: {  	[tilespmem:s16+$0xFFFFFE00] =	vst v8  }
0x299: {  	v8 =	vld [tilespmem:s18+$0xFFFFFE80];
	_ =	sdelay $0x4  }
0x29a: {  	[tilespmem:s16+$0xFFFFFE80] =	vst v8  }
0x29b: {  	v8 =	vld [tilespmem:s18+$0xFFFFFF00];
	_ =	sdelay $0x4  }
0x29c: {  	[tilespmem:s16+$0xFFFFFF00] =	vst v8  }
0x29d: {  	v8 =	vld [tilespmem:s18+$0xFFFFFF80];
	_ =	sdelay $0x4  }
0x29e: {  	[tilespmem:s16+$0xFFFFFF80] =	vst v8  }
0x29f: {  	v8 =	vld [tilespmem:s18+$0x0];
	_ =	sdelay $0x4  }
0x2a0: {  	[tilespmem:s16+$0x0] =	vst v8  }
0x2a1: {  	v8 =	vld [tilespmem:s18+$0x80];
	_ =	sdelay $0x4  }
0x2a2: {  	[tilespmem:s16+$0x80] =	vst v8  }
0x2a3: {  	v8 =	vld [tilespmem:s18+$0x100];
	_ =	sdelay $0x4  }
0x2a4: {  	[tilespmem:s16+$0x100] =	vst v8  }
0x2a5: {  	v8 =	vld [tilespmem:s18+$0x180]  }
.Ltmp9:
0x2a6: {  	(pc) =	sbr.rel @p1 .LBB2_20-.Ltmp9, $2  }
0x2a7: {  	_ =	sdelay $0x2  }
0x2a8: {  	s18 =	sadd.s32 $0x400, s18;
	[tilespmem:s16+$0x180] =	vst v8  }
0x2a9: {  	s16 =	rddreg [dreg:$0x14]  }
0x2aa: {  	[hbm4b:s16+s4] =	stream.linear.scatter [tilespmem:s13], [sflag:$0xB], $0x3800, $0x38;
	[tilespmem:$0x1E2E0] =	vst v63  }
0x2ab: {  	_ =	swait.ge [sflag:s24], $0x3800  }
0x2ac: {  	[sflag:s24] =	ssyncset.done $0x0  }
0x2ad: {  	s17 =	simm.s32 $0xCAE0;
	[sflag:s24] =	ssyncadd.s32 $0xFFFFC800  }
0x2ae: {  	v8 =	vld [tilespmem:s17+$0xFFFFFE00];
	_ =	sdelay $0x3  }
0x2af: {  	s16 =	simm.s32 $0x1ACE0  }
0x2b0: {  	[tilespmem:s16+$0xFFFFFE00] =	vst v8  }
0x2b1: {  	v8 =	vld [tilespmem:s17+$0xFFFFFE80];
	_ =	sdelay $0x4  }
0x2b2: {  	[tilespmem:s16+$0xFFFFFE80] =	vst v8  }
0x2b3: {  	v8 =	vld [tilespmem:s17+$0xFFFFFF00];
	_ =	sdelay $0x4  }
0x2b4: {  	[tilespmem:s16+$0xFFFFFF00] =	vst v8  }
0x2b5: {  	v8 =	vld [tilespmem:s17+$0xFFFFFF80];
	_ =	sdelay $0x4  }
0x2b6: {  	[tilespmem:s16+$0xFFFFFF80] =	vst v8  }
0x2b7: {  	v8 =	vld [tilespmem:s17+$0x0];
	_ =	sdelay $0x4  }
0x2b8: {  	[tilespmem:s16+$0x0] =	vst v8  }
0x2b9: {  	v8 =	vld [tilespmem:s17+$0x80];
	_ =	sdelay $0x4  }
0x2ba: {  	[tilespmem:s16+$0x80] =	vst v8  }
0x2bb: {  	v8 =	vld [tilespmem:s17+$0x100];
	_ =	sdelay $0x4  }
0x2bc: {  	[tilespmem:s16+$0x100] =	vst v8  }
0x2bd: {  	v8 =	vld [tilespmem:s17+$0x180];
	_ =	sdelay $0x4  }
0x2be: {  	s18 =	simm.s32 $0xCEE0;
	s17 =	simm.s32 $0x0;
	[tilespmem:s16+$0x180] =	vst v8  }
.LBB2_22:
0x2bf: {  	v8 =	vld [tilespmem:s18+$0xFFFFFE00];
	s17 =	sadd.s32 $0x8, s17  }
0x2c0: {  	p1 =	slt.u32 s17, $0x68;
	_ =	sdelay $0x2  }
0x2c1: {  	s16 =	sadd.s32 $0x400, s16  }
0x2c2: {  	[tilespmem:s16+$0xFFFFFE00] =	vst v8  }
0x2c3: {  	v8 =	vld [tilespmem:s18+$0xFFFFFE80];
	_ =	sdelay $0x4  }
0x2c4: {  	[tilespmem:s16+$0xFFFFFE80] =	vst v8  }
0x2c5: {  	v8 =	vld [tilespmem:s18+$0xFFFFFF00];
	_ =	sdelay $0x4  }
0x2c6: {  	[tilespmem:s16+$0xFFFFFF00] =	vst v8  }
0x2c7: {  	v8 =	vld [tilespmem:s18+$0xFFFFFF80];
	_ =	sdelay $0x4  }
0x2c8: {  	[tilespmem:s16+$0xFFFFFF80] =	vst v8  }
0x2c9: {  	v8 =	vld [tilespmem:s18+$0x0];
	_ =	sdelay $0x4  }
0x2ca: {  	[tilespmem:s16+$0x0] =	vst v8  }
0x2cb: {  	v8 =	vld [tilespmem:s18+$0x80];
	_ =	sdelay $0x4  }
0x2cc: {  	[tilespmem:s16+$0x80] =	vst v8  }
0x2cd: {  	v8 =	vld [tilespmem:s18+$0x100];
	_ =	sdelay $0x4  }
0x2ce: {  	[tilespmem:s16+$0x100] =	vst v8  }
0x2cf: {  	v8 =	vld [tilespmem:s18+$0x180]  }
.Ltmp10:
0x2d0: {  	(pc) =	sbr.rel @p1 .LBB2_22-.Ltmp10, $2  }
0x2d1: {  	_ =	sdelay $0x2  }
0x2d2: {  	s18 =	sadd.s32 $0x400, s18;
	[tilespmem:s16+$0x180] =	vst v8  }
0x2d3: {  	s16 =	rddreg [dreg:$0x15]  }
0x2d4: {  	[hbm4b:s16+s4] =	stream.linear.scatter [tilespmem:s6], [sflag:$0xC], $0x3800, $0x38;
	[tilespmem:$0x1E2E0] =	vst v63  }
0x2d5: {  	_ =	swait.ge [sflag:s0], $0x3800  }
0x2d6: {  	[sflag:s0] =	ssyncset.done $0x0  }
0x2d7: {  	[sflag:s0] =	ssyncadd.s32 $0xFFFFC800  }
0x2d8: {  	_ =	swait.ge [sflag:s12], $0x3800  }
0x2d9: {  	[sflag:s12] =	ssyncset.done $0x0  }
0x2da: {  	[sflag:s12] =	ssyncadd.s32 $0xFFFFC800  }
0x2db: {  	_ =	swait.ge [sflag:s14], $0x3800  }
0x2dc: {  	[sflag:s14] =	ssyncset.done $0x0  }
0x2dd: {  	[sflag:s14] =	ssyncadd.s32 $0xFFFFC800  }
0x2de: {  	_ =	swait.ge [sflag:s15], $0x3800  }
0x2df: {  	[sflag:s15] =	ssyncset.done $0x0  }
0x2e0: {  	[sflag:s15] =	ssyncadd.s32 $0xFFFFC800  }
0x2e1: {  	_ =	swait.ge [sflag:s1], $0x3800  }
0x2e2: {  	[sflag:s1] =	ssyncset.done $0x0  }
0x2e3: {  	[sflag:s1] =	ssyncadd.s32 $0xFFFFC800  }
0x2e4: {  	_ =	swait.ge [sflag:s8], $0x3800  }
0x2e5: {  	s17 =	rddreg [dreg:$0x17]  }
0x2e6: {  	s20 =	rddreg [dreg:$0x16];
	s17 =	sadd.s32 $0x1, s17  }
0x2e7: {  	p1 =	sne.s32 s17, s20  }
.Ltmp11:
0x2e8: {  	_ = 	snop;
	(pc) =	sbr.rel @p1 .LBB2_1-.Ltmp11, $3  }
0x2e9: {  	_ =	sdelay $0x1  }
0x2ea: {  	[sflag:s8] =	ssyncset.done $0x0  }
0x2eb: {  	[sflag:s8] =	ssyncadd.s32 $0xFFFFC800  }
0x2ec: {  	_ =	sfence.sel $0x180000  }
0x2ed: {  	[bflag:$0x0] =	sbarrier.arrive $0xFFFF  }
0x2ee: {  	_ =	strace $0x90000047  }
0x2ef: {  	[bflag:$0x2] =	sbarrier.arrive $0xFFFF  }
0x2f0: {  	s0 =	rddreg [dreg:$0x4]  }
0x2f1: {  	s0 =	sadd.s32 @!p0 $0x100000, s0  }
0x2f2: {  	[sflag:s0] =	ssyncadd.tile.s32 @!p0 $0x1;
	_ =	shalt  }
.Lfunc_end2:
_tile_overlayer_lowered:
.L_overlay_start_2:
0x2f3: {  	(tag) =	ssettag $0x2  }
0x2f4: {  	s0 =	rddreg [dreg:$0x0];
	s2 =	stileid.u32  }
0x2f5: {  	s1 =	rddreg [dreg:$0x1];
	p0 =	sne.s32 s2, $0x0  }
0x2f6: {  	s3 =	rddreg [dreg:$0x2];
	[bflag:$0x3] =	sbarrier.arrive $0xFFFF;
	s2 =	simm.s32 @!p0 $0x1C0D  }
0x2f7: {  	[timem:s3], [sflag:s2] =	dma.local @!p0 [hbm:s0], s1  }
0x2f8: {  	s0 =	simm.s32 @!p0 $0xD  }
0x2f9: {  	_ =	swait.ge @!p0 [sflag:s0], s1  }
0x2fa: {  	s1 =	ssub.s32 @!p0 $0x0, s1;
	[sflag:s0] =	ssyncset.done @!p0 $0x0  }
0x2fb: {  	[sflag:s0] =	ssyncadd.s32 @!p0 s1  }
0x2fc: {  	[bflag:$0x3] =	sbarrier.arrive $0xFFFF  }
0x2fd: {  	_ =	shalt  }

</sc_bundles>
